<compile_context>
chip_gen: v7x
topology: tpu7x:2x2x1
jax: 0.10.2.dev20260603
libtpu: 0.0.44.dev20260713+nightly
codegen_flags: <defaults>
</compile_context>

<pallas_src>
import functools

import jax
import jax.numpy as jnp
from jax import lax
from jax.experimental import pallas as pl
from jax.experimental.pallas import tpu as pltpu
from jax.experimental.pallas import tpu_sc as plsc

N = 10000
D = 128
C = 16
E = 320000
NC, NS = 2, 16
NW = NC * NS
EPT = 10240
EPAD = NW * EPT - E
K = 128
CH = EPT // K
NPASS = 2
PCH = CH // NPASS
NP = 10240
RPT = NP // NS
NDP = 10240
DPT = NDP // NS

BR = 10000

_mesh = plsc.VectorSubcoreMesh(core_axis_name="c", subcore_axis_name="s")



@functools.partial(
    pl.kernel,
    mesh=_mesh,
    out_type=jax.ShapeDtypeStruct((NC, NDP), jnp.float32),
    scratch_types=[
        pltpu.VMEM_SHARED((NDP,), jnp.float32),
        pltpu.VMEM((NPASS, PCH, K), jnp.int32),
        pltpu.VMEM((DPT,), jnp.float32),
        pltpu.VMEM((K,), jnp.float32),
    ],
)
def _sc_degree(dst_hbm, out_hbm, acc, dst_l, zbuf, ones_l):
    cid = lax.axis_index("c")
    sid = lax.axis_index("s")
    wid = cid * NS + sid
    for i in range(DPT // 16):
        zbuf[pl.ds(i * 16, 16)] = jnp.zeros((16,), jnp.float32)
    for i in range(K // 16):
        ones_l[pl.ds(i * 16, 16)] = jnp.ones((16,), jnp.float32)
    pltpu.sync_copy(zbuf, acc.at[pl.ds(sid * DPT, DPT)])
    pltpu.sync_copy(dst_hbm.at[wid], dst_l)
    plsc.subcore_barrier()

    for pa in range(NPASS):
        def step(j, carry):
            pltpu.sync_copy(ones_l, acc.at[dst_l.at[pa, j]], add=True)
            return carry

        lax.fori_loop(0, PCH, step, 0)
    plsc.subcore_barrier()
    pltpu.sync_copy(acc.at[pl.ds(sid * DPT, DPT)],
                    out_hbm.at[cid, pl.ds(sid * DPT, DPT)])


@functools.partial(
    pl.kernel,
    mesh=_mesh,
    out_type=jax.ShapeDtypeStruct((NC, NP, D), jnp.float32),
    scratch_types=[
        pltpu.VMEM_SHARED((NP, D), jnp.float32),
        pltpu.VMEM((PCH, K), jnp.int32),
        pltpu.VMEM((PCH, K), jnp.int32),
        pltpu.VMEM((K, D), jnp.float32),
        pltpu.VMEM((K, D), jnp.float32),
        pltpu.SemaphoreType.DMA,
        pltpu.SemaphoreType.DMA,
    ],
)
def _sc_gather_scatter(table_hbm, src_hbm, dst_hbm, out_hbm,
                       acc, src_l, dst_l, rows_a, rows_b, sem_a, sem_b):
    cid = lax.axis_index("c")
    sid = lax.axis_index("s")
    wid = cid * NS + sid

    def zfill(i, carry):
        for c in range(D // 16):
            rows_a[i, pl.ds(c * 16, 16)] = jnp.zeros((16,), jnp.float32)
        return carry

    lax.fori_loop(0, K, zfill, 0)
    for k in range(RPT // K):
        pltpu.sync_copy(rows_a, acc.at[pl.ds(sid * RPT + k * K, K)])
    pltpu.sync_copy(src_hbm.at[wid, 0], src_l)
    pltpu.sync_copy(dst_hbm.at[wid, 0], dst_l)
    pltpu.async_copy(table_hbm.at[src_l.at[0]], rows_a, sem_a)
    pltpu.async_copy(table_hbm.at[src_l.at[1]], rows_b, sem_b)
    plsc.subcore_barrier()

    for pa in range(NPASS):
        if pa > 0:
            pltpu.sync_copy(src_hbm.at[wid, pa], src_l)
            pltpu.sync_copy(dst_hbm.at[wid, pa], dst_l)
            pltpu.async_copy(table_hbm.at[src_l.at[0]], rows_a, sem_a)
            pltpu.async_copy(table_hbm.at[src_l.at[1]], rows_b, sem_b)

        def step(p, carry):
            j = 2 * p
            pltpu.make_async_copy(table_hbm.at[src_l.at[j]], rows_a, sem_a).wait()
            pltpu.sync_copy(rows_a, acc.at[dst_l.at[j]], add=True)
            pltpu.async_copy(table_hbm.at[src_l.at[j + 2]], rows_a, sem_a)
            pltpu.make_async_copy(table_hbm.at[src_l.at[j + 1]], rows_b, sem_b).wait()
            pltpu.sync_copy(rows_b, acc.at[dst_l.at[j + 1]], add=True)
            pltpu.async_copy(table_hbm.at[src_l.at[j + 3]], rows_b, sem_b)
            return carry

        lax.fori_loop(0, PCH // 2 - 1, step, 0)
        pltpu.make_async_copy(table_hbm.at[src_l.at[PCH - 2]], rows_a, sem_a).wait()
        pltpu.sync_copy(rows_a, acc.at[dst_l.at[PCH - 2]], add=True)
        pltpu.make_async_copy(table_hbm.at[src_l.at[PCH - 1]], rows_b, sem_b).wait()
        pltpu.sync_copy(rows_b, acc.at[dst_l.at[PCH - 1]], add=True)
    plsc.subcore_barrier()
    pltpu.sync_copy(acc.at[pl.ds(sid * RPT, RPT)],
                    out_hbm.at[cid, pl.ds(sid * RPT, RPT)])



def _tc_pre_body(x_ref, w_ref, d0_ref, d1_ref, hwp_ref, dinv_ref):
    deg = d0_ref[...] + d1_ref[...] + 1.0
    dinv = lax.rsqrt(deg)
    hw = jnp.dot(x_ref[...], w_ref[...], preferred_element_type=jnp.float32)
    hwp_ref[...] = hw * dinv
    dinv_ref[...] = dinv


def _tc_layer_body(s0_ref, s1_ref, hwp_ref, dinv_ref, b_ref, w_ref, out_ref):
    dinv = dinv_ref[...]
    s = s0_ref[...].reshape(BR, D) + s1_ref[...].reshape(BR, D)
    h = jnp.maximum(dinv * (s + hwp_ref[...]) + b_ref[...], 0.0)
    out_ref[...] = jnp.dot(h, w_ref[...], preferred_element_type=jnp.float32) * dinv


def _tc_final_body(s0_ref, s1_ref, hwp_ref, dinv_ref, b_ref, wfc_ref, bfc_ref,
                   h_ref, y_ref):
    dinv = dinv_ref[...]
    s = s0_ref[...].reshape(BR, D) + s1_ref[...].reshape(BR, D)
    h = jnp.maximum(dinv * (s + hwp_ref[...]) + b_ref[...], 0.0)
    h_ref[...] = h
    logits = jnp.dot(h, wfc_ref[...], preferred_element_type=jnp.float32) + bfc_ref[...]
    m = jnp.max(logits, axis=-1, keepdims=True)
    e = jnp.exp(logits - m)
    y_ref[...] = e / jnp.sum(e, axis=-1, keepdims=True)


_GRID = (N // BR,)
_row = lambda i: (i, 0)
_fix = lambda i: (0, 0)

_tc_pre = pl.pallas_call(
    _tc_pre_body,
    grid=_GRID,
    in_specs=[
        pl.BlockSpec((BR, D), _row),
        pl.BlockSpec((D, D), _fix),
        pl.BlockSpec((BR, 1), _row),
        pl.BlockSpec((BR, 1), _row),
    ],
    out_specs=[pl.BlockSpec((BR, D), _row), pl.BlockSpec((BR, 1), _row)],
    out_shape=[
        jax.ShapeDtypeStruct((N, D), jnp.float32),
        jax.ShapeDtypeStruct((N, 1), jnp.float32),
    ],
)

_tc_layer = pl.pallas_call(
    _tc_layer_body,
    grid=_GRID,
    in_specs=[
        pl.BlockSpec((1, BR, D), lambda i: (0, i, 0)),
        pl.BlockSpec((1, BR, D), lambda i: (1, i, 0)),
        pl.BlockSpec((BR, D), _row),
        pl.BlockSpec((BR, 1), _row),
        pl.BlockSpec((1, D), _fix),
        pl.BlockSpec((D, D), _fix),
    ],
    out_specs=pl.BlockSpec((BR, D), _row),
    out_shape=jax.ShapeDtypeStruct((N, D), jnp.float32),
)

_tc_final = pl.pallas_call(
    _tc_final_body,
    grid=_GRID,
    in_specs=[
        pl.BlockSpec((1, BR, D), lambda i: (0, i, 0)),
        pl.BlockSpec((1, BR, D), lambda i: (1, i, 0)),
        pl.BlockSpec((BR, D), _row),
        pl.BlockSpec((BR, 1), _row),
        pl.BlockSpec((1, D), _fix),
        pl.BlockSpec((D, C), _fix),
        pl.BlockSpec((1, C), _fix),
    ],
    out_specs=[pl.BlockSpec((BR, D), _row), pl.BlockSpec((BR, C), _row)],
    out_shape=[
        jax.ShapeDtypeStruct((N, D), jnp.float32),
        jax.ShapeDtypeStruct((N, C), jnp.float32),
    ],
)


def kernel(x, edge_index, W1, b1, W2, b2, Wfc, bfc):
    pad = jnp.arange(EPAD, dtype=jnp.int32) % (NP - N)
    src = jnp.concatenate([edge_index[0], pad]).reshape(NW, NPASS, PCH, K)
    dst = jnp.concatenate([edge_index[1], N + pad]).reshape(NW, NPASS, PCH, K)
    degp = _sc_degree(dst)
    d0 = degp[0].reshape(NDP, 1)
    d1 = degp[1].reshape(NDP, 1)
    hwp1, dinv = _tc_pre(x, W1, d0, d1)
    s1 = _sc_gather_scatter(hwp1, src, dst)
    hwp2 = _tc_layer(s1, s1, hwp1, dinv, b1.reshape(1, D), W2)
    s2 = _sc_gather_scatter(hwp2, src, dst)
    h, y = _tc_final(s2, s2, hwp2, dinv, b2.reshape(1, D), Wfc, bfc.reshape(1, C))
    return (h, y)

# --- scband reference (transcript-rebuilt; emitter-appended) ---
"""Pipeline reference for scband-gcnfeatures-88244398064244 (READ-ONLY COPY).

The authoritative reference and input builder live on the scoring server;
editing this copy changes nothing except your own understanding.
"""

import jax, jax.numpy as jnp
import numpy as np

N = 10000
E = 320000
D = 128
C = 16


def setup_inputs(seed: int = 0) -> dict:
    key = jax.random.key(seed)
    ks = jax.random.split(key, 8)
    x = jax.random.normal(ks[0], (N, D), dtype=jnp.float32)
    edge_index = jax.random.randint(ks[1], (2, E), 0, N, dtype=jnp.int32)
    W1 = jax.random.normal(ks[2], (D, D), dtype=jnp.float32) * 0.05
    b1 = jnp.zeros((D,), dtype=jnp.float32)
    W2 = jax.random.normal(ks[3], (D, D), dtype=jnp.float32) * 0.05
    b2 = jnp.zeros((D,), dtype=jnp.float32)
    Wfc = jax.random.normal(ks[4], (D, C), dtype=jnp.float32) * 0.05
    bfc = jnp.zeros((C,), dtype=jnp.float32)
    return {"x": x, "edge_index": edge_index, "W1": W1, "b1": b1, "W2": W2, "b2": b2, "Wfc": Wfc, "bfc": bfc}


def _gcn_norm(edge_index, num_nodes, dtype):
    # add self loops (PyG GCNConv default) and compute sym-normalized edge weights
    loop = jnp.arange(num_nodes, dtype=edge_index.dtype)
    src = jnp.concatenate([edge_index[0], loop])
    dst = jnp.concatenate([edge_index[1], loop])
    deg = jnp.zeros((num_nodes,), dtype=dtype).at[dst].add(1.0)
    dinv = jax.lax.rsqrt(jnp.maximum(deg, 1.0))
    norm = dinv[src] * dinv[dst]
    return src, dst, norm


def reference(x, edge_index, W1, b1, W2, b2, Wfc, bfc):
    num_nodes = x.shape[0]
    src, dst, norm = _gcn_norm(edge_index, num_nodes, x.dtype)
    h = x
    for W, b in ((W1, b1), (W2, b2)):
        hw = h @ W                                   # dense transform
        msg = hw[src] * norm[:, None]                # gather + scale
        agg = jnp.zeros_like(hw).at[dst].add(msg)    # scatter-add
        h = jax.nn.relu(agg + b)                     # GCNConv bias + ReLU (F.relu in wrapper)
    logits = h @ Wfc + bfc
    y = jax.nn.softmax(logits, axis=-1)              # F.softmax (implicit last dim)
    return (h, y)

if __name__ == "__main__":
    import jax
    _d = setup_inputs()
    print(jax.jit(kernel)(*tuple(_d.values())))

</pallas_src>

<mosaic_0001>
#map = affine_map<(d0, d1) -> (0, 0, 0, 0)>
#map1 = affine_map<(d0, d1) -> (0, 0)>
module attributes {stable_mosaic.version = 14 : i64} {
  func.func @_sc_degree(%arg0: i32, %arg1: i32, %arg2: memref<32x2x40x128xi32, #tpu.memory_space<hbm>>, %arg3: memref<2x10240xf32, #tpu.memory_space<hbm>>, %arg4: memref<10240xf32, #tpu.memory_space<vmem_shared>>, %arg5: memref<2x40x128xi32, #tpu.memory_space<vmem>>, %arg6: memref<640xf32, #tpu.memory_space<vmem>>, %arg7: memref<128xf32, #tpu.memory_space<vmem>>) attributes {dimension_semantics = [#tpu.dimension_semantics<core_parallel>, #tpu.dimension_semantics<subcore_parallel>], iteration_bounds = array<i64: 2, 16>, scalar_prefetch = 0 : i64, scratch_operands = 4 : i64, tpu.core_type = #tpu.core_type<sc_vector_subcore>, window_params = [{transform_indices = #map}, {transform_indices = #map1}]} {
    %mul3A = arith.constant 16 : i32
    %mul3A_0 = arith.muli %arg0, %mul3A : i32
    %add3A = arith.addi %mul3A_0, %arg1 : i32
    %broadcast_in_dim3A = arith.constant 0.000000e+00 : f32
    %broadcast_in_dim3A_1 = vector.broadcast %broadcast_in_dim3A : f32 to vector<16xf32>
    %swap3A = arith.constant 0 : index
    %swap3A_2 = tpu.vector_load %arg6[%swap3A] {strides = array<i32>} : memref<640xf32, #tpu.memory_space<vmem>>, vector<16xf32>,
    %swap3A_3 = vector.shape_cast %swap3A_2 : vector<16xf32> to vector<16xf32>
    %swap3A_4 = vector.shape_cast %broadcast_in_dim3A_1 : vector<16xf32> to vector<16xf32>
    tpu.vector_store %arg6[%swap3A], %swap3A_4 {strides = array<i32>} : memref<640xf32, #tpu.memory_space<vmem>>, vector<16xf32>,
    %broadcast_in_dim3A_5 = arith.constant 0.000000e+00 : f32
    %broadcast_in_dim3A_6 = vector.broadcast %broadcast_in_dim3A_5 : f32 to vector<16xf32>
    %swap3A_7 = arith.constant 16 : index
    %swap3A_8 = tpu.vector_load %arg6[%swap3A_7] {strides = array<i32>} : memref<640xf32, #tpu.memory_space<vmem>>, vector<16xf32>,
    %swap3A_9 = vector.shape_cast %swap3A_8 : vector<16xf32> to vector<16xf32>
    %swap3A_10 = vector.shape_cast %broadcast_in_dim3A_6 : vector<16xf32> to vector<16xf32>
    tpu.vector_store %arg6[%swap3A_7], %swap3A_10 {strides = array<i32>} : memref<640xf32, #tpu.memory_space<vmem>>, vector<16xf32>,
    %broadcast_in_dim3A_11 = arith.constant 0.000000e+00 : f32
    %broadcast_in_dim3A_12 = vector.broadcast %broadcast_in_dim3A_11 : f32 to vector<16xf32>
    %swap3A_13 = arith.constant 32 : index
    %swap3A_14 = tpu.vector_load %arg6[%swap3A_13] {strides = array<i32>} : memref<640xf32, #tpu.memory_space<vmem>>, vector<16xf32>,
    %swap3A_15 = vector.shape_cast %swap3A_14 : vector<16xf32> to vector<16xf32>
    %swap3A_16 = vector.shape_cast %broadcast_in_dim3A_12 : vector<16xf32> to vector<16xf32>
    tpu.vector_store %arg6[%swap3A_13], %swap3A_16 {strides = array<i32>} : memref<640xf32, #tpu.memory_space<vmem>>, vector<16xf32>,
    %broadcast_in_dim3A_17 = arith.constant 0.000000e+00 : f32
    %broadcast_in_dim3A_18 = vector.broadcast %broadcast_in_dim3A_17 : f32 to vector<16xf32>
    %swap3A_19 = arith.constant 48 : index
    %swap3A_20 = tpu.vector_load %arg6[%swap3A_19] {strides = array<i32>} : memref<640xf32, #tpu.memory_space<vmem>>, vector<16xf32>,
    %swap3A_21 = vector.shape_cast %swap3A_20 : vector<16xf32> to vector<16xf32>
    %swap3A_22 = vector.shape_cast %broadcast_in_dim3A_18 : vector<16xf32> to vector<16xf32>
    tpu.vector_store %arg6[%swap3A_19], %swap3A_22 {strides = array<i32>} : memref<640xf32, #tpu.memory_space<vmem>>, vector<16xf32>,
    %broadcast_in_dim3A_23 = arith.constant 0.000000e+00 : f32
    %broadcast_in_dim3A_24 = vector.broadcast %broadcast_in_dim3A_23 : f32 to vector<16xf32>
    %swap3A_25 = arith.constant 64 : index
    %swap3A_26 = tpu.vector_load %arg6[%swap3A_25] {strides = array<i32>} : memref<640xf32, #tpu.memory_space<vmem>>, vector<16xf32>,
    %swap3A_27 = vector.shape_cast %swap3A_26 : vector<16xf32> to vector<16xf32>
    %swap3A_28 = vector.shape_cast %broadcast_in_dim3A_24 : vector<16xf32> to vector<16xf32>
    tpu.vector_store %arg6[%swap3A_25], %swap3A_28 {strides = array<i32>} : memref<640xf32, #tpu.memory_space<vmem>>, vector<16xf32>,
    %broadcast_in_dim3A_29 = arith.constant 0.000000e+00 : f32
    %broadcast_in_dim3A_30 = vector.broadcast %broadcast_in_dim3A_29 : f32 to vector<16xf32>
    %swap3A_31 = arith.constant 80 : index
    %swap3A_32 = tpu.vector_load %arg6[%swap3A_31] {strides = array<i32>} : memref<640xf32, #tpu.memory_space<vmem>>, vector<16xf32>,
    %swap3A_33 = vector.shape_cast %swap3A_32 : vector<16xf32> to vector<16xf32>
    %swap3A_34 = vector.shape_cast %broadcast_in_dim3A_30 : vector<16xf32> to vector<16xf32>
    tpu.vector_store %arg6[%swap3A_31], %swap3A_34 {strides = array<i32>} : memref<640xf32, #tpu.memory_space<vmem>>, vector<16xf32>,
    %broadcast_in_dim3A_35 = arith.constant 0.000000e+00 : f32
    %broadcast_in_dim3A_36 = vector.broadcast %broadcast_in_dim3A_35 : f32 to vector<16xf32>
    %swap3A_37 = arith.constant 96 : index
    %swap3A_38 = tpu.vector_load %arg6[%swap3A_37] {strides = array<i32>} : memref<640xf32, #tpu.memory_space<vmem>>, vector<16xf32>,
    %swap3A_39 = vector.shape_cast %swap3A_38 : vector<16xf32> to vector<16xf32>
    %swap3A_40 = vector.shape_cast %broadcast_in_dim3A_36 : vector<16xf32> to vector<16xf32>
    tpu.vector_store %arg6[%swap3A_37], %swap3A_40 {strides = array<i32>} : memref<640xf32, #tpu.memory_space<vmem>>, vector<16xf32>,
    %broadcast_in_dim3A_41 = arith.constant 0.000000e+00 : f32
    %broadcast_in_dim3A_42 = vector.broadcast %broadcast_in_dim3A_41 : f32 to vector<16xf32>
    %swap3A_43 = arith.constant 112 : index
    %swap3A_44 = tpu.vector_load %arg6[%swap3A_43] {strides = array<i32>} : memref<640xf32, #tpu.memory_space<vmem>>, vector<16xf32>,
    %swap3A_45 = vector.shape_cast %swap3A_44 : vector<16xf32> to vector<16xf32>
    %swap3A_46 = vector.shape_cast %broadcast_in_dim3A_42 : vector<16xf32> to vector<16xf32>
    tpu.vector_store %arg6[%swap3A_43], %swap3A_46 {strides = array<i32>} : memref<640xf32, #tpu.memory_space<vmem>>, vector<16xf32>,
    %broadcast_in_dim3A_47 = arith.constant 0.000000e+00 : f32
    %broadcast_in_dim3A_48 = vector.broadcast %broadcast_in_dim3A_47 : f32 to vector<16xf32>
    %swap3A_49 = arith.constant 128 : index
    %swap3A_50 = tpu.vector_load %arg6[%swap3A_49] {strides = array<i32>} : memref<640xf32, #tpu.memory_space<vmem>>, vector<16xf32>,
    %swap3A_51 = vector.shape_cast %swap3A_50 : vector<16xf32> to vector<16xf32>
    %swap3A_52 = vector.shape_cast %broadcast_in_dim3A_48 : vector<16xf32> to vector<16xf32>
    tpu.vector_store %arg6[%swap3A_49], %swap3A_52 {strides = array<i32>} : memref<640xf32, #tpu.memory_space<vmem>>, vector<16xf32>,
    %broadcast_in_dim3A_53 = arith.constant 0.000000e+00 : f32
    %broadcast_in_dim3A_54 = vector.broadcast %broadcast_in_dim3A_53 : f32 to vector<16xf32>
    %swap3A_55 = arith.constant 144 : index
    %swap3A_56 = tpu.vector_load %arg6[%swap3A_55] {strides = array<i32>} : memref<640xf32, #tpu.memory_space<vmem>>, vector<16xf32>,
    %swap3A_57 = vector.shape_cast %swap3A_56 : vector<16xf32> to vector<16xf32>
    %swap3A_58 = vector.shape_cast %broadcast_in_dim3A_54 : vector<16xf32> to vector<16xf32>
    tpu.vector_store %arg6[%swap3A_55], %swap3A_58 {strides = array<i32>} : memref<640xf32, #tpu.memory_space<vmem>>, vector<16xf32>,
    %broadcast_in_dim3A_59 = arith.constant 0.000000e+00 : f32
    %broadcast_in_dim3A_60 = vector.broadcast %broadcast_in_dim3A_59 : f32 to vector<16xf32>
    %swap3A_61 = arith.constant 160 : index
    %swap3A_62 = tpu.vector_load %arg6[%swap3A_61] {strides = array<i32>} : memref<640xf32, #tpu.memory_space<vmem>>, vector<16xf32>,
    %swap3A_63 = vector.shape_cast %swap3A_62 : vector<16xf32> to vector<16xf32>
    %swap3A_64 = vector.shape_cast %broadcast_in_dim3A_60 : vector<16xf32> to vector<16xf32>
    tpu.vector_store %arg6[%swap3A_61], %swap3A_64 {strides = array<i32>} : memref<640xf32, #tpu.memory_space<vmem>>, vector<16xf32>,
    %broadcast_in_dim3A_65 = arith.constant 0.000000e+00 : f32
    %broadcast_in_dim3A_66 = vector.broadcast %broadcast_in_dim3A_65 : f32 to vector<16xf32>
    %swap3A_67 = arith.constant 176 : index
    %swap3A_68 = tpu.vector_load %arg6[%swap3A_67] {strides = array<i32>} : memref<640xf32, #tpu.memory_space<vmem>>, vector<16xf32>,
    %swap3A_69 = vector.shape_cast %swap3A_68 : vector<16xf32> to vector<16xf32>
    %swap3A_70 = vector.shape_cast %broadcast_in_dim3A_66 : vector<16xf32> to vector<16xf32>
    tpu.vector_store %arg6[%swap3A_67], %swap3A_70 {strides = array<i32>} : memref<640xf32, #tpu.memory_space<vmem>>, vector<16xf32>,
    %broadcast_in_dim3A_71 = arith.constant 0.000000e+00 : f32
    %broadcast_in_dim3A_72 = vector.broadcast %broadcast_in_dim3A_71 : f32 to vector<16xf32>
    %swap3A_73 = arith.constant 192 : index
    %swap3A_74 = tpu.vector_load %arg6[%swap3A_73] {strides = array<i32>} : memref<640xf32, #tpu.memory_space<vmem>>, vector<16xf32>,
    %swap3A_75 = vector.shape_cast %swap3A_74 : vector<16xf32> to vector<16xf32>
    %swap3A_76 = vector.shape_cast %broadcast_in_dim3A_72 : vector<16xf32> to vector<16xf32>
    tpu.vector_store %arg6[%swap3A_73], %swap3A_76 {strides = array<i32>} : memref<640xf32, #tpu.memory_space<vmem>>, vector<16xf32>,
    %broadcast_in_dim3A_77 = arith.constant 0.000000e+00 : f32
    %broadcast_in_dim3A_78 = vector.broadcast %broadcast_in_dim3A_77 : f32 to vector<16xf32>
    %swap3A_79 = arith.constant 208 : index
    %swap3A_80 = tpu.vector_load %arg6[%swap3A_79] {strides = array<i32>} : memref<640xf32, #tpu.memory_space<vmem>>, vector<16xf32>,
    %swap3A_81 = vector.shape_cast %swap3A_80 : vector<16xf32> to vector<16xf32>
    %swap3A_82 = vector.shape_cast %broadcast_in_dim3A_78 : vector<16xf32> to vector<16xf32>
    tpu.vector_store %arg6[%swap3A_79], %swap3A_82 {strides = array<i32>} : memref<640xf32, #tpu.memory_space<vmem>>, vector<16xf32>,
    %broadcast_in_dim3A_83 = arith.constant 0.000000e+00 : f32
    %broadcast_in_dim3A_84 = vector.broadcast %broadcast_in_dim3A_83 : f32 to vector<16xf32>
    %swap3A_85 = arith.constant 224 : index
    %swap3A_86 = tpu.vector_load %arg6[%swap3A_85] {strides = array<i32>} : memref<640xf32, #tpu.memory_space<vmem>>, vector<16xf32>,
    %swap3A_87 = vector.shape_cast %swap3A_86 : vector<16xf32> to vector<16xf32>
    %swap3A_88 = vector.shape_cast %broadcast_in_dim3A_84 : vector<16xf32> to vector<16xf32>
    tpu.vector_store %arg6[%swap3A_85], %swap3A_88 {strides = array<i32>} : memref<640xf32, #tpu.memory_space<vmem>>, vector<16xf32>,
    %broadcast_in_dim3A_89 = arith.constant 0.000000e+00 : f32
    %broadcast_in_dim3A_90 = vector.broadcast %broadcast_in_dim3A_89 : f32 to vector<16xf32>
    %swap3A_91 = arith.constant 240 : index
    %swap3A_92 = tpu.vector_load %arg6[%swap3A_91] {strides = array<i32>} : memref<640xf32, #tpu.memory_space<vmem>>, vector<16xf32>,
    %swap3A_93 = vector.shape_cast %swap3A_92 : vector<16xf32> to vector<16xf32>
    %swap3A_94 = vector.shape_cast %broadcast_in_dim3A_90 : vector<16xf32> to vector<16xf32>
    tpu.vector_store %arg6[%swap3A_91], %swap3A_94 {strides = array<i32>} : memref<640xf32, #tpu.memory_space<vmem>>, vector<16xf32>,
    %broadcast_in_dim3A_95 = arith.constant 0.000000e+00 : f32
    %broadcast_in_dim3A_96 = vector.broadcast %broadcast_in_dim3A_95 : f32 to vector<16xf32>
    %swap3A_97 = arith.constant 256 : index
    %swap3A_98 = tpu.vector_load %arg6[%swap3A_97] {strides = array<i32>} : memref<640xf32, #tpu.memory_space<vmem>>, vector<16xf32>,
    %swap3A_99 = vector.shape_cast %swap3A_98 : vector<16xf32> to vector<16xf32>
    %swap3A_100 = vector.shape_cast %broadcast_in_dim3A_96 : vector<16xf32> to vector<16xf32>
    tpu.vector_store %arg6[%swap3A_97], %swap3A_100 {strides = array<i32>} : memref<640xf32, #tpu.memory_space<vmem>>, vector<16xf32>,
    %broadcast_in_dim3A_101 = arith.constant 0.000000e+00 : f32
    %broadcast_in_dim3A_102 = vector.broadcast %broadcast_in_dim3A_101 : f32 to vector<16xf32>
    %swap3A_103 = arith.constant 272 : index
    %swap3A_104 = tpu.vector_load %arg6[%swap3A_103] {strides = array<i32>} : memref<640xf32, #tpu.memory_space<vmem>>, vector<16xf32>,
    %swap3A_105 = vector.shape_cast %swap3A_104 : vector<16xf32> to vector<16xf32>
    %swap3A_106 = vector.shape_cast %broadcast_in_dim3A_102 : vector<16xf32> to vector<16xf32>
    tpu.vector_store %arg6[%swap3A_103], %swap3A_106 {strides = array<i32>} : memref<640xf32, #tpu.memory_space<vmem>>, vector<16xf32>,
    %broadcast_in_dim3A_107 = arith.constant 0.000000e+00 : f32
    %broadcast_in_dim3A_108 = vector.broadcast %broadcast_in_dim3A_107 : f32 to vector<16xf32>
    %swap3A_109 = arith.constant 288 : index
    %swap3A_110 = tpu.vector_load %arg6[%swap3A_109] {strides = array<i32>} : memref<640xf32, #tpu.memory_space<vmem>>, vector<16xf32>,
    %swap3A_111 = vector.shape_cast %swap3A_110 : vector<16xf32> to vector<16xf32>
    %swap3A_112 = vector.shape_cast %broadcast_in_dim3A_108 : vector<16xf32> to vector<16xf32>
    tpu.vector_store %arg6[%swap3A_109], %swap3A_112 {strides = array<i32>} : memref<640xf32, #tpu.memory_space<vmem>>, vector<16xf32>,
    %broadcast_in_dim3A_113 = arith.constant 0.000000e+00 : f32
    %broadcast_in_dim3A_114 = vector.broadcast %broadcast_in_dim3A_113 : f32 to vector<16xf32>
    %swap3A_115 = arith.constant 304 : index
    %swap3A_116 = tpu.vector_load %arg6[%swap3A_115] {strides = array<i32>} : memref<640xf32, #tpu.memory_space<vmem>>, vector<16xf32>,
    %swap3A_117 = vector.shape_cast %swap3A_116 : vector<16xf32> to vector<16xf32>
    %swap3A_118 = vector.shape_cast %broadcast_in_dim3A_114 : vector<16xf32> to vector<16xf32>
    tpu.vector_store %arg6[%swap3A_115], %swap3A_118 {strides = array<i32>} : memref<640xf32, #tpu.memory_space<vmem>>, vector<16xf32>,
    %broadcast_in_dim3A_119 = arith.constant 0.000000e+00 : f32
    %broadcast_in_dim3A_120 = vector.broadcast %broadcast_in_dim3A_119 : f32 to vector<16xf32>
    %swap3A_121 = arith.constant 320 : index
    %swap3A_122 = tpu.vector_load %arg6[%swap3A_121] {strides = array<i32>} : memref<640xf32, #tpu.memory_space<vmem>>, vector<16xf32>,
    %swap3A_123 = vector.shape_cast %swap3A_122 : vector<16xf32> to vector<16xf32>
    %swap3A_124 = vector.shape_cast %broadcast_in_dim3A_120 : vector<16xf32> to vector<16xf32>
    tpu.vector_store %arg6[%swap3A_121], %swap3A_124 {strides = array<i32>} : memref<640xf32, #tpu.memory_space<vmem>>, vector<16xf32>,
    %broadcast_in_dim3A_125 = arith.constant 0.000000e+00 : f32
    %broadcast_in_dim3A_126 = vector.broadcast %broadcast_in_dim3A_125 : f32 to vector<16xf32>
    %swap3A_127 = arith.constant 336 : index
    %swap3A_128 = tpu.vector_load %arg6[%swap3A_127] {strides = array<i32>} : memref<640xf32, #tpu.memory_space<vmem>>, vector<16xf32>,
    %swap3A_129 = vector.shape_cast %swap3A_128 : vector<16xf32> to vector<16xf32>
    %swap3A_130 = vector.shape_cast %broadcast_in_dim3A_126 : vector<16xf32> to vector<16xf32>
    tpu.vector_store %arg6[%swap3A_127], %swap3A_130 {strides = array<i32>} : memref<640xf32, #tpu.memory_space<vmem>>, vector<16xf32>,
    %broadcast_in_dim3A_131 = arith.constant 0.000000e+00 : f32
    %broadcast_in_dim3A_132 = vector.broadcast %broadcast_in_dim3A_131 : f32 to vector<16xf32>
    %swap3A_133 = arith.constant 352 : index
    %swap3A_134 = tpu.vector_load %arg6[%swap3A_133] {strides = array<i32>} : memref<640xf32, #tpu.memory_space<vmem>>, vector<16xf32>,
    %swap3A_135 = vector.shape_cast %swap3A_134 : vector<16xf32> to vector<16xf32>
    %swap3A_136 = vector.shape_cast %broadcast_in_dim3A_132 : vector<16xf32> to vector<16xf32>
    tpu.vector_store %arg6[%swap3A_133], %swap3A_136 {strides = array<i32>} : memref<640xf32, #tpu.memory_space<vmem>>, vector<16xf32>,
    %broadcast_in_dim3A_137 = arith.constant 0.000000e+00 : f32
    %broadcast_in_dim3A_138 = vector.broadcast %broadcast_in_dim3A_137 : f32 to vector<16xf32>
    %swap3A_139 = arith.constant 368 : index
    %swap3A_140 = tpu.vector_load %arg6[%swap3A_139] {strides = array<i32>} : memref<640xf32, #tpu.memory_space<vmem>>, vector<16xf32>,
    %swap3A_141 = vector.shape_cast %swap3A_140 : vector<16xf32> to vector<16xf32>
    %swap3A_142 = vector.shape_cast %broadcast_in_dim3A_138 : vector<16xf32> to vector<16xf32>
    tpu.vector_store %arg6[%swap3A_139], %swap3A_142 {strides = array<i32>} : memref<640xf32, #tpu.memory_space<vmem>>, vector<16xf32>,
    %broadcast_in_dim3A_143 = arith.constant 0.000000e+00 : f32
    %broadcast_in_dim3A_144 = vector.broadcast %broadcast_in_dim3A_143 : f32 to vector<16xf32>
    %swap3A_145 = arith.constant 384 : index
    %swap3A_146 = tpu.vector_load %arg6[%swap3A_145] {strides = array<i32>} : memref<640xf32, #tpu.memory_space<vmem>>, vector<16xf32>,
    %swap3A_147 = vector.shape_cast %swap3A_146 : vector<16xf32> to vector<16xf32>
    %swap3A_148 = vector.shape_cast %broadcast_in_dim3A_144 : vector<16xf32> to vector<16xf32>
    tpu.vector_store %arg6[%swap3A_145], %swap3A_148 {strides = array<i32>} : memref<640xf32, #tpu.memory_space<vmem>>, vector<16xf32>,
    %broadcast_in_dim3A_149 = arith.constant 0.000000e+00 : f32
    %broadcast_in_dim3A_150 = vector.broadcast %broadcast_in_dim3A_149 : f32 to vector<16xf32>
    %swap3A_151 = arith.constant 400 : index
    %swap3A_152 = tpu.vector_load %arg6[%swap3A_151] {strides = array<i32>} : memref<640xf32, #tpu.memory_space<vmem>>, vector<16xf32>,
    %swap3A_153 = vector.shape_cast %swap3A_152 : vector<16xf32> to vector<16xf32>
    %swap3A_154 = vector.shape_cast %broadcast_in_dim3A_150 : vector<16xf32> to vector<16xf32>
    tpu.vector_store %arg6[%swap3A_151], %swap3A_154 {strides = array<i32>} : memref<640xf32, #tpu.memory_space<vmem>>, vector<16xf32>,
    %broadcast_in_dim3A_155 = arith.constant 0.000000e+00 : f32
    %broadcast_in_dim3A_156 = vector.broadcast %broadcast_in_dim3A_155 : f32 to vector<16xf32>
    %swap3A_157 = arith.constant 416 : index
    %swap3A_158 = tpu.vector_load %arg6[%swap3A_157] {strides = array<i32>} : memref<640xf32, #tpu.memory_space<vmem>>, vector<16xf32>,
    %swap3A_159 = vector.shape_cast %swap3A_158 : vector<16xf32> to vector<16xf32>
    %swap3A_160 = vector.shape_cast %broadcast_in_dim3A_156 : vector<16xf32> to vector<16xf32>
    tpu.vector_store %arg6[%swap3A_157], %swap3A_160 {strides = array<i32>} : memref<640xf32, #tpu.memory_space<vmem>>, vector<16xf32>,
    %broadcast_in_dim3A_161 = arith.constant 0.000000e+00 : f32
    %broadcast_in_dim3A_162 = vector.broadcast %broadcast_in_dim3A_161 : f32 to vector<16xf32>
    %swap3A_163 = arith.constant 432 : index
    %swap3A_164 = tpu.vector_load %arg6[%swap3A_163] {strides = array<i32>} : memref<640xf32, #tpu.memory_space<vmem>>, vector<16xf32>,
    %swap3A_165 = vector.shape_cast %swap3A_164 : vector<16xf32> to vector<16xf32>
    %swap3A_166 = vector.shape_cast %broadcast_in_dim3A_162 : vector<16xf32> to vector<16xf32>
    tpu.vector_store %arg6[%swap3A_163], %swap3A_166 {strides = array<i32>} : memref<640xf32, #tpu.memory_space<vmem>>, vector<16xf32>,
    %broadcast_in_dim3A_167 = arith.constant 0.000000e+00 : f32
    %broadcast_in_dim3A_168 = vector.broadcast %broadcast_in_dim3A_167 : f32 to vector<16xf32>
    %swap3A_169 = arith.constant 448 : index
    %swap3A_170 = tpu.vector_load %arg6[%swap3A_169] {strides = array<i32>} : memref<640xf32, #tpu.memory_space<vmem>>, vector<16xf32>,
    %swap3A_171 = vector.shape_cast %swap3A_170 : vector<16xf32> to vector<16xf32>
    %swap3A_172 = vector.shape_cast %broadcast_in_dim3A_168 : vector<16xf32> to vector<16xf32>
    tpu.vector_store %arg6[%swap3A_169], %swap3A_172 {strides = array<i32>} : memref<640xf32, #tpu.memory_space<vmem>>, vector<16xf32>,
    %broadcast_in_dim3A_173 = arith.constant 0.000000e+00 : f32
    %broadcast_in_dim3A_174 = vector.broadcast %broadcast_in_dim3A_173 : f32 to vector<16xf32>
    %swap3A_175 = arith.constant 464 : index
    %swap3A_176 = tpu.vector_load %arg6[%swap3A_175] {strides = array<i32>} : memref<640xf32, #tpu.memory_space<vmem>>, vector<16xf32>,
    %swap3A_177 = vector.shape_cast %swap3A_176 : vector<16xf32> to vector<16xf32>
    %swap3A_178 = vector.shape_cast %broadcast_in_dim3A_174 : vector<16xf32> to vector<16xf32>
    tpu.vector_store %arg6[%swap3A_175], %swap3A_178 {strides = array<i32>} : memref<640xf32, #tpu.memory_space<vmem>>, vector<16xf32>,
    %broadcast_in_dim3A_179 = arith.constant 0.000000e+00 : f32
    %broadcast_in_dim3A_180 = vector.broadcast %broadcast_in_dim3A_179 : f32 to vector<16xf32>
    %swap3A_181 = arith.constant 480 : index
    %swap3A_182 = tpu.vector_load %arg6[%swap3A_181] {strides = array<i32>} : memref<640xf32, #tpu.memory_space<vmem>>, vector<16xf32>,
    %swap3A_183 = vector.shape_cast %swap3A_182 : vector<16xf32> to vector<16xf32>
    %swap3A_184 = vector.shape_cast %broadcast_in_dim3A_180 : vector<16xf32> to vector<16xf32>
    tpu.vector_store %arg6[%swap3A_181], %swap3A_184 {strides = array<i32>} : memref<640xf32, #tpu.memory_space<vmem>>, vector<16xf32>,
    %broadcast_in_dim3A_185 = arith.constant 0.000000e+00 : f32
    %broadcast_in_dim3A_186 = vector.broadcast %broadcast_in_dim3A_185 : f32 to vector<16xf32>
    %swap3A_187 = arith.constant 496 : index
    %swap3A_188 = tpu.vector_load %arg6[%swap3A_187] {strides = array<i32>} : memref<640xf32, #tpu.memory_space<vmem>>, vector<16xf32>,
    %swap3A_189 = vector.shape_cast %swap3A_188 : vector<16xf32> to vector<16xf32>
    %swap3A_190 = vector.shape_cast %broadcast_in_dim3A_186 : vector<16xf32> to vector<16xf32>
    tpu.vector_store %arg6[%swap3A_187], %swap3A_190 {strides = array<i32>} : memref<640xf32, #tpu.memory_space<vmem>>, vector<16xf32>,
    %broadcast_in_dim3A_191 = arith.constant 0.000000e+00 : f32
    %broadcast_in_dim3A_192 = vector.broadcast %broadcast_in_dim3A_191 : f32 to vector<16xf32>
    %swap3A_193 = arith.constant 512 : index
    %swap3A_194 = tpu.vector_load %arg6[%swap3A_193] {strides = array<i32>} : memref<640xf32, #tpu.memory_space<vmem>>, vector<16xf32>,
    %swap3A_195 = vector.shape_cast %swap3A_194 : vector<16xf32> to vector<16xf32>
    %swap3A_196 = vector.shape_cast %broadcast_in_dim3A_192 : vector<16xf32> to vector<16xf32>
    tpu.vector_store %arg6[%swap3A_193], %swap3A_196 {strides = array<i32>} : memref<640xf32, #tpu.memory_space<vmem>>, vector<16xf32>,
    %broadcast_in_dim3A_197 = arith.constant 0.000000e+00 : f32
    %broadcast_in_dim3A_198 = vector.broadcast %broadcast_in_dim3A_197 : f32 to vector<16xf32>
    %swap3A_199 = arith.constant 528 : index
    %swap3A_200 = tpu.vector_load %arg6[%swap3A_199] {strides = array<i32>} : memref<640xf32, #tpu.memory_space<vmem>>, vector<16xf32>,
    %swap3A_201 = vector.shape_cast %swap3A_200 : vector<16xf32> to vector<16xf32>
    %swap3A_202 = vector.shape_cast %broadcast_in_dim3A_198 : vector<16xf32> to vector<16xf32>
    tpu.vector_store %arg6[%swap3A_199], %swap3A_202 {strides = array<i32>} : memref<640xf32, #tpu.memory_space<vmem>>, vector<16xf32>,
    %broadcast_in_dim3A_203 = arith.constant 0.000000e+00 : f32
    %broadcast_in_dim3A_204 = vector.broadcast %broadcast_in_dim3A_203 : f32 to vector<16xf32>
    %swap3A_205 = arith.constant 544 : index
    %swap3A_206 = tpu.vector_load %arg6[%swap3A_205] {strides = array<i32>} : memref<640xf32, #tpu.memory_space<vmem>>, vector<16xf32>,
    %swap3A_207 = vector.shape_cast %swap3A_206 : vector<16xf32> to vector<16xf32>
    %swap3A_208 = vector.shape_cast %broadcast_in_dim3A_204 : vector<16xf32> to vector<16xf32>
    tpu.vector_store %arg6[%swap3A_205], %swap3A_208 {strides = array<i32>} : memref<640xf32, #tpu.memory_space<vmem>>, vector<16xf32>,
    %broadcast_in_dim3A_209 = arith.constant 0.000000e+00 : f32
    %broadcast_in_dim3A_210 = vector.broadcast %broadcast_in_dim3A_209 : f32 to vector<16xf32>
    %swap3A_211 = arith.constant 560 : index
    %swap3A_212 = tpu.vector_load %arg6[%swap3A_211] {strides = array<i32>} : memref<640xf32, #tpu.memory_space<vmem>>, vector<16xf32>,
    %swap3A_213 = vector.shape_cast %swap3A_212 : vector<16xf32> to vector<16xf32>
    %swap3A_214 = vector.shape_cast %broadcast_in_dim3A_210 : vector<16xf32> to vector<16xf32>
    tpu.vector_store %arg6[%swap3A_211], %swap3A_214 {strides = array<i32>} : memref<640xf32, #tpu.memory_space<vmem>>, vector<16xf32>,
    %broadcast_in_dim3A_215 = arith.constant 0.000000e+00 : f32
    %broadcast_in_dim3A_216 = vector.broadcast %broadcast_in_dim3A_215 : f32 to vector<16xf32>
    %swap3A_217 = arith.constant 576 : index
    %swap3A_218 = tpu.vector_load %arg6[%swap3A_217] {strides = array<i32>} : memref<640xf32, #tpu.memory_space<vmem>>, vector<16xf32>,
    %swap3A_219 = vector.shape_cast %swap3A_218 : vector<16xf32> to vector<16xf32>
    %swap3A_220 = vector.shape_cast %broadcast_in_dim3A_216 : vector<16xf32> to vector<16xf32>
    tpu.vector_store %arg6[%swap3A_217], %swap3A_220 {strides = array<i32>} : memref<640xf32, #tpu.memory_space<vmem>>, vector<16xf32>,
    %broadcast_in_dim3A_221 = arith.constant 0.000000e+00 : f32
    %broadcast_in_dim3A_222 = vector.broadcast %broadcast_in_dim3A_221 : f32 to vector<16xf32>
    %swap3A_223 = arith.constant 592 : index
    %swap3A_224 = tpu.vector_load %arg6[%swap3A_223] {strides = array<i32>} : memref<640xf32, #tpu.memory_space<vmem>>, vector<16xf32>,
    %swap3A_225 = vector.shape_cast %swap3A_224 : vector<16xf32> to vector<16xf32>
    %swap3A_226 = vector.shape_cast %broadcast_in_dim3A_222 : vector<16xf32> to vector<16xf32>
    tpu.vector_store %arg6[%swap3A_223], %swap3A_226 {strides = array<i32>} : memref<640xf32, #tpu.memory_space<vmem>>, vector<16xf32>,
    %broadcast_in_dim3A_227 = arith.constant 0.000000e+00 : f32
    %broadcast_in_dim3A_228 = vector.broadcast %broadcast_in_dim3A_227 : f32 to vector<16xf32>
    %swap3A_229 = arith.constant 608 : index
    %swap3A_230 = tpu.vector_load %arg6[%swap3A_229] {strides = array<i32>} : memref<640xf32, #tpu.memory_space<vmem>>, vector<16xf32>,
    %swap3A_231 = vector.shape_cast %swap3A_230 : vector<16xf32> to vector<16xf32>
    %swap3A_232 = vector.shape_cast %broadcast_in_dim3A_228 : vector<16xf32> to vector<16xf32>
    tpu.vector_store %arg6[%swap3A_229], %swap3A_232 {strides = array<i32>} : memref<640xf32, #tpu.memory_space<vmem>>, vector<16xf32>,
    %broadcast_in_dim3A_233 = arith.constant 0.000000e+00 : f32
    %broadcast_in_dim3A_234 = vector.broadcast %broadcast_in_dim3A_233 : f32 to vector<16xf32>
    %swap3A_235 = arith.constant 624 : index
    %swap3A_236 = tpu.vector_load %arg6[%swap3A_235] {strides = array<i32>} : memref<640xf32, #tpu.memory_space<vmem>>, vector<16xf32>,
    %swap3A_237 = vector.shape_cast %swap3A_236 : vector<16xf32> to vector<16xf32>
    %swap3A_238 = vector.shape_cast %broadcast_in_dim3A_234 : vector<16xf32> to vector<16xf32>
    tpu.vector_store %arg6[%swap3A_235], %swap3A_238 {strides = array<i32>} : memref<640xf32, #tpu.memory_space<vmem>>, vector<16xf32>,
    %broadcast_in_dim3A_239 = arith.constant 1.000000e+00 : f32
    %broadcast_in_dim3A_240 = vector.broadcast %broadcast_in_dim3A_239 : f32 to vector<16xf32>
    %swap3A_241 = arith.constant 0 : index
    %swap3A_242 = tpu.vector_load %arg7[%swap3A_241] {strides = array<i32>} : memref<128xf32, #tpu.memory_space<vmem>>, vector<16xf32>,
    %swap3A_243 = vector.shape_cast %swap3A_242 : vector<16xf32> to vector<16xf32>
    %swap3A_244 = vector.shape_cast %broadcast_in_dim3A_240 : vector<16xf32> to vector<16xf32>
    tpu.vector_store %arg7[%swap3A_241], %swap3A_244 {strides = array<i32>} : memref<128xf32, #tpu.memory_space<vmem>>, vector<16xf32>,
    %broadcast_in_dim3A_245 = arith.constant 1.000000e+00 : f32
    %broadcast_in_dim3A_246 = vector.broadcast %broadcast_in_dim3A_245 : f32 to vector<16xf32>
    %swap3A_247 = arith.constant 16 : index
    %swap3A_248 = tpu.vector_load %arg7[%swap3A_247] {strides = array<i32>} : memref<128xf32, #tpu.memory_space<vmem>>, vector<16xf32>,
    %swap3A_249 = vector.shape_cast %swap3A_248 : vector<16xf32> to vector<16xf32>
    %swap3A_250 = vector.shape_cast %broadcast_in_dim3A_246 : vector<16xf32> to vector<16xf32>
    tpu.vector_store %arg7[%swap3A_247], %swap3A_250 {strides = array<i32>} : memref<128xf32, #tpu.memory_space<vmem>>, vector<16xf32>,
    %broadcast_in_dim3A_251 = arith.constant 1.000000e+00 : f32
    %broadcast_in_dim3A_252 = vector.broadcast %broadcast_in_dim3A_251 : f32 to vector<16xf32>
    %swap3A_253 = arith.constant 32 : index
    %swap3A_254 = tpu.vector_load %arg7[%swap3A_253] {strides = array<i32>} : memref<128xf32, #tpu.memory_space<vmem>>, vector<16xf32>,
    %swap3A_255 = vector.shape_cast %swap3A_254 : vector<16xf32> to vector<16xf32>
    %swap3A_256 = vector.shape_cast %broadcast_in_dim3A_252 : vector<16xf32> to vector<16xf32>
    tpu.vector_store %arg7[%swap3A_253], %swap3A_256 {strides = array<i32>} : memref<128xf32, #tpu.memory_space<vmem>>, vector<16xf32>,
    %broadcast_in_dim3A_257 = arith.constant 1.000000e+00 : f32
    %broadcast_in_dim3A_258 = vector.broadcast %broadcast_in_dim3A_257 : f32 to vector<16xf32>
    %swap3A_259 = arith.constant 48 : index
    %swap3A_260 = tpu.vector_load %arg7[%swap3A_259] {strides = array<i32>} : memref<128xf32, #tpu.memory_space<vmem>>, vector<16xf32>,
    %swap3A_261 = vector.shape_cast %swap3A_260 : vector<16xf32> to vector<16xf32>
    %swap3A_262 = vector.shape_cast %broadcast_in_dim3A_258 : vector<16xf32> to vector<16xf32>
    tpu.vector_store %arg7[%swap3A_259], %swap3A_262 {strides = array<i32>} : memref<128xf32, #tpu.memory_space<vmem>>, vector<16xf32>,
    %broadcast_in_dim3A_263 = arith.constant 1.000000e+00 : f32
    %broadcast_in_dim3A_264 = vector.broadcast %broadcast_in_dim3A_263 : f32 to vector<16xf32>
    %swap3A_265 = arith.constant 64 : index
    %swap3A_266 = tpu.vector_load %arg7[%swap3A_265] {strides = array<i32>} : memref<128xf32, #tpu.memory_space<vmem>>, vector<16xf32>,
    %swap3A_267 = vector.shape_cast %swap3A_266 : vector<16xf32> to vector<16xf32>
    %swap3A_268 = vector.shape_cast %broadcast_in_dim3A_264 : vector<16xf32> to vector<16xf32>
    tpu.vector_store %arg7[%swap3A_265], %swap3A_268 {strides = array<i32>} : memref<128xf32, #tpu.memory_space<vmem>>, vector<16xf32>,
    %broadcast_in_dim3A_269 = arith.constant 1.000000e+00 : f32
    %broadcast_in_dim3A_270 = vector.broadcast %broadcast_in_dim3A_269 : f32 to vector<16xf32>
    %swap3A_271 = arith.constant 80 : index
    %swap3A_272 = tpu.vector_load %arg7[%swap3A_271] {strides = array<i32>} : memref<128xf32, #tpu.memory_space<vmem>>, vector<16xf32>,
    %swap3A_273 = vector.shape_cast %swap3A_272 : vector<16xf32> to vector<16xf32>
    %swap3A_274 = vector.shape_cast %broadcast_in_dim3A_270 : vector<16xf32> to vector<16xf32>
    tpu.vector_store %arg7[%swap3A_271], %swap3A_274 {strides = array<i32>} : memref<128xf32, #tpu.memory_space<vmem>>, vector<16xf32>,
    %broadcast_in_dim3A_275 = arith.constant 1.000000e+00 : f32
    %broadcast_in_dim3A_276 = vector.broadcast %broadcast_in_dim3A_275 : f32 to vector<16xf32>
    %swap3A_277 = arith.constant 96 : index
    %swap3A_278 = tpu.vector_load %arg7[%swap3A_277] {strides = array<i32>} : memref<128xf32, #tpu.memory_space<vmem>>, vector<16xf32>,
    %swap3A_279 = vector.shape_cast %swap3A_278 : vector<16xf32> to vector<16xf32>
    %swap3A_280 = vector.shape_cast %broadcast_in_dim3A_276 : vector<16xf32> to vector<16xf32>
    tpu.vector_store %arg7[%swap3A_277], %swap3A_280 {strides = array<i32>} : memref<128xf32, #tpu.memory_space<vmem>>, vector<16xf32>,
    %broadcast_in_dim3A_281 = arith.constant 1.000000e+00 : f32
    %broadcast_in_dim3A_282 = vector.broadcast %broadcast_in_dim3A_281 : f32 to vector<16xf32>
    %swap3A_283 = arith.constant 112 : index
    %swap3A_284 = tpu.vector_load %arg7[%swap3A_283] {strides = array<i32>} : memref<128xf32, #tpu.memory_space<vmem>>, vector<16xf32>,
    %swap3A_285 = vector.shape_cast %swap3A_284 : vector<16xf32> to vector<16xf32>
    %swap3A_286 = vector.shape_cast %broadcast_in_dim3A_282 : vector<16xf32> to vector<16xf32>
    tpu.vector_store %arg7[%swap3A_283], %swap3A_286 {strides = array<i32>} : memref<128xf32, #tpu.memory_space<vmem>>, vector<16xf32>,
    %mul3A_287 = arith.constant 640 : i32
    %mul3A_288 = arith.muli %arg1, %mul3A_287 : i32
    "tpu.region"() ({
      %run_scoped3A = tpu.sem_alloc : memref<!tpu.dma_semaphore, #tpu.memory_space<semaphore_mem>>
      %dma_start3A = tpu.memref_slice %arg4[%mul3A_288] : memref<10240xf32, #tpu.memory_space<vmem_shared>> -> memref<640xf32, #tpu.memory_space<vmem_shared>>
      %dma_start3A_305 = tpu.memref_slice %arg4[%mul3A_288] : memref<10240xf32, #tpu.memory_space<vmem_shared>> -> memref<640xf32, #tpu.memory_space<vmem_shared>>
      tpu.enqueue_dma source(%arg6 : memref<640xf32, #tpu.memory_space<vmem>>) target(%dma_start3A_305 : memref<640xf32, #tpu.memory_space<vmem_shared>>) target_semaphore(%run_scoped3A : memref<!tpu.dma_semaphore, #tpu.memory_space<semaphore_mem>>)
      %dma_wait3A = tpu.memref_slice %arg4[%mul3A_288] : memref<10240xf32, #tpu.memory_space<vmem_shared>> -> memref<640xf32, #tpu.memory_space<vmem_shared>>
      %dma_wait3A_306 = tpu.memref_slice %arg4[%mul3A_288] : memref<10240xf32, #tpu.memory_space<vmem_shared>> -> memref<640xf32, #tpu.memory_space<vmem_shared>>
      tpu.wait_dma2 semaphore(%run_scoped3A : memref<!tpu.dma_semaphore, #tpu.memory_space<semaphore_mem>>) src(%arg6 : memref<640xf32, #tpu.memory_space<vmem>>) dst(%dma_wait3A_306 : memref<640xf32, #tpu.memory_space<vmem_shared>>)
      tpu.yield
    }) : () -> ()
    "tpu.region"() ({
      %run_scoped3A = tpu.sem_alloc : memref<!tpu.dma_semaphore, #tpu.memory_space<semaphore_mem>>
      %dma_start3A = arith.constant 0 : i32
      %dma_start3A_305 = arith.constant 0 : i32
      %dma_start3A_306 = arith.constant 0 : i32
      %dma_start3A_307 = tpu.memref_slice %arg2[%add3A, %dma_start3A, %dma_start3A_305, %dma_start3A_306] : memref<32x2x40x128xi32, #tpu.memory_space<hbm>> -> memref<1x2x40x128xi32, #tpu.memory_space<hbm>>
      %dma_start3A_308 = tpu.memref_squeeze %dma_start3A_307 : memref<1x2x40x128xi32, #tpu.memory_space<hbm>> -> memref<2x40x128xi32, #tpu.memory_space<hbm>>
      %dma_start3A_309 = arith.constant 0 : i32
      %dma_start3A_310 = arith.constant 0 : i32
      %dma_start3A_311 = arith.constant 0 : i32
      %dma_start3A_312 = tpu.memref_slice %arg2[%add3A, %dma_start3A_309, %dma_start3A_310, %dma_start3A_311] : memref<32x2x40x128xi32, #tpu.memory_space<hbm>> -> memref<1x2x40x128xi32, #tpu.memory_space<hbm>>
      %dma_start3A_313 = tpu.memref_squeeze %dma_start3A_312 : memref<1x2x40x128xi32, #tpu.memory_space<hbm>> -> memref<2x40x128xi32, #tpu.memory_space<hbm>>
      tpu.enqueue_dma source(%dma_start3A_313 : memref<2x40x128xi32, #tpu.memory_space<hbm>>) target(%arg5 : memref<2x40x128xi32, #tpu.memory_space<vmem>>) target_semaphore(%run_scoped3A : memref<!tpu.dma_semaphore, #tpu.memory_space<semaphore_mem>>)
      %dma_wait3A = arith.constant 0 : i32
      %dma_wait3A_314 = arith.constant 0 : i32
      %dma_wait3A_315 = arith.constant 0 : i32
      %dma_wait3A_316 = tpu.memref_slice %arg2[%add3A, %dma_wait3A, %dma_wait3A_314, %dma_wait3A_315] : memref<32x2x40x128xi32, #tpu.memory_space<hbm>> -> memref<1x2x40x128xi32, #tpu.memory_space<hbm>>
      %dma_wait3A_317 = tpu.memref_squeeze %dma_wait3A_316 : memref<1x2x40x128xi32, #tpu.memory_space<hbm>> -> memref<2x40x128xi32, #tpu.memory_space<hbm>>
      %dma_wait3A_318 = arith.constant 0 : i32
      %dma_wait3A_319 = arith.constant 0 : i32
      %dma_wait3A_320 = arith.constant 0 : i32
      %dma_wait3A_321 = tpu.memref_slice %arg2[%add3A, %dma_wait3A_318, %dma_wait3A_319, %dma_wait3A_320] : memref<32x2x40x128xi32, #tpu.memory_space<hbm>> -> memref<1x2x40x128xi32, #tpu.memory_space<hbm>>
      %dma_wait3A_322 = tpu.memref_squeeze %dma_wait3A_321 : memref<1x2x40x128xi32, #tpu.memory_space<hbm>> -> memref<2x40x128xi32, #tpu.memory_space<hbm>>
      tpu.wait_dma2 semaphore(%run_scoped3A : memref<!tpu.dma_semaphore, #tpu.memory_space<semaphore_mem>>) src(%dma_wait3A_322 : memref<2x40x128xi32, #tpu.memory_space<hbm>>) dst(%arg5 : memref<2x40x128xi32, #tpu.memory_space<vmem>>)
      tpu.yield
    }) : () -> ()
    %barrier3A = arith.constant 0 : index
    tpu.barrier barrier_id(%barrier3A)
    %scan3A = arith.constant 0 : i32
    %scan3A_289 = arith.constant 0 : i32
    %scan3A_290 = arith.constant 40 : i32
    %scan3A_291 = arith.addi %scan3A_289, %scan3A_290 : i32
    %scan3A_292 = arith.constant 1 : i32
    scf.for %scan3A_305 = %scan3A_289 to %scan3A_291 step %scan3A_292  : i32 {
      %run_scoped3A = arith.constant 0 : i32
      "tpu.region"() ({
        %run_scoped3A_306 = tpu.sem_alloc : memref<!tpu.dma_semaphore, #tpu.memory_space<semaphore_mem>>
        %dma_start3A = arith.constant 0 : i32
        %dma_start3A_307 = tpu.memref_slice %arg5[%run_scoped3A, %scan3A_305, %dma_start3A] : memref<2x40x128xi32, #tpu.memory_space<vmem>> -> memref<1x1x128xi32, #tpu.memory_space<vmem>>
        %dma_start3A_308 = tpu.memref_squeeze %dma_start3A_307 : memref<1x1x128xi32, #tpu.memory_space<vmem>> -> memref<128xi32, #tpu.memory_space<vmem>>
        %dma_start3A_309 = arith.constant 0 : i32
        %dma_start3A_310 = tpu.memref_slice %arg4[%dma_start3A_309] : memref<10240xf32, #tpu.memory_space<vmem_shared>> -> memref<10240xf32, #tpu.memory_space<vmem_shared>>
        tpu.enqueue_indirect_dma source(%arg7 : memref<128xf32, #tpu.memory_space<vmem>>) target(%dma_start3A_310 : memref<10240xf32, #tpu.memory_space<vmem_shared>>) offsets(%dma_start3A_308 : memref<128xi32, #tpu.memory_space<vmem>>) semaphore(%run_scoped3A_306 : memref<!tpu.dma_semaphore, #tpu.memory_space<semaphore_mem>>) {add = true}
        %dma_wait3A = arith.constant 0 : i32
        %dma_wait3A_311 = tpu.memref_slice %arg5[%run_scoped3A, %scan3A_305, %dma_wait3A] : memref<2x40x128xi32, #tpu.memory_space<vmem>> -> memref<1x1x128xi32, #tpu.memory_space<vmem>>
        %dma_wait3A_312 = tpu.memref_squeeze %dma_wait3A_311 : memref<1x1x128xi32, #tpu.memory_space<vmem>> -> memref<128xi32, #tpu.memory_space<vmem>>
        %dma_wait3A_313 = arith.constant 0 : i32
        %dma_wait3A_314 = tpu.memref_slice %arg4[%dma_wait3A_313] : memref<10240xf32, #tpu.memory_space<vmem_shared>> -> memref<10240xf32, #tpu.memory_space<vmem_shared>>
        tpu.wait_indirect_dma semaphore(%run_scoped3A_306 : memref<!tpu.dma_semaphore, #tpu.memory_space<semaphore_mem>>) src(%arg7 : memref<128xf32, #tpu.memory_space<vmem>>) dst(%dma_wait3A_314 : memref<10240xf32, #tpu.memory_space<vmem_shared>>)
        tpu.yield
      }) : () -> ()
    }
    %scan3A_293 = arith.constant 40 : i32
    %scan3A_294 = arith.constant 0 : i32
    %scan3A_295 = arith.constant 0 : i32
    %scan3A_296 = arith.constant 40 : i32
    %scan3A_297 = arith.addi %scan3A_295, %scan3A_296 : i32
    %scan3A_298 = arith.constant 1 : i32
    scf.for %scan3A_305 = %scan3A_295 to %scan3A_297 step %scan3A_298  : i32 {
      %run_scoped3A = arith.constant 1 : i32
      "tpu.region"() ({
        %run_scoped3A_306 = tpu.sem_alloc : memref<!tpu.dma_semaphore, #tpu.memory_space<semaphore_mem>>
        %dma_start3A = arith.constant 0 : i32
        %dma_start3A_307 = tpu.memref_slice %arg5[%run_scoped3A, %scan3A_305, %dma_start3A] : memref<2x40x128xi32, #tpu.memory_space<vmem>> -> memref<1x1x128xi32, #tpu.memory_space<vmem>>
        %dma_start3A_308 = tpu.memref_squeeze %dma_start3A_307 : memref<1x1x128xi32, #tpu.memory_space<vmem>> -> memref<128xi32, #tpu.memory_space<vmem>>
        %dma_start3A_309 = arith.constant 0 : i32
        %dma_start3A_310 = tpu.memref_slice %arg4[%dma_start3A_309] : memref<10240xf32, #tpu.memory_space<vmem_shared>> -> memref<10240xf32, #tpu.memory_space<vmem_shared>>
        tpu.enqueue_indirect_dma source(%arg7 : memref<128xf32, #tpu.memory_space<vmem>>) target(%dma_start3A_310 : memref<10240xf32, #tpu.memory_space<vmem_shared>>) offsets(%dma_start3A_308 : memref<128xi32, #tpu.memory_space<vmem>>) semaphore(%run_scoped3A_306 : memref<!tpu.dma_semaphore, #tpu.memory_space<semaphore_mem>>) {add = true}
        %dma_wait3A = arith.constant 0 : i32
        %dma_wait3A_311 = tpu.memref_slice %arg5[%run_scoped3A, %scan3A_305, %dma_wait3A] : memref<2x40x128xi32, #tpu.memory_space<vmem>> -> memref<1x1x128xi32, #tpu.memory_space<vmem>>
        %dma_wait3A_312 = tpu.memref_squeeze %dma_wait3A_311 : memref<1x1x128xi32, #tpu.memory_space<vmem>> -> memref<128xi32, #tpu.memory_space<vmem>>
        %dma_wait3A_313 = arith.constant 0 : i32
        %dma_wait3A_314 = tpu.memref_slice %arg4[%dma_wait3A_313] : memref<10240xf32, #tpu.memory_space<vmem_shared>> -> memref<10240xf32, #tpu.memory_space<vmem_shared>>
        tpu.wait_indirect_dma semaphore(%run_scoped3A_306 : memref<!tpu.dma_semaphore, #tpu.memory_space<semaphore_mem>>) src(%arg7 : memref<128xf32, #tpu.memory_space<vmem>>) dst(%dma_wait3A_314 : memref<10240xf32, #tpu.memory_space<vmem_shared>>)
        tpu.yield
      }) : () -> ()
    }
    %scan3A_299 = arith.constant 40 : i32
    %barrier3A_300 = arith.constant 0 : index
    tpu.barrier barrier_id(%barrier3A_300)
    %mul3A_301 = arith.constant 640 : i32
    %mul3A_302 = arith.muli %arg1, %mul3A_301 : i32
    %mul3A_303 = arith.constant 640 : i32
    %mul3A_304 = arith.muli %arg1, %mul3A_303 : i32
    "tpu.region"() ({
      %run_scoped3A = tpu.sem_alloc : memref<!tpu.dma_semaphore, #tpu.memory_space<semaphore_mem>>
      %dma_start3A = tpu.memref_slice %arg3[%arg0, %mul3A_304] : memref<2x10240xf32, #tpu.memory_space<hbm>> -> memref<1x640xf32, #tpu.memory_space<hbm>>
      %dma_start3A_305 = tpu.memref_squeeze %dma_start3A : memref<1x640xf32, #tpu.memory_space<hbm>> -> memref<640xf32, #tpu.memory_space<hbm>>
      %dma_start3A_306 = tpu.memref_slice %arg4[%mul3A_302] : memref<10240xf32, #tpu.memory_space<vmem_shared>> -> memref<640xf32, #tpu.memory_space<vmem_shared>>
      tpu.enqueue_dma source(%dma_start3A_306 : memref<640xf32, #tpu.memory_space<vmem_shared>>) target(%dma_start3A_305 : memref<640xf32, #tpu.memory_space<hbm>>) target_semaphore(%run_scoped3A : memref<!tpu.dma_semaphore, #tpu.memory_space<semaphore_mem>>)
      %dma_wait3A = tpu.memref_slice %arg3[%arg0, %mul3A_304] : memref<2x10240xf32, #tpu.memory_space<hbm>> -> memref<1x640xf32, #tpu.memory_space<hbm>>
      %dma_wait3A_307 = tpu.memref_squeeze %dma_wait3A : memref<1x640xf32, #tpu.memory_space<hbm>> -> memref<640xf32, #tpu.memory_space<hbm>>
      %dma_wait3A_308 = tpu.memref_slice %arg4[%mul3A_302] : memref<10240xf32, #tpu.memory_space<vmem_shared>> -> memref<640xf32, #tpu.memory_space<vmem_shared>>
      tpu.wait_dma2 semaphore(%run_scoped3A : memref<!tpu.dma_semaphore, #tpu.memory_space<semaphore_mem>>) src(%dma_wait3A_308 : memref<640xf32, #tpu.memory_space<vmem_shared>>) dst(%dma_wait3A_307 : memref<640xf32, #tpu.memory_space<hbm>>)
      tpu.yield
    }) : () -> ()
    return
  }
}

#map = affine_map<(d0, d1) -> (0, 0)>
#map1 = affine_map<(d0, d1) -> (0, 0, 0, 0)>
#map2 = affine_map<(d0, d1) -> (0, 0, 0)>
module attributes {stable_mosaic.version = 14 : i64} {
  func.func @_sc_gather_scatter(%arg0: i32, %arg1: i32, %arg2: memref<10000x128xf32, #tpu.memory_space<hbm>>, %arg3: memref<32x2x40x128xi32, #tpu.memory_space<hbm>>, %arg4: memref<32x2x40x128xi32, #tpu.memory_space<hbm>>, %arg5: memref<2x10240x128xf32, #tpu.memory_space<hbm>>, %arg6: memref<10240x128xf32, #tpu.memory_space<vmem_shared>>, %arg7: memref<40x128xi32, #tpu.memory_space<vmem>>, %arg8: memref<40x128xi32, #tpu.memory_space<vmem>>, %arg9: memref<128x128xf32, #tpu.memory_space<vmem>>, %arg10: memref<128x128xf32, #tpu.memory_space<vmem>>, %arg11: memref<!tpu.dma_semaphore, #tpu.memory_space<semaphore_mem>>, %arg12: memref<!tpu.dma_semaphore, #tpu.memory_space<semaphore_mem>>) attributes {dimension_semantics = [#tpu.dimension_semantics<core_parallel>, #tpu.dimension_semantics<subcore_parallel>], iteration_bounds = array<i64: 2, 16>, scalar_prefetch = 0 : i64, scratch_operands = 7 : i64, tpu.core_type = #tpu.core_type<sc_vector_subcore>, window_params = [{transform_indices = #map}, {transform_indices = #map1}, {transform_indices = #map1}, {transform_indices = #map2}]} {
    %mul3A = arith.constant 16 : i32
    %mul3A_0 = arith.muli %arg0, %mul3A : i32
    %add3A = arith.addi %mul3A_0, %arg1 : i32
    %scan3A = arith.constant 0 : i32
    %scan3A_1 = arith.constant 0 : i32
    %scan3A_2 = arith.constant 128 : i32
    %scan3A_3 = arith.addi %scan3A_1, %scan3A_2 : i32
    %scan3A_4 = arith.constant 1 : i32
    scf.for %scan3A_104 = %scan3A_1 to %scan3A_3 step %scan3A_4  : i32 {
      %broadcast_in_dim3A = arith.constant 0.000000e+00 : f32
      %broadcast_in_dim3A_105 = vector.broadcast %broadcast_in_dim3A : f32 to vector<16xf32>
      %swap3A = arith.index_cast %scan3A_104 : i32 to index
      %swap3A_106 = arith.constant 0 : index
      %swap3A_107 = tpu.vector_load %arg9[%swap3A, %swap3A_106] {strides = array<i32>} : memref<128x128xf32, #tpu.memory_space<vmem>>, vector<1x16xf32>,
      %swap3A_108 = vector.shape_cast %swap3A_107 : vector<1x16xf32> to vector<16xf32>
      %swap3A_109 = vector.shape_cast %broadcast_in_dim3A_105 : vector<16xf32> to vector<1x16xf32>
      tpu.vector_store %arg9[%swap3A, %swap3A_106], %swap3A_109 {strides = array<i32>} : memref<128x128xf32, #tpu.memory_space<vmem>>, vector<1x16xf32>,
      %broadcast_in_dim3A_110 = arith.constant 0.000000e+00 : f32
      %broadcast_in_dim3A_111 = vector.broadcast %broadcast_in_dim3A_110 : f32 to vector<16xf32>
      %swap3A_112 = arith.index_cast %scan3A_104 : i32 to index
      %swap3A_113 = arith.constant 16 : index
      %swap3A_114 = tpu.vector_load %arg9[%swap3A_112, %swap3A_113] {strides = array<i32>} : memref<128x128xf32, #tpu.memory_space<vmem>>, vector<1x16xf32>,
      %swap3A_115 = vector.shape_cast %swap3A_114 : vector<1x16xf32> to vector<16xf32>
      %swap3A_116 = vector.shape_cast %broadcast_in_dim3A_111 : vector<16xf32> to vector<1x16xf32>
      tpu.vector_store %arg9[%swap3A_112, %swap3A_113], %swap3A_116 {strides = array<i32>} : memref<128x128xf32, #tpu.memory_space<vmem>>, vector<1x16xf32>,
      %broadcast_in_dim3A_117 = arith.constant 0.000000e+00 : f32
      %broadcast_in_dim3A_118 = vector.broadcast %broadcast_in_dim3A_117 : f32 to vector<16xf32>
      %swap3A_119 = arith.index_cast %scan3A_104 : i32 to index
      %swap3A_120 = arith.constant 32 : index
      %swap3A_121 = tpu.vector_load %arg9[%swap3A_119, %swap3A_120] {strides = array<i32>} : memref<128x128xf32, #tpu.memory_space<vmem>>, vector<1x16xf32>,
      %swap3A_122 = vector.shape_cast %swap3A_121 : vector<1x16xf32> to vector<16xf32>
      %swap3A_123 = vector.shape_cast %broadcast_in_dim3A_118 : vector<16xf32> to vector<1x16xf32>
      tpu.vector_store %arg9[%swap3A_119, %swap3A_120], %swap3A_123 {strides = array<i32>} : memref<128x128xf32, #tpu.memory_space<vmem>>, vector<1x16xf32>,
      %broadcast_in_dim3A_124 = arith.constant 0.000000e+00 : f32
      %broadcast_in_dim3A_125 = vector.broadcast %broadcast_in_dim3A_124 : f32 to vector<16xf32>
      %swap3A_126 = arith.index_cast %scan3A_104 : i32 to index
      %swap3A_127 = arith.constant 48 : index
      %swap3A_128 = tpu.vector_load %arg9[%swap3A_126, %swap3A_127] {strides = array<i32>} : memref<128x128xf32, #tpu.memory_space<vmem>>, vector<1x16xf32>,
      %swap3A_129 = vector.shape_cast %swap3A_128 : vector<1x16xf32> to vector<16xf32>
      %swap3A_130 = vector.shape_cast %broadcast_in_dim3A_125 : vector<16xf32> to vector<1x16xf32>
      tpu.vector_store %arg9[%swap3A_126, %swap3A_127], %swap3A_130 {strides = array<i32>} : memref<128x128xf32, #tpu.memory_space<vmem>>, vector<1x16xf32>,
      %broadcast_in_dim3A_131 = arith.constant 0.000000e+00 : f32
      %broadcast_in_dim3A_132 = vector.broadcast %broadcast_in_dim3A_131 : f32 to vector<16xf32>
      %swap3A_133 = arith.index_cast %scan3A_104 : i32 to index
      %swap3A_134 = arith.constant 64 : index
      %swap3A_135 = tpu.vector_load %arg9[%swap3A_133, %swap3A_134] {strides = array<i32>} : memref<128x128xf32, #tpu.memory_space<vmem>>, vector<1x16xf32>,
      %swap3A_136 = vector.shape_cast %swap3A_135 : vector<1x16xf32> to vector<16xf32>
      %swap3A_137 = vector.shape_cast %broadcast_in_dim3A_132 : vector<16xf32> to vector<1x16xf32>
      tpu.vector_store %arg9[%swap3A_133, %swap3A_134], %swap3A_137 {strides = array<i32>} : memref<128x128xf32, #tpu.memory_space<vmem>>, vector<1x16xf32>,
      %broadcast_in_dim3A_138 = arith.constant 0.000000e+00 : f32
      %broadcast_in_dim3A_139 = vector.broadcast %broadcast_in_dim3A_138 : f32 to vector<16xf32>
      %swap3A_140 = arith.index_cast %scan3A_104 : i32 to index
      %swap3A_141 = arith.constant 80 : index
      %swap3A_142 = tpu.vector_load %arg9[%swap3A_140, %swap3A_141] {strides = array<i32>} : memref<128x128xf32, #tpu.memory_space<vmem>>, vector<1x16xf32>,
      %swap3A_143 = vector.shape_cast %swap3A_142 : vector<1x16xf32> to vector<16xf32>
      %swap3A_144 = vector.shape_cast %broadcast_in_dim3A_139 : vector<16xf32> to vector<1x16xf32>
      tpu.vector_store %arg9[%swap3A_140, %swap3A_141], %swap3A_144 {strides = array<i32>} : memref<128x128xf32, #tpu.memory_space<vmem>>, vector<1x16xf32>,
      %broadcast_in_dim3A_145 = arith.constant 0.000000e+00 : f32
      %broadcast_in_dim3A_146 = vector.broadcast %broadcast_in_dim3A_145 : f32 to vector<16xf32>
      %swap3A_147 = arith.index_cast %scan3A_104 : i32 to index
      %swap3A_148 = arith.constant 96 : index
      %swap3A_149 = tpu.vector_load %arg9[%swap3A_147, %swap3A_148] {strides = array<i32>} : memref<128x128xf32, #tpu.memory_space<vmem>>, vector<1x16xf32>,
      %swap3A_150 = vector.shape_cast %swap3A_149 : vector<1x16xf32> to vector<16xf32>
      %swap3A_151 = vector.shape_cast %broadcast_in_dim3A_146 : vector<16xf32> to vector<1x16xf32>
      tpu.vector_store %arg9[%swap3A_147, %swap3A_148], %swap3A_151 {strides = array<i32>} : memref<128x128xf32, #tpu.memory_space<vmem>>, vector<1x16xf32>,
      %broadcast_in_dim3A_152 = arith.constant 0.000000e+00 : f32
      %broadcast_in_dim3A_153 = vector.broadcast %broadcast_in_dim3A_152 : f32 to vector<16xf32>
      %swap3A_154 = arith.index_cast %scan3A_104 : i32 to index
      %swap3A_155 = arith.constant 112 : index
      %swap3A_156 = tpu.vector_load %arg9[%swap3A_154, %swap3A_155] {strides = array<i32>} : memref<128x128xf32, #tpu.memory_space<vmem>>, vector<1x16xf32>,
      %swap3A_157 = vector.shape_cast %swap3A_156 : vector<1x16xf32> to vector<16xf32>
      %swap3A_158 = vector.shape_cast %broadcast_in_dim3A_153 : vector<16xf32> to vector<1x16xf32>
      tpu.vector_store %arg9[%swap3A_154, %swap3A_155], %swap3A_158 {strides = array<i32>} : memref<128x128xf32, #tpu.memory_space<vmem>>, vector<1x16xf32>,
    }
    %scan3A_5 = arith.constant 128 : i32
    %mul3A_6 = arith.constant 640 : i32
    %mul3A_7 = arith.muli %arg1, %mul3A_6 : i32
    %add3A_8 = arith.constant 0 : i32
    %add3A_9 = arith.addi %mul3A_7, %add3A_8 : i32
    "tpu.region"() ({
      %run_scoped3A_104 = tpu.sem_alloc : memref<!tpu.dma_semaphore, #tpu.memory_space<semaphore_mem>>
      %dma_start3A_105 = arith.constant 0 : i32
      %dma_start3A_106 = tpu.memref_slice %arg6[%add3A_9, %dma_start3A_105] : memref<10240x128xf32, #tpu.memory_space<vmem_shared>> -> memref<128x128xf32, #tpu.memory_space<vmem_shared>>
      %dma_start3A_107 = arith.constant 0 : i32
      %dma_start3A_108 = tpu.memref_slice %arg6[%add3A_9, %dma_start3A_107] : memref<10240x128xf32, #tpu.memory_space<vmem_shared>> -> memref<128x128xf32, #tpu.memory_space<vmem_shared>>
      tpu.enqueue_dma source(%arg9 : memref<128x128xf32, #tpu.memory_space<vmem>>) target(%dma_start3A_108 : memref<128x128xf32, #tpu.memory_space<vmem_shared>>) target_semaphore(%run_scoped3A_104 : memref<!tpu.dma_semaphore, #tpu.memory_space<semaphore_mem>>)
      %dma_wait3A_109 = arith.constant 0 : i32
      %dma_wait3A_110 = tpu.memref_slice %arg6[%add3A_9, %dma_wait3A_109] : memref<10240x128xf32, #tpu.memory_space<vmem_shared>> -> memref<128x128xf32, #tpu.memory_space<vmem_shared>>
      %dma_wait3A_111 = arith.constant 0 : i32
      %dma_wait3A_112 = tpu.memref_slice %arg6[%add3A_9, %dma_wait3A_111] : memref<10240x128xf32, #tpu.memory_space<vmem_shared>> -> memref<128x128xf32, #tpu.memory_space<vmem_shared>>
      tpu.wait_dma2 semaphore(%run_scoped3A_104 : memref<!tpu.dma_semaphore, #tpu.memory_space<semaphore_mem>>) src(%arg9 : memref<128x128xf32, #tpu.memory_space<vmem>>) dst(%dma_wait3A_112 : memref<128x128xf32, #tpu.memory_space<vmem_shared>>)
      tpu.yield
    }) : () -> ()
    %mul3A_10 = arith.constant 640 : i32
    %mul3A_11 = arith.muli %arg1, %mul3A_10 : i32
    %add3A_12 = arith.constant 128 : i32
    %add3A_13 = arith.addi %mul3A_11, %add3A_12 : i32
    "tpu.region"() ({
      %run_scoped3A_104 = tpu.sem_alloc : memref<!tpu.dma_semaphore, #tpu.memory_space<semaphore_mem>>
      %dma_start3A_105 = arith.constant 0 : i32
      %dma_start3A_106 = tpu.memref_slice %arg6[%add3A_13, %dma_start3A_105] : memref<10240x128xf32, #tpu.memory_space<vmem_shared>> -> memref<128x128xf32, #tpu.memory_space<vmem_shared>>
      %dma_start3A_107 = arith.constant 0 : i32
      %dma_start3A_108 = tpu.memref_slice %arg6[%add3A_13, %dma_start3A_107] : memref<10240x128xf32, #tpu.memory_space<vmem_shared>> -> memref<128x128xf32, #tpu.memory_space<vmem_shared>>
      tpu.enqueue_dma source(%arg9 : memref<128x128xf32, #tpu.memory_space<vmem>>) target(%dma_start3A_108 : memref<128x128xf32, #tpu.memory_space<vmem_shared>>) target_semaphore(%run_scoped3A_104 : memref<!tpu.dma_semaphore, #tpu.memory_space<semaphore_mem>>)
      %dma_wait3A_109 = arith.constant 0 : i32
      %dma_wait3A_110 = tpu.memref_slice %arg6[%add3A_13, %dma_wait3A_109] : memref<10240x128xf32, #tpu.memory_space<vmem_shared>> -> memref<128x128xf32, #tpu.memory_space<vmem_shared>>
      %dma_wait3A_111 = arith.constant 0 : i32
      %dma_wait3A_112 = tpu.memref_slice %arg6[%add3A_13, %dma_wait3A_111] : memref<10240x128xf32, #tpu.memory_space<vmem_shared>> -> memref<128x128xf32, #tpu.memory_space<vmem_shared>>
      tpu.wait_dma2 semaphore(%run_scoped3A_104 : memref<!tpu.dma_semaphore, #tpu.memory_space<semaphore_mem>>) src(%arg9 : memref<128x128xf32, #tpu.memory_space<vmem>>) dst(%dma_wait3A_112 : memref<128x128xf32, #tpu.memory_space<vmem_shared>>)
      tpu.yield
    }) : () -> ()
    %mul3A_14 = arith.constant 640 : i32
    %mul3A_15 = arith.muli %arg1, %mul3A_14 : i32
    %add3A_16 = arith.constant 256 : i32
    %add3A_17 = arith.addi %mul3A_15, %add3A_16 : i32
    "tpu.region"() ({
      %run_scoped3A_104 = tpu.sem_alloc : memref<!tpu.dma_semaphore, #tpu.memory_space<semaphore_mem>>
      %dma_start3A_105 = arith.constant 0 : i32
      %dma_start3A_106 = tpu.memref_slice %arg6[%add3A_17, %dma_start3A_105] : memref<10240x128xf32, #tpu.memory_space<vmem_shared>> -> memref<128x128xf32, #tpu.memory_space<vmem_shared>>
      %dma_start3A_107 = arith.constant 0 : i32
      %dma_start3A_108 = tpu.memref_slice %arg6[%add3A_17, %dma_start3A_107] : memref<10240x128xf32, #tpu.memory_space<vmem_shared>> -> memref<128x128xf32, #tpu.memory_space<vmem_shared>>
      tpu.enqueue_dma source(%arg9 : memref<128x128xf32, #tpu.memory_space<vmem>>) target(%dma_start3A_108 : memref<128x128xf32, #tpu.memory_space<vmem_shared>>) target_semaphore(%run_scoped3A_104 : memref<!tpu.dma_semaphore, #tpu.memory_space<semaphore_mem>>)
      %dma_wait3A_109 = arith.constant 0 : i32
      %dma_wait3A_110 = tpu.memref_slice %arg6[%add3A_17, %dma_wait3A_109] : memref<10240x128xf32, #tpu.memory_space<vmem_shared>> -> memref<128x128xf32, #tpu.memory_space<vmem_shared>>
      %dma_wait3A_111 = arith.constant 0 : i32
      %dma_wait3A_112 = tpu.memref_slice %arg6[%add3A_17, %dma_wait3A_111] : memref<10240x128xf32, #tpu.memory_space<vmem_shared>> -> memref<128x128xf32, #tpu.memory_space<vmem_shared>>
      tpu.wait_dma2 semaphore(%run_scoped3A_104 : memref<!tpu.dma_semaphore, #tpu.memory_space<semaphore_mem>>) src(%arg9 : memref<128x128xf32, #tpu.memory_space<vmem>>) dst(%dma_wait3A_112 : memref<128x128xf32, #tpu.memory_space<vmem_shared>>)
      tpu.yield
    }) : () -> ()
    %mul3A_18 = arith.constant 640 : i32
    %mul3A_19 = arith.muli %arg1, %mul3A_18 : i32
    %add3A_20 = arith.constant 384 : i32
    %add3A_21 = arith.addi %mul3A_19, %add3A_20 : i32
    "tpu.region"() ({
      %run_scoped3A_104 = tpu.sem_alloc : memref<!tpu.dma_semaphore, #tpu.memory_space<semaphore_mem>>
      %dma_start3A_105 = arith.constant 0 : i32
      %dma_start3A_106 = tpu.memref_slice %arg6[%add3A_21, %dma_start3A_105] : memref<10240x128xf32, #tpu.memory_space<vmem_shared>> -> memref<128x128xf32, #tpu.memory_space<vmem_shared>>
      %dma_start3A_107 = arith.constant 0 : i32
      %dma_start3A_108 = tpu.memref_slice %arg6[%add3A_21, %dma_start3A_107] : memref<10240x128xf32, #tpu.memory_space<vmem_shared>> -> memref<128x128xf32, #tpu.memory_space<vmem_shared>>
      tpu.enqueue_dma source(%arg9 : memref<128x128xf32, #tpu.memory_space<vmem>>) target(%dma_start3A_108 : memref<128x128xf32, #tpu.memory_space<vmem_shared>>) target_semaphore(%run_scoped3A_104 : memref<!tpu.dma_semaphore, #tpu.memory_space<semaphore_mem>>)
      %dma_wait3A_109 = arith.constant 0 : i32
      %dma_wait3A_110 = tpu.memref_slice %arg6[%add3A_21, %dma_wait3A_109] : memref<10240x128xf32, #tpu.memory_space<vmem_shared>> -> memref<128x128xf32, #tpu.memory_space<vmem_shared>>
      %dma_wait3A_111 = arith.constant 0 : i32
      %dma_wait3A_112 = tpu.memref_slice %arg6[%add3A_21, %dma_wait3A_111] : memref<10240x128xf32, #tpu.memory_space<vmem_shared>> -> memref<128x128xf32, #tpu.memory_space<vmem_shared>>
      tpu.wait_dma2 semaphore(%run_scoped3A_104 : memref<!tpu.dma_semaphore, #tpu.memory_space<semaphore_mem>>) src(%arg9 : memref<128x128xf32, #tpu.memory_space<vmem>>) dst(%dma_wait3A_112 : memref<128x128xf32, #tpu.memory_space<vmem_shared>>)
      tpu.yield
    }) : () -> ()
    %mul3A_22 = arith.constant 640 : i32
    %mul3A_23 = arith.muli %arg1, %mul3A_22 : i32
    %add3A_24 = arith.constant 512 : i32
    %add3A_25 = arith.addi %mul3A_23, %add3A_24 : i32
    "tpu.region"() ({
      %run_scoped3A_104 = tpu.sem_alloc : memref<!tpu.dma_semaphore, #tpu.memory_space<semaphore_mem>>
      %dma_start3A_105 = arith.constant 0 : i32
      %dma_start3A_106 = tpu.memref_slice %arg6[%add3A_25, %dma_start3A_105] : memref<10240x128xf32, #tpu.memory_space<vmem_shared>> -> memref<128x128xf32, #tpu.memory_space<vmem_shared>>
      %dma_start3A_107 = arith.constant 0 : i32
      %dma_start3A_108 = tpu.memref_slice %arg6[%add3A_25, %dma_start3A_107] : memref<10240x128xf32, #tpu.memory_space<vmem_shared>> -> memref<128x128xf32, #tpu.memory_space<vmem_shared>>
      tpu.enqueue_dma source(%arg9 : memref<128x128xf32, #tpu.memory_space<vmem>>) target(%dma_start3A_108 : memref<128x128xf32, #tpu.memory_space<vmem_shared>>) target_semaphore(%run_scoped3A_104 : memref<!tpu.dma_semaphore, #tpu.memory_space<semaphore_mem>>)
      %dma_wait3A_109 = arith.constant 0 : i32
      %dma_wait3A_110 = tpu.memref_slice %arg6[%add3A_25, %dma_wait3A_109] : memref<10240x128xf32, #tpu.memory_space<vmem_shared>> -> memref<128x128xf32, #tpu.memory_space<vmem_shared>>
      %dma_wait3A_111 = arith.constant 0 : i32
      %dma_wait3A_112 = tpu.memref_slice %arg6[%add3A_25, %dma_wait3A_111] : memref<10240x128xf32, #tpu.memory_space<vmem_shared>> -> memref<128x128xf32, #tpu.memory_space<vmem_shared>>
      tpu.wait_dma2 semaphore(%run_scoped3A_104 : memref<!tpu.dma_semaphore, #tpu.memory_space<semaphore_mem>>) src(%arg9 : memref<128x128xf32, #tpu.memory_space<vmem>>) dst(%dma_wait3A_112 : memref<128x128xf32, #tpu.memory_space<vmem_shared>>)
      tpu.yield
    }) : () -> ()
    %run_scoped3A = arith.constant 0 : i32
    "tpu.region"() ({
      %run_scoped3A_104 = tpu.sem_alloc : memref<!tpu.dma_semaphore, #tpu.memory_space<semaphore_mem>>
      %dma_start3A_105 = arith.constant 0 : i32
      %dma_start3A_106 = arith.constant 0 : i32
      %dma_start3A_107 = tpu.memref_slice %arg3[%add3A, %run_scoped3A, %dma_start3A_105, %dma_start3A_106] : memref<32x2x40x128xi32, #tpu.memory_space<hbm>> -> memref<1x1x40x128xi32, #tpu.memory_space<hbm>>
      %dma_start3A_108 = tpu.memref_squeeze %dma_start3A_107 : memref<1x1x40x128xi32, #tpu.memory_space<hbm>> -> memref<40x128xi32, #tpu.memory_space<hbm>>
      %dma_start3A_109 = arith.constant 0 : i32
      %dma_start3A_110 = arith.constant 0 : i32
      %dma_start3A_111 = tpu.memref_slice %arg3[%add3A, %run_scoped3A, %dma_start3A_109, %dma_start3A_110] : memref<32x2x40x128xi32, #tpu.memory_space<hbm>> -> memref<1x1x40x128xi32, #tpu.memory_space<hbm>>
      %dma_start3A_112 = tpu.memref_squeeze %dma_start3A_111 : memref<1x1x40x128xi32, #tpu.memory_space<hbm>> -> memref<40x128xi32, #tpu.memory_space<hbm>>
      tpu.enqueue_dma source(%dma_start3A_112 : memref<40x128xi32, #tpu.memory_space<hbm>>) target(%arg7 : memref<40x128xi32, #tpu.memory_space<vmem>>) target_semaphore(%run_scoped3A_104 : memref<!tpu.dma_semaphore, #tpu.memory_space<semaphore_mem>>)
      %dma_wait3A_113 = arith.constant 0 : i32
      %dma_wait3A_114 = arith.constant 0 : i32
      %dma_wait3A_115 = tpu.memref_slice %arg3[%add3A, %run_scoped3A, %dma_wait3A_113, %dma_wait3A_114] : memref<32x2x40x128xi32, #tpu.memory_space<hbm>> -> memref<1x1x40x128xi32, #tpu.memory_space<hbm>>
      %dma_wait3A_116 = tpu.memref_squeeze %dma_wait3A_115 : memref<1x1x40x128xi32, #tpu.memory_space<hbm>> -> memref<40x128xi32, #tpu.memory_space<hbm>>
      %dma_wait3A_117 = arith.constant 0 : i32
      %dma_wait3A_118 = arith.constant 0 : i32
      %dma_wait3A_119 = tpu.memref_slice %arg3[%add3A, %run_scoped3A, %dma_wait3A_117, %dma_wait3A_118] : memref<32x2x40x128xi32, #tpu.memory_space<hbm>> -> memref<1x1x40x128xi32, #tpu.memory_space<hbm>>
      %dma_wait3A_120 = tpu.memref_squeeze %dma_wait3A_119 : memref<1x1x40x128xi32, #tpu.memory_space<hbm>> -> memref<40x128xi32, #tpu.memory_space<hbm>>
      tpu.wait_dma2 semaphore(%run_scoped3A_104 : memref<!tpu.dma_semaphore, #tpu.memory_space<semaphore_mem>>) src(%dma_wait3A_120 : memref<40x128xi32, #tpu.memory_space<hbm>>) dst(%arg7 : memref<40x128xi32, #tpu.memory_space<vmem>>)
      tpu.yield
    }) : () -> ()
    %run_scoped3A_26 = arith.constant 0 : i32
    "tpu.region"() ({
      %run_scoped3A_104 = tpu.sem_alloc : memref<!tpu.dma_semaphore, #tpu.memory_space<semaphore_mem>>
      %dma_start3A_105 = arith.constant 0 : i32
      %dma_start3A_106 = arith.constant 0 : i32
      %dma_start3A_107 = tpu.memref_slice %arg4[%add3A, %run_scoped3A_26, %dma_start3A_105, %dma_start3A_106] : memref<32x2x40x128xi32, #tpu.memory_space<hbm>> -> memref<1x1x40x128xi32, #tpu.memory_space<hbm>>
      %dma_start3A_108 = tpu.memref_squeeze %dma_start3A_107 : memref<1x1x40x128xi32, #tpu.memory_space<hbm>> -> memref<40x128xi32, #tpu.memory_space<hbm>>
      %dma_start3A_109 = arith.constant 0 : i32
      %dma_start3A_110 = arith.constant 0 : i32
      %dma_start3A_111 = tpu.memref_slice %arg4[%add3A, %run_scoped3A_26, %dma_start3A_109, %dma_start3A_110] : memref<32x2x40x128xi32, #tpu.memory_space<hbm>> -> memref<1x1x40x128xi32, #tpu.memory_space<hbm>>
      %dma_start3A_112 = tpu.memref_squeeze %dma_start3A_111 : memref<1x1x40x128xi32, #tpu.memory_space<hbm>> -> memref<40x128xi32, #tpu.memory_space<hbm>>
      tpu.enqueue_dma source(%dma_start3A_112 : memref<40x128xi32, #tpu.memory_space<hbm>>) target(%arg8 : memref<40x128xi32, #tpu.memory_space<vmem>>) target_semaphore(%run_scoped3A_104 : memref<!tpu.dma_semaphore, #tpu.memory_space<semaphore_mem>>)
      %dma_wait3A_113 = arith.constant 0 : i32
      %dma_wait3A_114 = arith.constant 0 : i32
      %dma_wait3A_115 = tpu.memref_slice %arg4[%add3A, %run_scoped3A_26, %dma_wait3A_113, %dma_wait3A_114] : memref<32x2x40x128xi32, #tpu.memory_space<hbm>> -> memref<1x1x40x128xi32, #tpu.memory_space<hbm>>
      %dma_wait3A_116 = tpu.memref_squeeze %dma_wait3A_115 : memref<1x1x40x128xi32, #tpu.memory_space<hbm>> -> memref<40x128xi32, #tpu.memory_space<hbm>>
      %dma_wait3A_117 = arith.constant 0 : i32
      %dma_wait3A_118 = arith.constant 0 : i32
      %dma_wait3A_119 = tpu.memref_slice %arg4[%add3A, %run_scoped3A_26, %dma_wait3A_117, %dma_wait3A_118] : memref<32x2x40x128xi32, #tpu.memory_space<hbm>> -> memref<1x1x40x128xi32, #tpu.memory_space<hbm>>
      %dma_wait3A_120 = tpu.memref_squeeze %dma_wait3A_119 : memref<1x1x40x128xi32, #tpu.memory_space<hbm>> -> memref<40x128xi32, #tpu.memory_space<hbm>>
      tpu.wait_dma2 semaphore(%run_scoped3A_104 : memref<!tpu.dma_semaphore, #tpu.memory_space<semaphore_mem>>) src(%dma_wait3A_120 : memref<40x128xi32, #tpu.memory_space<hbm>>) dst(%arg8 : memref<40x128xi32, #tpu.memory_space<vmem>>)
      tpu.yield
    }) : () -> ()
    %dma_start3A = arith.constant 0 : i32
    %dma_start3A_27 = arith.constant 0 : i32
    %dma_start3A_28 = tpu.memref_slice %arg7[%dma_start3A, %dma_start3A_27] : memref<40x128xi32, #tpu.memory_space<vmem>> -> memref<1x128xi32, #tpu.memory_space<vmem>>
    %dma_start3A_29 = tpu.memref_squeeze %dma_start3A_28 : memref<1x128xi32, #tpu.memory_space<vmem>> -> memref<128xi32, #tpu.memory_space<vmem>>
    %dma_start3A_30 = arith.constant 0 : i32
    %dma_start3A_31 = arith.constant 0 : i32
    %dma_start3A_32 = tpu.memref_slice %arg2[%dma_start3A_30, %dma_start3A_31] : memref<10000x128xf32, #tpu.memory_space<hbm>> -> memref<10000x128xf32, #tpu.memory_space<hbm>>
    tpu.enqueue_indirect_dma source(%dma_start3A_32 : memref<10000x128xf32, #tpu.memory_space<hbm>>) target(%arg9 : memref<128x128xf32, #tpu.memory_space<vmem>>) offsets(%dma_start3A_29 : memref<128xi32, #tpu.memory_space<vmem>>) semaphore(%arg11 : memref<!tpu.dma_semaphore, #tpu.memory_space<semaphore_mem>>)
    %dma_start3A_33 = arith.constant 1 : i32
    %dma_start3A_34 = arith.constant 0 : i32
    %dma_start3A_35 = tpu.memref_slice %arg7[%dma_start3A_33, %dma_start3A_34] : memref<40x128xi32, #tpu.memory_space<vmem>> -> memref<1x128xi32, #tpu.memory_space<vmem>>
    %dma_start3A_36 = tpu.memref_squeeze %dma_start3A_35 : memref<1x128xi32, #tpu.memory_space<vmem>> -> memref<128xi32, #tpu.memory_space<vmem>>
    %dma_start3A_37 = arith.constant 0 : i32
    %dma_start3A_38 = arith.constant 0 : i32
    %dma_start3A_39 = tpu.memref_slice %arg2[%dma_start3A_37, %dma_start3A_38] : memref<10000x128xf32, #tpu.memory_space<hbm>> -> memref<10000x128xf32, #tpu.memory_space<hbm>>
    tpu.enqueue_indirect_dma source(%dma_start3A_39 : memref<10000x128xf32, #tpu.memory_space<hbm>>) target(%arg10 : memref<128x128xf32, #tpu.memory_space<vmem>>) offsets(%dma_start3A_36 : memref<128xi32, #tpu.memory_space<vmem>>) semaphore(%arg12 : memref<!tpu.dma_semaphore, #tpu.memory_space<semaphore_mem>>)
    %barrier3A = arith.constant 0 : index
    tpu.barrier barrier_id(%barrier3A)
    %scan3A_40 = arith.constant 0 : i32
    %scan3A_41 = arith.constant 0 : i32
    %scan3A_42 = arith.constant 19 : i32
    %scan3A_43 = arith.addi %scan3A_41, %scan3A_42 : i32
    %scan3A_44 = arith.constant 1 : i32
    scf.for %scan3A_104 = %scan3A_41 to %scan3A_43 step %scan3A_44  : i32 {
      %mul3A_105 = arith.constant 2 : i32
      %mul3A_106 = arith.muli %mul3A_105, %scan3A_104 : i32
      %dma_wait3A_107 = arith.constant 0 : i32
      %dma_wait3A_108 = tpu.memref_slice %arg7[%mul3A_106, %dma_wait3A_107] : memref<40x128xi32, #tpu.memory_space<vmem>> -> memref<1x128xi32, #tpu.memory_space<vmem>>
      %dma_wait3A_109 = tpu.memref_squeeze %dma_wait3A_108 : memref<1x128xi32, #tpu.memory_space<vmem>> -> memref<128xi32, #tpu.memory_space<vmem>>
      %dma_wait3A_110 = arith.constant 0 : i32
      %dma_wait3A_111 = arith.constant 0 : i32
      %dma_wait3A_112 = tpu.memref_slice %arg2[%dma_wait3A_110, %dma_wait3A_111] : memref<10000x128xf32, #tpu.memory_space<hbm>> -> memref<10000x128xf32, #tpu.memory_space<hbm>>
      tpu.wait_indirect_dma semaphore(%arg11 : memref<!tpu.dma_semaphore, #tpu.memory_space<semaphore_mem>>) src(%dma_wait3A_112 : memref<10000x128xf32, #tpu.memory_space<hbm>>) dst(%arg9 : memref<128x128xf32, #tpu.memory_space<vmem>>)
      "tpu.region"() ({
        %run_scoped3A_139 = tpu.sem_alloc : memref<!tpu.dma_semaphore, #tpu.memory_space<semaphore_mem>>
        %dma_start3A_140 = arith.constant 0 : i32
        %dma_start3A_141 = tpu.memref_slice %arg8[%mul3A_106, %dma_start3A_140] : memref<40x128xi32, #tpu.memory_space<vmem>> -> memref<1x128xi32, #tpu.memory_space<vmem>>
        %dma_start3A_142 = tpu.memref_squeeze %dma_start3A_141 : memref<1x128xi32, #tpu.memory_space<vmem>> -> memref<128xi32, #tpu.memory_space<vmem>>
        %dma_start3A_143 = arith.constant 0 : i32
        %dma_start3A_144 = arith.constant 0 : i32
        %dma_start3A_145 = tpu.memref_slice %arg6[%dma_start3A_143, %dma_start3A_144] : memref<10240x128xf32, #tpu.memory_space<vmem_shared>> -> memref<10240x128xf32, #tpu.memory_space<vmem_shared>>
        tpu.enqueue_indirect_dma source(%arg9 : memref<128x128xf32, #tpu.memory_space<vmem>>) target(%dma_start3A_145 : memref<10240x128xf32, #tpu.memory_space<vmem_shared>>) offsets(%dma_start3A_142 : memref<128xi32, #tpu.memory_space<vmem>>) semaphore(%run_scoped3A_139 : memref<!tpu.dma_semaphore, #tpu.memory_space<semaphore_mem>>) {add = true}
        %dma_wait3A_146 = arith.constant 0 : i32
        %dma_wait3A_147 = tpu.memref_slice %arg8[%mul3A_106, %dma_wait3A_146] : memref<40x128xi32, #tpu.memory_space<vmem>> -> memref<1x128xi32, #tpu.memory_space<vmem>>
        %dma_wait3A_148 = tpu.memref_squeeze %dma_wait3A_147 : memref<1x128xi32, #tpu.memory_space<vmem>> -> memref<128xi32, #tpu.memory_space<vmem>>
        %dma_wait3A_149 = arith.constant 0 : i32
        %dma_wait3A_150 = arith.constant 0 : i32
        %dma_wait3A_151 = tpu.memref_slice %arg6[%dma_wait3A_149, %dma_wait3A_150] : memref<10240x128xf32, #tpu.memory_space<vmem_shared>> -> memref<10240x128xf32, #tpu.memory_space<vmem_shared>>
        tpu.wait_indirect_dma semaphore(%run_scoped3A_139 : memref<!tpu.dma_semaphore, #tpu.memory_space<semaphore_mem>>) src(%arg9 : memref<128x128xf32, #tpu.memory_space<vmem>>) dst(%dma_wait3A_151 : memref<10240x128xf32, #tpu.memory_space<vmem_shared>>)
        tpu.yield
      }) : () -> ()
      %add3A_113 = arith.constant 2 : i32
      %add3A_114 = arith.addi %mul3A_106, %add3A_113 : i32
      %dma_start3A_115 = arith.constant 0 : i32
      %dma_start3A_116 = tpu.memref_slice %arg7[%add3A_114, %dma_start3A_115] : memref<40x128xi32, #tpu.memory_space<vmem>> -> memref<1x128xi32, #tpu.memory_space<vmem>>
      %dma_start3A_117 = tpu.memref_squeeze %dma_start3A_116 : memref<1x128xi32, #tpu.memory_space<vmem>> -> memref<128xi32, #tpu.memory_space<vmem>>
      %dma_start3A_118 = arith.constant 0 : i32
      %dma_start3A_119 = arith.constant 0 : i32
      %dma_start3A_120 = tpu.memref_slice %arg2[%dma_start3A_118, %dma_start3A_119] : memref<10000x128xf32, #tpu.memory_space<hbm>> -> memref<10000x128xf32, #tpu.memory_space<hbm>>
      tpu.enqueue_indirect_dma source(%dma_start3A_120 : memref<10000x128xf32, #tpu.memory_space<hbm>>) target(%arg9 : memref<128x128xf32, #tpu.memory_space<vmem>>) offsets(%dma_start3A_117 : memref<128xi32, #tpu.memory_space<vmem>>) semaphore(%arg11 : memref<!tpu.dma_semaphore, #tpu.memory_space<semaphore_mem>>)
      %add3A_121 = arith.constant 1 : i32
      %add3A_122 = arith.addi %mul3A_106, %add3A_121 : i32
      %dma_wait3A_123 = arith.constant 0 : i32
      %dma_wait3A_124 = tpu.memref_slice %arg7[%add3A_122, %dma_wait3A_123] : memref<40x128xi32, #tpu.memory_space<vmem>> -> memref<1x128xi32, #tpu.memory_space<vmem>>
      %dma_wait3A_125 = tpu.memref_squeeze %dma_wait3A_124 : memref<1x128xi32, #tpu.memory_space<vmem>> -> memref<128xi32, #tpu.memory_space<vmem>>
      %dma_wait3A_126 = arith.constant 0 : i32
      %dma_wait3A_127 = arith.constant 0 : i32
      %dma_wait3A_128 = tpu.memref_slice %arg2[%dma_wait3A_126, %dma_wait3A_127] : memref<10000x128xf32, #tpu.memory_space<hbm>> -> memref<10000x128xf32, #tpu.memory_space<hbm>>
      tpu.wait_indirect_dma semaphore(%arg12 : memref<!tpu.dma_semaphore, #tpu.memory_space<semaphore_mem>>) src(%dma_wait3A_128 : memref<10000x128xf32, #tpu.memory_space<hbm>>) dst(%arg10 : memref<128x128xf32, #tpu.memory_space<vmem>>)
      %add3A_129 = arith.constant 1 : i32
      %add3A_130 = arith.addi %mul3A_106, %add3A_129 : i32
      "tpu.region"() ({
        %run_scoped3A_139 = tpu.sem_alloc : memref<!tpu.dma_semaphore, #tpu.memory_space<semaphore_mem>>
        %dma_start3A_140 = arith.constant 0 : i32
        %dma_start3A_141 = tpu.memref_slice %arg8[%add3A_130, %dma_start3A_140] : memref<40x128xi32, #tpu.memory_space<vmem>> -> memref<1x128xi32, #tpu.memory_space<vmem>>
        %dma_start3A_142 = tpu.memref_squeeze %dma_start3A_141 : memref<1x128xi32, #tpu.memory_space<vmem>> -> memref<128xi32, #tpu.memory_space<vmem>>
        %dma_start3A_143 = arith.constant 0 : i32
        %dma_start3A_144 = arith.constant 0 : i32
        %dma_start3A_145 = tpu.memref_slice %arg6[%dma_start3A_143, %dma_start3A_144] : memref<10240x128xf32, #tpu.memory_space<vmem_shared>> -> memref<10240x128xf32, #tpu.memory_space<vmem_shared>>
        tpu.enqueue_indirect_dma source(%arg10 : memref<128x128xf32, #tpu.memory_space<vmem>>) target(%dma_start3A_145 : memref<10240x128xf32, #tpu.memory_space<vmem_shared>>) offsets(%dma_start3A_142 : memref<128xi32, #tpu.memory_space<vmem>>) semaphore(%run_scoped3A_139 : memref<!tpu.dma_semaphore, #tpu.memory_space<semaphore_mem>>) {add = true}
        %dma_wait3A_146 = arith.constant 0 : i32
        %dma_wait3A_147 = tpu.memref_slice %arg8[%add3A_130, %dma_wait3A_146] : memref<40x128xi32, #tpu.memory_space<vmem>> -> memref<1x128xi32, #tpu.memory_space<vmem>>
        %dma_wait3A_148 = tpu.memref_squeeze %dma_wait3A_147 : memref<1x128xi32, #tpu.memory_space<vmem>> -> memref<128xi32, #tpu.memory_space<vmem>>
        %dma_wait3A_149 = arith.constant 0 : i32
        %dma_wait3A_150 = arith.constant 0 : i32
        %dma_wait3A_151 = tpu.memref_slice %arg6[%dma_wait3A_149, %dma_wait3A_150] : memref<10240x128xf32, #tpu.memory_space<vmem_shared>> -> memref<10240x128xf32, #tpu.memory_space<vmem_shared>>
        tpu.wait_indirect_dma semaphore(%run_scoped3A_139 : memref<!tpu.dma_semaphore, #tpu.memory_space<semaphore_mem>>) src(%arg10 : memref<128x128xf32, #tpu.memory_space<vmem>>) dst(%dma_wait3A_151 : memref<10240x128xf32, #tpu.memory_space<vmem_shared>>)
        tpu.yield
      }) : () -> ()
      %add3A_131 = arith.constant 3 : i32
      %add3A_132 = arith.addi %mul3A_106, %add3A_131 : i32
      %dma_start3A_133 = arith.constant 0 : i32
      %dma_start3A_134 = tpu.memref_slice %arg7[%add3A_132, %dma_start3A_133] : memref<40x128xi32, #tpu.memory_space<vmem>> -> memref<1x128xi32, #tpu.memory_space<vmem>>
      %dma_start3A_135 = tpu.memref_squeeze %dma_start3A_134 : memref<1x128xi32, #tpu.memory_space<vmem>> -> memref<128xi32, #tpu.memory_space<vmem>>
      %dma_start3A_136 = arith.constant 0 : i32
      %dma_start3A_137 = arith.constant 0 : i32
      %dma_start3A_138 = tpu.memref_slice %arg2[%dma_start3A_136, %dma_start3A_137] : memref<10000x128xf32, #tpu.memory_space<hbm>> -> memref<10000x128xf32, #tpu.memory_space<hbm>>
      tpu.enqueue_indirect_dma source(%dma_start3A_138 : memref<10000x128xf32, #tpu.memory_space<hbm>>) target(%arg10 : memref<128x128xf32, #tpu.memory_space<vmem>>) offsets(%dma_start3A_135 : memref<128xi32, #tpu.memory_space<vmem>>) semaphore(%arg12 : memref<!tpu.dma_semaphore, #tpu.memory_space<semaphore_mem>>)
    }
    %scan3A_45 = arith.constant 19 : i32
    %dma_wait3A = arith.constant 38 : i32
    %dma_wait3A_46 = arith.constant 0 : i32
    %dma_wait3A_47 = tpu.memref_slice %arg7[%dma_wait3A, %dma_wait3A_46] : memref<40x128xi32, #tpu.memory_space<vmem>> -> memref<1x128xi32, #tpu.memory_space<vmem>>
    %dma_wait3A_48 = tpu.memref_squeeze %dma_wait3A_47 : memref<1x128xi32, #tpu.memory_space<vmem>> -> memref<128xi32, #tpu.memory_space<vmem>>
    %dma_wait3A_49 = arith.constant 0 : i32
    %dma_wait3A_50 = arith.constant 0 : i32
    %dma_wait3A_51 = tpu.memref_slice %arg2[%dma_wait3A_49, %dma_wait3A_50] : memref<10000x128xf32, #tpu.memory_space<hbm>> -> memref<10000x128xf32, #tpu.memory_space<hbm>>
    tpu.wait_indirect_dma semaphore(%arg11 : memref<!tpu.dma_semaphore, #tpu.memory_space<semaphore_mem>>) src(%dma_wait3A_51 : memref<10000x128xf32, #tpu.memory_space<hbm>>) dst(%arg9 : memref<128x128xf32, #tpu.memory_space<vmem>>)
    %run_scoped3A_52 = arith.constant 38 : i32
    "tpu.region"() ({
      %run_scoped3A_104 = tpu.sem_alloc : memref<!tpu.dma_semaphore, #tpu.memory_space<semaphore_mem>>
      %dma_start3A_105 = arith.constant 0 : i32
      %dma_start3A_106 = tpu.memref_slice %arg8[%run_scoped3A_52, %dma_start3A_105] : memref<40x128xi32, #tpu.memory_space<vmem>> -> memref<1x128xi32, #tpu.memory_space<vmem>>
      %dma_start3A_107 = tpu.memref_squeeze %dma_start3A_106 : memref<1x128xi32, #tpu.memory_space<vmem>> -> memref<128xi32, #tpu.memory_space<vmem>>
      %dma_start3A_108 = arith.constant 0 : i32
      %dma_start3A_109 = arith.constant 0 : i32
      %dma_start3A_110 = tpu.memref_slice %arg6[%dma_start3A_108, %dma_start3A_109] : memref<10240x128xf32, #tpu.memory_space<vmem_shared>> -> memref<10240x128xf32, #tpu.memory_space<vmem_shared>>
      tpu.enqueue_indirect_dma source(%arg9 : memref<128x128xf32, #tpu.memory_space<vmem>>) target(%dma_start3A_110 : memref<10240x128xf32, #tpu.memory_space<vmem_shared>>) offsets(%dma_start3A_107 : memref<128xi32, #tpu.memory_space<vmem>>) semaphore(%run_scoped3A_104 : memref<!tpu.dma_semaphore, #tpu.memory_space<semaphore_mem>>) {add = true}
      %dma_wait3A_111 = arith.constant 0 : i32
      %dma_wait3A_112 = tpu.memref_slice %arg8[%run_scoped3A_52, %dma_wait3A_111] : memref<40x128xi32, #tpu.memory_space<vmem>> -> memref<1x128xi32, #tpu.memory_space<vmem>>
      %dma_wait3A_113 = tpu.memref_squeeze %dma_wait3A_112 : memref<1x128xi32, #tpu.memory_space<vmem>> -> memref<128xi32, #tpu.memory_space<vmem>>
      %dma_wait3A_114 = arith.constant 0 : i32
      %dma_wait3A_115 = arith.constant 0 : i32
      %dma_wait3A_116 = tpu.memref_slice %arg6[%dma_wait3A_114, %dma_wait3A_115] : memref<10240x128xf32, #tpu.memory_space<vmem_shared>> -> memref<10240x128xf32, #tpu.memory_space<vmem_shared>>
      tpu.wait_indirect_dma semaphore(%run_scoped3A_104 : memref<!tpu.dma_semaphore, #tpu.memory_space<semaphore_mem>>) src(%arg9 : memref<128x128xf32, #tpu.memory_space<vmem>>) dst(%dma_wait3A_116 : memref<10240x128xf32, #tpu.memory_space<vmem_shared>>)
      tpu.yield
    }) : () -> ()
    %dma_wait3A_53 = arith.constant 39 : i32
    %dma_wait3A_54 = arith.constant 0 : i32
    %dma_wait3A_55 = tpu.memref_slice %arg7[%dma_wait3A_53, %dma_wait3A_54] : memref<40x128xi32, #tpu.memory_space<vmem>> -> memref<1x128xi32, #tpu.memory_space<vmem>>
    %dma_wait3A_56 = tpu.memref_squeeze %dma_wait3A_55 : memref<1x128xi32, #tpu.memory_space<vmem>> -> memref<128xi32, #tpu.memory_space<vmem>>
    %dma_wait3A_57 = arith.constant 0 : i32
    %dma_wait3A_58 = arith.constant 0 : i32
    %dma_wait3A_59 = tpu.memref_slice %arg2[%dma_wait3A_57, %dma_wait3A_58] : memref<10000x128xf32, #tpu.memory_space<hbm>> -> memref<10000x128xf32, #tpu.memory_space<hbm>>
    tpu.wait_indirect_dma semaphore(%arg12 : memref<!tpu.dma_semaphore, #tpu.memory_space<semaphore_mem>>) src(%dma_wait3A_59 : memref<10000x128xf32, #tpu.memory_space<hbm>>) dst(%arg10 : memref<128x128xf32, #tpu.memory_space<vmem>>)
    %run_scoped3A_60 = arith.constant 39 : i32
    "tpu.region"() ({
      %run_scoped3A_104 = tpu.sem_alloc : memref<!tpu.dma_semaphore, #tpu.memory_space<semaphore_mem>>
      %dma_start3A_105 = arith.constant 0 : i32
      %dma_start3A_106 = tpu.memref_slice %arg8[%run_scoped3A_60, %dma_start3A_105] : memref<40x128xi32, #tpu.memory_space<vmem>> -> memref<1x128xi32, #tpu.memory_space<vmem>>
      %dma_start3A_107 = tpu.memref_squeeze %dma_start3A_106 : memref<1x128xi32, #tpu.memory_space<vmem>> -> memref<128xi32, #tpu.memory_space<vmem>>
      %dma_start3A_108 = arith.constant 0 : i32
      %dma_start3A_109 = arith.constant 0 : i32
      %dma_start3A_110 = tpu.memref_slice %arg6[%dma_start3A_108, %dma_start3A_109] : memref<10240x128xf32, #tpu.memory_space<vmem_shared>> -> memref<10240x128xf32, #tpu.memory_space<vmem_shared>>
      tpu.enqueue_indirect_dma source(%arg10 : memref<128x128xf32, #tpu.memory_space<vmem>>) target(%dma_start3A_110 : memref<10240x128xf32, #tpu.memory_space<vmem_shared>>) offsets(%dma_start3A_107 : memref<128xi32, #tpu.memory_space<vmem>>) semaphore(%run_scoped3A_104 : memref<!tpu.dma_semaphore, #tpu.memory_space<semaphore_mem>>) {add = true}
      %dma_wait3A_111 = arith.constant 0 : i32
      %dma_wait3A_112 = tpu.memref_slice %arg8[%run_scoped3A_60, %dma_wait3A_111] : memref<40x128xi32, #tpu.memory_space<vmem>> -> memref<1x128xi32, #tpu.memory_space<vmem>>
      %dma_wait3A_113 = tpu.memref_squeeze %dma_wait3A_112 : memref<1x128xi32, #tpu.memory_space<vmem>> -> memref<128xi32, #tpu.memory_space<vmem>>
      %dma_wait3A_114 = arith.constant 0 : i32
      %dma_wait3A_115 = arith.constant 0 : i32
      %dma_wait3A_116 = tpu.memref_slice %arg6[%dma_wait3A_114, %dma_wait3A_115] : memref<10240x128xf32, #tpu.memory_space<vmem_shared>> -> memref<10240x128xf32, #tpu.memory_space<vmem_shared>>
      tpu.wait_indirect_dma semaphore(%run_scoped3A_104 : memref<!tpu.dma_semaphore, #tpu.memory_space<semaphore_mem>>) src(%arg10 : memref<128x128xf32, #tpu.memory_space<vmem>>) dst(%dma_wait3A_116 : memref<10240x128xf32, #tpu.memory_space<vmem_shared>>)
      tpu.yield
    }) : () -> ()
    %run_scoped3A_61 = arith.constant 1 : i32
    "tpu.region"() ({
      %run_scoped3A_104 = tpu.sem_alloc : memref<!tpu.dma_semaphore, #tpu.memory_space<semaphore_mem>>
      %dma_start3A_105 = arith.constant 0 : i32
      %dma_start3A_106 = arith.constant 0 : i32
      %dma_start3A_107 = tpu.memref_slice %arg3[%add3A, %run_scoped3A_61, %dma_start3A_105, %dma_start3A_106] : memref<32x2x40x128xi32, #tpu.memory_space<hbm>> -> memref<1x1x40x128xi32, #tpu.memory_space<hbm>>
      %dma_start3A_108 = tpu.memref_squeeze %dma_start3A_107 : memref<1x1x40x128xi32, #tpu.memory_space<hbm>> -> memref<40x128xi32, #tpu.memory_space<hbm>>
      %dma_start3A_109 = arith.constant 0 : i32
      %dma_start3A_110 = arith.constant 0 : i32
      %dma_start3A_111 = tpu.memref_slice %arg3[%add3A, %run_scoped3A_61, %dma_start3A_109, %dma_start3A_110] : memref<32x2x40x128xi32, #tpu.memory_space<hbm>> -> memref<1x1x40x128xi32, #tpu.memory_space<hbm>>
      %dma_start3A_112 = tpu.memref_squeeze %dma_start3A_111 : memref<1x1x40x128xi32, #tpu.memory_space<hbm>> -> memref<40x128xi32, #tpu.memory_space<hbm>>
      tpu.enqueue_dma source(%dma_start3A_112 : memref<40x128xi32, #tpu.memory_space<hbm>>) target(%arg7 : memref<40x128xi32, #tpu.memory_space<vmem>>) target_semaphore(%run_scoped3A_104 : memref<!tpu.dma_semaphore, #tpu.memory_space<semaphore_mem>>)
      %dma_wait3A_113 = arith.constant 0 : i32
      %dma_wait3A_114 = arith.constant 0 : i32
      %dma_wait3A_115 = tpu.memref_slice %arg3[%add3A, %run_scoped3A_61, %dma_wait3A_113, %dma_wait3A_114] : memref<32x2x40x128xi32, #tpu.memory_space<hbm>> -> memref<1x1x40x128xi32, #tpu.memory_space<hbm>>
      %dma_wait3A_116 = tpu.memref_squeeze %dma_wait3A_115 : memref<1x1x40x128xi32, #tpu.memory_space<hbm>> -> memref<40x128xi32, #tpu.memory_space<hbm>>
      %dma_wait3A_117 = arith.constant 0 : i32
      %dma_wait3A_118 = arith.constant 0 : i32
      %dma_wait3A_119 = tpu.memref_slice %arg3[%add3A, %run_scoped3A_61, %dma_wait3A_117, %dma_wait3A_118] : memref<32x2x40x128xi32, #tpu.memory_space<hbm>> -> memref<1x1x40x128xi32, #tpu.memory_space<hbm>>
      %dma_wait3A_120 = tpu.memref_squeeze %dma_wait3A_119 : memref<1x1x40x128xi32, #tpu.memory_space<hbm>> -> memref<40x128xi32, #tpu.memory_space<hbm>>
      tpu.wait_dma2 semaphore(%run_scoped3A_104 : memref<!tpu.dma_semaphore, #tpu.memory_space<semaphore_mem>>) src(%dma_wait3A_120 : memref<40x128xi32, #tpu.memory_space<hbm>>) dst(%arg7 : memref<40x128xi32, #tpu.memory_space<vmem>>)
      tpu.yield
    }) : () -> ()
    %run_scoped3A_62 = arith.constant 1 : i32
    "tpu.region"() ({
      %run_scoped3A_104 = tpu.sem_alloc : memref<!tpu.dma_semaphore, #tpu.memory_space<semaphore_mem>>
      %dma_start3A_105 = arith.constant 0 : i32
      %dma_start3A_106 = arith.constant 0 : i32
      %dma_start3A_107 = tpu.memref_slice %arg4[%add3A, %run_scoped3A_62, %dma_start3A_105, %dma_start3A_106] : memref<32x2x40x128xi32, #tpu.memory_space<hbm>> -> memref<1x1x40x128xi32, #tpu.memory_space<hbm>>
      %dma_start3A_108 = tpu.memref_squeeze %dma_start3A_107 : memref<1x1x40x128xi32, #tpu.memory_space<hbm>> -> memref<40x128xi32, #tpu.memory_space<hbm>>
      %dma_start3A_109 = arith.constant 0 : i32
      %dma_start3A_110 = arith.constant 0 : i32
      %dma_start3A_111 = tpu.memref_slice %arg4[%add3A, %run_scoped3A_62, %dma_start3A_109, %dma_start3A_110] : memref<32x2x40x128xi32, #tpu.memory_space<hbm>> -> memref<1x1x40x128xi32, #tpu.memory_space<hbm>>
      %dma_start3A_112 = tpu.memref_squeeze %dma_start3A_111 : memref<1x1x40x128xi32, #tpu.memory_space<hbm>> -> memref<40x128xi32, #tpu.memory_space<hbm>>
      tpu.enqueue_dma source(%dma_start3A_112 : memref<40x128xi32, #tpu.memory_space<hbm>>) target(%arg8 : memref<40x128xi32, #tpu.memory_space<vmem>>) target_semaphore(%run_scoped3A_104 : memref<!tpu.dma_semaphore, #tpu.memory_space<semaphore_mem>>)
      %dma_wait3A_113 = arith.constant 0 : i32
      %dma_wait3A_114 = arith.constant 0 : i32
      %dma_wait3A_115 = tpu.memref_slice %arg4[%add3A, %run_scoped3A_62, %dma_wait3A_113, %dma_wait3A_114] : memref<32x2x40x128xi32, #tpu.memory_space<hbm>> -> memref<1x1x40x128xi32, #tpu.memory_space<hbm>>
      %dma_wait3A_116 = tpu.memref_squeeze %dma_wait3A_115 : memref<1x1x40x128xi32, #tpu.memory_space<hbm>> -> memref<40x128xi32, #tpu.memory_space<hbm>>
      %dma_wait3A_117 = arith.constant 0 : i32
      %dma_wait3A_118 = arith.constant 0 : i32
      %dma_wait3A_119 = tpu.memref_slice %arg4[%add3A, %run_scoped3A_62, %dma_wait3A_117, %dma_wait3A_118] : memref<32x2x40x128xi32, #tpu.memory_space<hbm>> -> memref<1x1x40x128xi32, #tpu.memory_space<hbm>>
      %dma_wait3A_120 = tpu.memref_squeeze %dma_wait3A_119 : memref<1x1x40x128xi32, #tpu.memory_space<hbm>> -> memref<40x128xi32, #tpu.memory_space<hbm>>
      tpu.wait_dma2 semaphore(%run_scoped3A_104 : memref<!tpu.dma_semaphore, #tpu.memory_space<semaphore_mem>>) src(%dma_wait3A_120 : memref<40x128xi32, #tpu.memory_space<hbm>>) dst(%arg8 : memref<40x128xi32, #tpu.memory_space<vmem>>)
      tpu.yield
    }) : () -> ()
    %dma_start3A_63 = arith.constant 0 : i32
    %dma_start3A_64 = arith.constant 0 : i32
    %dma_start3A_65 = tpu.memref_slice %arg7[%dma_start3A_63, %dma_start3A_64] : memref<40x128xi32, #tpu.memory_space<vmem>> -> memref<1x128xi32, #tpu.memory_space<vmem>>
    %dma_start3A_66 = tpu.memref_squeeze %dma_start3A_65 : memref<1x128xi32, #tpu.memory_space<vmem>> -> memref<128xi32, #tpu.memory_space<vmem>>
    %dma_start3A_67 = arith.constant 0 : i32
    %dma_start3A_68 = arith.constant 0 : i32
    %dma_start3A_69 = tpu.memref_slice %arg2[%dma_start3A_67, %dma_start3A_68] : memref<10000x128xf32, #tpu.memory_space<hbm>> -> memref<10000x128xf32, #tpu.memory_space<hbm>>
    tpu.enqueue_indirect_dma source(%dma_start3A_69 : memref<10000x128xf32, #tpu.memory_space<hbm>>) target(%arg9 : memref<128x128xf32, #tpu.memory_space<vmem>>) offsets(%dma_start3A_66 : memref<128xi32, #tpu.memory_space<vmem>>) semaphore(%arg11 : memref<!tpu.dma_semaphore, #tpu.memory_space<semaphore_mem>>)
    %dma_start3A_70 = arith.constant 1 : i32
    %dma_start3A_71 = arith.constant 0 : i32
    %dma_start3A_72 = tpu.memref_slice %arg7[%dma_start3A_70, %dma_start3A_71] : memref<40x128xi32, #tpu.memory_space<vmem>> -> memref<1x128xi32, #tpu.memory_space<vmem>>
    %dma_start3A_73 = tpu.memref_squeeze %dma_start3A_72 : memref<1x128xi32, #tpu.memory_space<vmem>> -> memref<128xi32, #tpu.memory_space<vmem>>
    %dma_start3A_74 = arith.constant 0 : i32
    %dma_start3A_75 = arith.constant 0 : i32
    %dma_start3A_76 = tpu.memref_slice %arg2[%dma_start3A_74, %dma_start3A_75] : memref<10000x128xf32, #tpu.memory_space<hbm>> -> memref<10000x128xf32, #tpu.memory_space<hbm>>
    tpu.enqueue_indirect_dma source(%dma_start3A_76 : memref<10000x128xf32, #tpu.memory_space<hbm>>) target(%arg10 : memref<128x128xf32, #tpu.memory_space<vmem>>) offsets(%dma_start3A_73 : memref<128xi32, #tpu.memory_space<vmem>>) semaphore(%arg12 : memref<!tpu.dma_semaphore, #tpu.memory_space<semaphore_mem>>)
    %scan3A_77 = arith.constant 0 : i32
    %scan3A_78 = arith.constant 0 : i32
    %scan3A_79 = arith.constant 19 : i32
    %scan3A_80 = arith.addi %scan3A_78, %scan3A_79 : i32
    %scan3A_81 = arith.constant 1 : i32
    scf.for %scan3A_104 = %scan3A_78 to %scan3A_80 step %scan3A_81  : i32 {
      %mul3A_105 = arith.constant 2 : i32
      %mul3A_106 = arith.muli %mul3A_105, %scan3A_104 : i32
      %dma_wait3A_107 = arith.constant 0 : i32
      %dma_wait3A_108 = tpu.memref_slice %arg7[%mul3A_106, %dma_wait3A_107] : memref<40x128xi32, #tpu.memory_space<vmem>> -> memref<1x128xi32, #tpu.memory_space<vmem>>
      %dma_wait3A_109 = tpu.memref_squeeze %dma_wait3A_108 : memref<1x128xi32, #tpu.memory_space<vmem>> -> memref<128xi32, #tpu.memory_space<vmem>>
      %dma_wait3A_110 = arith.constant 0 : i32
      %dma_wait3A_111 = arith.constant 0 : i32
      %dma_wait3A_112 = tpu.memref_slice %arg2[%dma_wait3A_110, %dma_wait3A_111] : memref<10000x128xf32, #tpu.memory_space<hbm>> -> memref<10000x128xf32, #tpu.memory_space<hbm>>
      tpu.wait_indirect_dma semaphore(%arg11 : memref<!tpu.dma_semaphore, #tpu.memory_space<semaphore_mem>>) src(%dma_wait3A_112 : memref<10000x128xf32, #tpu.memory_space<hbm>>) dst(%arg9 : memref<128x128xf32, #tpu.memory_space<vmem>>)
      "tpu.region"() ({
        %run_scoped3A_139 = tpu.sem_alloc : memref<!tpu.dma_semaphore, #tpu.memory_space<semaphore_mem>>
        %dma_start3A_140 = arith.constant 0 : i32
        %dma_start3A_141 = tpu.memref_slice %arg8[%mul3A_106, %dma_start3A_140] : memref<40x128xi32, #tpu.memory_space<vmem>> -> memref<1x128xi32, #tpu.memory_space<vmem>>
        %dma_start3A_142 = tpu.memref_squeeze %dma_start3A_141 : memref<1x128xi32, #tpu.memory_space<vmem>> -> memref<128xi32, #tpu.memory_space<vmem>>
        %dma_start3A_143 = arith.constant 0 : i32
        %dma_start3A_144 = arith.constant 0 : i32
        %dma_start3A_145 = tpu.memref_slice %arg6[%dma_start3A_143, %dma_start3A_144] : memref<10240x128xf32, #tpu.memory_space<vmem_shared>> -> memref<10240x128xf32, #tpu.memory_space<vmem_shared>>
        tpu.enqueue_indirect_dma source(%arg9 : memref<128x128xf32, #tpu.memory_space<vmem>>) target(%dma_start3A_145 : memref<10240x128xf32, #tpu.memory_space<vmem_shared>>) offsets(%dma_start3A_142 : memref<128xi32, #tpu.memory_space<vmem>>) semaphore(%run_scoped3A_139 : memref<!tpu.dma_semaphore, #tpu.memory_space<semaphore_mem>>) {add = true}
        %dma_wait3A_146 = arith.constant 0 : i32
        %dma_wait3A_147 = tpu.memref_slice %arg8[%mul3A_106, %dma_wait3A_146] : memref<40x128xi32, #tpu.memory_space<vmem>> -> memref<1x128xi32, #tpu.memory_space<vmem>>
        %dma_wait3A_148 = tpu.memref_squeeze %dma_wait3A_147 : memref<1x128xi32, #tpu.memory_space<vmem>> -> memref<128xi32, #tpu.memory_space<vmem>>
        %dma_wait3A_149 = arith.constant 0 : i32
        %dma_wait3A_150 = arith.constant 0 : i32
        %dma_wait3A_151 = tpu.memref_slice %arg6[%dma_wait3A_149, %dma_wait3A_150] : memref<10240x128xf32, #tpu.memory_space<vmem_shared>> -> memref<10240x128xf32, #tpu.memory_space<vmem_shared>>
        tpu.wait_indirect_dma semaphore(%run_scoped3A_139 : memref<!tpu.dma_semaphore, #tpu.memory_space<semaphore_mem>>) src(%arg9 : memref<128x128xf32, #tpu.memory_space<vmem>>) dst(%dma_wait3A_151 : memref<10240x128xf32, #tpu.memory_space<vmem_shared>>)
        tpu.yield
      }) : () -> ()
      %add3A_113 = arith.constant 2 : i32
      %add3A_114 = arith.addi %mul3A_106, %add3A_113 : i32
      %dma_start3A_115 = arith.constant 0 : i32
      %dma_start3A_116 = tpu.memref_slice %arg7[%add3A_114, %dma_start3A_115] : memref<40x128xi32, #tpu.memory_space<vmem>> -> memref<1x128xi32, #tpu.memory_space<vmem>>
      %dma_start3A_117 = tpu.memref_squeeze %dma_start3A_116 : memref<1x128xi32, #tpu.memory_space<vmem>> -> memref<128xi32, #tpu.memory_space<vmem>>
      %dma_start3A_118 = arith.constant 0 : i32
      %dma_start3A_119 = arith.constant 0 : i32
      %dma_start3A_120 = tpu.memref_slice %arg2[%dma_start3A_118, %dma_start3A_119] : memref<10000x128xf32, #tpu.memory_space<hbm>> -> memref<10000x128xf32, #tpu.memory_space<hbm>>
      tpu.enqueue_indirect_dma source(%dma_start3A_120 : memref<10000x128xf32, #tpu.memory_space<hbm>>) target(%arg9 : memref<128x128xf32, #tpu.memory_space<vmem>>) offsets(%dma_start3A_117 : memref<128xi32, #tpu.memory_space<vmem>>) semaphore(%arg11 : memref<!tpu.dma_semaphore, #tpu.memory_space<semaphore_mem>>)
      %add3A_121 = arith.constant 1 : i32
      %add3A_122 = arith.addi %mul3A_106, %add3A_121 : i32
      %dma_wait3A_123 = arith.constant 0 : i32
      %dma_wait3A_124 = tpu.memref_slice %arg7[%add3A_122, %dma_wait3A_123] : memref<40x128xi32, #tpu.memory_space<vmem>> -> memref<1x128xi32, #tpu.memory_space<vmem>>
      %dma_wait3A_125 = tpu.memref_squeeze %dma_wait3A_124 : memref<1x128xi32, #tpu.memory_space<vmem>> -> memref<128xi32, #tpu.memory_space<vmem>>
      %dma_wait3A_126 = arith.constant 0 : i32
      %dma_wait3A_127 = arith.constant 0 : i32
      %dma_wait3A_128 = tpu.memref_slice %arg2[%dma_wait3A_126, %dma_wait3A_127] : memref<10000x128xf32, #tpu.memory_space<hbm>> -> memref<10000x128xf32, #tpu.memory_space<hbm>>
      tpu.wait_indirect_dma semaphore(%arg12 : memref<!tpu.dma_semaphore, #tpu.memory_space<semaphore_mem>>) src(%dma_wait3A_128 : memref<10000x128xf32, #tpu.memory_space<hbm>>) dst(%arg10 : memref<128x128xf32, #tpu.memory_space<vmem>>)
      %add3A_129 = arith.constant 1 : i32
      %add3A_130 = arith.addi %mul3A_106, %add3A_129 : i32
      "tpu.region"() ({
        %run_scoped3A_139 = tpu.sem_alloc : memref<!tpu.dma_semaphore, #tpu.memory_space<semaphore_mem>>
        %dma_start3A_140 = arith.constant 0 : i32
        %dma_start3A_141 = tpu.memref_slice %arg8[%add3A_130, %dma_start3A_140] : memref<40x128xi32, #tpu.memory_space<vmem>> -> memref<1x128xi32, #tpu.memory_space<vmem>>
        %dma_start3A_142 = tpu.memref_squeeze %dma_start3A_141 : memref<1x128xi32, #tpu.memory_space<vmem>> -> memref<128xi32, #tpu.memory_space<vmem>>
        %dma_start3A_143 = arith.constant 0 : i32
        %dma_start3A_144 = arith.constant 0 : i32
        %dma_start3A_145 = tpu.memref_slice %arg6[%dma_start3A_143, %dma_start3A_144] : memref<10240x128xf32, #tpu.memory_space<vmem_shared>> -> memref<10240x128xf32, #tpu.memory_space<vmem_shared>>
        tpu.enqueue_indirect_dma source(%arg10 : memref<128x128xf32, #tpu.memory_space<vmem>>) target(%dma_start3A_145 : memref<10240x128xf32, #tpu.memory_space<vmem_shared>>) offsets(%dma_start3A_142 : memref<128xi32, #tpu.memory_space<vmem>>) semaphore(%run_scoped3A_139 : memref<!tpu.dma_semaphore, #tpu.memory_space<semaphore_mem>>) {add = true}
        %dma_wait3A_146 = arith.constant 0 : i32
        %dma_wait3A_147 = tpu.memref_slice %arg8[%add3A_130, %dma_wait3A_146] : memref<40x128xi32, #tpu.memory_space<vmem>> -> memref<1x128xi32, #tpu.memory_space<vmem>>
        %dma_wait3A_148 = tpu.memref_squeeze %dma_wait3A_147 : memref<1x128xi32, #tpu.memory_space<vmem>> -> memref<128xi32, #tpu.memory_space<vmem>>
        %dma_wait3A_149 = arith.constant 0 : i32
        %dma_wait3A_150 = arith.constant 0 : i32
        %dma_wait3A_151 = tpu.memref_slice %arg6[%dma_wait3A_149, %dma_wait3A_150] : memref<10240x128xf32, #tpu.memory_space<vmem_shared>> -> memref<10240x128xf32, #tpu.memory_space<vmem_shared>>
        tpu.wait_indirect_dma semaphore(%run_scoped3A_139 : memref<!tpu.dma_semaphore, #tpu.memory_space<semaphore_mem>>) src(%arg10 : memref<128x128xf32, #tpu.memory_space<vmem>>) dst(%dma_wait3A_151 : memref<10240x128xf32, #tpu.memory_space<vmem_shared>>)
        tpu.yield
      }) : () -> ()
      %add3A_131 = arith.constant 3 : i32
      %add3A_132 = arith.addi %mul3A_106, %add3A_131 : i32
      %dma_start3A_133 = arith.constant 0 : i32
      %dma_start3A_134 = tpu.memref_slice %arg7[%add3A_132, %dma_start3A_133] : memref<40x128xi32, #tpu.memory_space<vmem>> -> memref<1x128xi32, #tpu.memory_space<vmem>>
      %dma_start3A_135 = tpu.memref_squeeze %dma_start3A_134 : memref<1x128xi32, #tpu.memory_space<vmem>> -> memref<128xi32, #tpu.memory_space<vmem>>
      %dma_start3A_136 = arith.constant 0 : i32
      %dma_start3A_137 = arith.constant 0 : i32
      %dma_start3A_138 = tpu.memref_slice %arg2[%dma_start3A_136, %dma_start3A_137] : memref<10000x128xf32, #tpu.memory_space<hbm>> -> memref<10000x128xf32, #tpu.memory_space<hbm>>
      tpu.enqueue_indirect_dma source(%dma_start3A_138 : memref<10000x128xf32, #tpu.memory_space<hbm>>) target(%arg10 : memref<128x128xf32, #tpu.memory_space<vmem>>) offsets(%dma_start3A_135 : memref<128xi32, #tpu.memory_space<vmem>>) semaphore(%arg12 : memref<!tpu.dma_semaphore, #tpu.memory_space<semaphore_mem>>)
    }
    %scan3A_82 = arith.constant 19 : i32
    %dma_wait3A_83 = arith.constant 38 : i32
    %dma_wait3A_84 = arith.constant 0 : i32
    %dma_wait3A_85 = tpu.memref_slice %arg7[%dma_wait3A_83, %dma_wait3A_84] : memref<40x128xi32, #tpu.memory_space<vmem>> -> memref<1x128xi32, #tpu.memory_space<vmem>>
    %dma_wait3A_86 = tpu.memref_squeeze %dma_wait3A_85 : memref<1x128xi32, #tpu.memory_space<vmem>> -> memref<128xi32, #tpu.memory_space<vmem>>
    %dma_wait3A_87 = arith.constant 0 : i32
    %dma_wait3A_88 = arith.constant 0 : i32
    %dma_wait3A_89 = tpu.memref_slice %arg2[%dma_wait3A_87, %dma_wait3A_88] : memref<10000x128xf32, #tpu.memory_space<hbm>> -> memref<10000x128xf32, #tpu.memory_space<hbm>>
    tpu.wait_indirect_dma semaphore(%arg11 : memref<!tpu.dma_semaphore, #tpu.memory_space<semaphore_mem>>) src(%dma_wait3A_89 : memref<10000x128xf32, #tpu.memory_space<hbm>>) dst(%arg9 : memref<128x128xf32, #tpu.memory_space<vmem>>)
    %run_scoped3A_90 = arith.constant 38 : i32
    "tpu.region"() ({
      %run_scoped3A_104 = tpu.sem_alloc : memref<!tpu.dma_semaphore, #tpu.memory_space<semaphore_mem>>
      %dma_start3A_105 = arith.constant 0 : i32
      %dma_start3A_106 = tpu.memref_slice %arg8[%run_scoped3A_90, %dma_start3A_105] : memref<40x128xi32, #tpu.memory_space<vmem>> -> memref<1x128xi32, #tpu.memory_space<vmem>>
      %dma_start3A_107 = tpu.memref_squeeze %dma_start3A_106 : memref<1x128xi32, #tpu.memory_space<vmem>> -> memref<128xi32, #tpu.memory_space<vmem>>
      %dma_start3A_108 = arith.constant 0 : i32
      %dma_start3A_109 = arith.constant 0 : i32
      %dma_start3A_110 = tpu.memref_slice %arg6[%dma_start3A_108, %dma_start3A_109] : memref<10240x128xf32, #tpu.memory_space<vmem_shared>> -> memref<10240x128xf32, #tpu.memory_space<vmem_shared>>
      tpu.enqueue_indirect_dma source(%arg9 : memref<128x128xf32, #tpu.memory_space<vmem>>) target(%dma_start3A_110 : memref<10240x128xf32, #tpu.memory_space<vmem_shared>>) offsets(%dma_start3A_107 : memref<128xi32, #tpu.memory_space<vmem>>) semaphore(%run_scoped3A_104 : memref<!tpu.dma_semaphore, #tpu.memory_space<semaphore_mem>>) {add = true}
      %dma_wait3A_111 = arith.constant 0 : i32
      %dma_wait3A_112 = tpu.memref_slice %arg8[%run_scoped3A_90, %dma_wait3A_111] : memref<40x128xi32, #tpu.memory_space<vmem>> -> memref<1x128xi32, #tpu.memory_space<vmem>>
      %dma_wait3A_113 = tpu.memref_squeeze %dma_wait3A_112 : memref<1x128xi32, #tpu.memory_space<vmem>> -> memref<128xi32, #tpu.memory_space<vmem>>
      %dma_wait3A_114 = arith.constant 0 : i32
      %dma_wait3A_115 = arith.constant 0 : i32
      %dma_wait3A_116 = tpu.memref_slice %arg6[%dma_wait3A_114, %dma_wait3A_115] : memref<10240x128xf32, #tpu.memory_space<vmem_shared>> -> memref<10240x128xf32, #tpu.memory_space<vmem_shared>>
      tpu.wait_indirect_dma semaphore(%run_scoped3A_104 : memref<!tpu.dma_semaphore, #tpu.memory_space<semaphore_mem>>) src(%arg9 : memref<128x128xf32, #tpu.memory_space<vmem>>) dst(%dma_wait3A_116 : memref<10240x128xf32, #tpu.memory_space<vmem_shared>>)
      tpu.yield
    }) : () -> ()
    %dma_wait3A_91 = arith.constant 39 : i32
    %dma_wait3A_92 = arith.constant 0 : i32
    %dma_wait3A_93 = tpu.memref_slice %arg7[%dma_wait3A_91, %dma_wait3A_92] : memref<40x128xi32, #tpu.memory_space<vmem>> -> memref<1x128xi32, #tpu.memory_space<vmem>>
    %dma_wait3A_94 = tpu.memref_squeeze %dma_wait3A_93 : memref<1x128xi32, #tpu.memory_space<vmem>> -> memref<128xi32, #tpu.memory_space<vmem>>
    %dma_wait3A_95 = arith.constant 0 : i32
    %dma_wait3A_96 = arith.constant 0 : i32
    %dma_wait3A_97 = tpu.memref_slice %arg2[%dma_wait3A_95, %dma_wait3A_96] : memref<10000x128xf32, #tpu.memory_space<hbm>> -> memref<10000x128xf32, #tpu.memory_space<hbm>>
    tpu.wait_indirect_dma semaphore(%arg12 : memref<!tpu.dma_semaphore, #tpu.memory_space<semaphore_mem>>) src(%dma_wait3A_97 : memref<10000x128xf32, #tpu.memory_space<hbm>>) dst(%arg10 : memref<128x128xf32, #tpu.memory_space<vmem>>)
    %run_scoped3A_98 = arith.constant 39 : i32
    "tpu.region"() ({
      %run_scoped3A_104 = tpu.sem_alloc : memref<!tpu.dma_semaphore, #tpu.memory_space<semaphore_mem>>
      %dma_start3A_105 = arith.constant 0 : i32
      %dma_start3A_106 = tpu.memref_slice %arg8[%run_scoped3A_98, %dma_start3A_105] : memref<40x128xi32, #tpu.memory_space<vmem>> -> memref<1x128xi32, #tpu.memory_space<vmem>>
      %dma_start3A_107 = tpu.memref_squeeze %dma_start3A_106 : memref<1x128xi32, #tpu.memory_space<vmem>> -> memref<128xi32, #tpu.memory_space<vmem>>
      %dma_start3A_108 = arith.constant 0 : i32
      %dma_start3A_109 = arith.constant 0 : i32
      %dma_start3A_110 = tpu.memref_slice %arg6[%dma_start3A_108, %dma_start3A_109] : memref<10240x128xf32, #tpu.memory_space<vmem_shared>> -> memref<10240x128xf32, #tpu.memory_space<vmem_shared>>
      tpu.enqueue_indirect_dma source(%arg10 : memref<128x128xf32, #tpu.memory_space<vmem>>) target(%dma_start3A_110 : memref<10240x128xf32, #tpu.memory_space<vmem_shared>>) offsets(%dma_start3A_107 : memref<128xi32, #tpu.memory_space<vmem>>) semaphore(%run_scoped3A_104 : memref<!tpu.dma_semaphore, #tpu.memory_space<semaphore_mem>>) {add = true}
      %dma_wait3A_111 = arith.constant 0 : i32
      %dma_wait3A_112 = tpu.memref_slice %arg8[%run_scoped3A_98, %dma_wait3A_111] : memref<40x128xi32, #tpu.memory_space<vmem>> -> memref<1x128xi32, #tpu.memory_space<vmem>>
      %dma_wait3A_113 = tpu.memref_squeeze %dma_wait3A_112 : memref<1x128xi32, #tpu.memory_space<vmem>> -> memref<128xi32, #tpu.memory_space<vmem>>
      %dma_wait3A_114 = arith.constant 0 : i32
      %dma_wait3A_115 = arith.constant 0 : i32
      %dma_wait3A_116 = tpu.memref_slice %arg6[%dma_wait3A_114, %dma_wait3A_115] : memref<10240x128xf32, #tpu.memory_space<vmem_shared>> -> memref<10240x128xf32, #tpu.memory_space<vmem_shared>>
      tpu.wait_indirect_dma semaphore(%run_scoped3A_104 : memref<!tpu.dma_semaphore, #tpu.memory_space<semaphore_mem>>) src(%arg10 : memref<128x128xf32, #tpu.memory_space<vmem>>) dst(%dma_wait3A_116 : memref<10240x128xf32, #tpu.memory_space<vmem_shared>>)
      tpu.yield
    }) : () -> ()
    %barrier3A_99 = arith.constant 0 : index
    tpu.barrier barrier_id(%barrier3A_99)
    %mul3A_100 = arith.constant 640 : i32
    %mul3A_101 = arith.muli %arg1, %mul3A_100 : i32
    %mul3A_102 = arith.constant 640 : i32
    %mul3A_103 = arith.muli %arg1, %mul3A_102 : i32
    "tpu.region"() ({
      %run_scoped3A_104 = tpu.sem_alloc : memref<!tpu.dma_semaphore, #tpu.memory_space<semaphore_mem>>
      %dma_start3A_105 = arith.constant 0 : i32
      %dma_start3A_106 = tpu.memref_slice %arg5[%arg0, %mul3A_103, %dma_start3A_105] : memref<2x10240x128xf32, #tpu.memory_space<hbm>> -> memref<1x640x128xf32, #tpu.memory_space<hbm>>
      %dma_start3A_107 = tpu.memref_squeeze %dma_start3A_106 : memref<1x640x128xf32, #tpu.memory_space<hbm>> -> memref<640x128xf32, #tpu.memory_space<hbm>>
      %dma_start3A_108 = arith.constant 0 : i32
      %dma_start3A_109 = tpu.memref_slice %arg6[%mul3A_101, %dma_start3A_108] : memref<10240x128xf32, #tpu.memory_space<vmem_shared>> -> memref<640x128xf32, #tpu.memory_space<vmem_shared>>
      tpu.enqueue_dma source(%dma_start3A_109 : memref<640x128xf32, #tpu.memory_space<vmem_shared>>) target(%dma_start3A_107 : memref<640x128xf32, #tpu.memory_space<hbm>>) target_semaphore(%run_scoped3A_104 : memref<!tpu.dma_semaphore, #tpu.memory_space<semaphore_mem>>)
      %dma_wait3A_110 = arith.constant 0 : i32
      %dma_wait3A_111 = tpu.memref_slice %arg5[%arg0, %mul3A_103, %dma_wait3A_110] : memref<2x10240x128xf32, #tpu.memory_space<hbm>> -> memref<1x640x128xf32, #tpu.memory_space<hbm>>
      %dma_wait3A_112 = tpu.memref_squeeze %dma_wait3A_111 : memref<1x640x128xf32, #tpu.memory_space<hbm>> -> memref<640x128xf32, #tpu.memory_space<hbm>>
      %dma_wait3A_113 = arith.constant 0 : i32
      %dma_wait3A_114 = tpu.memref_slice %arg6[%mul3A_101, %dma_wait3A_113] : memref<10240x128xf32, #tpu.memory_space<vmem_shared>> -> memref<640x128xf32, #tpu.memory_space<vmem_shared>>
      tpu.wait_dma2 semaphore(%run_scoped3A_104 : memref<!tpu.dma_semaphore, #tpu.memory_space<semaphore_mem>>) src(%dma_wait3A_114 : memref<640x128xf32, #tpu.memory_space<vmem_shared>>) dst(%dma_wait3A_112 : memref<640x128xf32, #tpu.memory_space<hbm>>)
      tpu.yield
    }) : () -> ()
    return
  }
}

#map = affine_map<(d0, d1) -> (0, 0)>
#map1 = affine_map<(d0, d1) -> (0, 0, 0, 0)>
#map2 = affine_map<(d0, d1) -> (0, 0, 0)>
module attributes {stable_mosaic.version = 14 : i64} {
  func.func @_sc_gather_scatter(%arg0: i32, %arg1: i32, %arg2: memref<10000x128xf32, #tpu.memory_space<hbm>>, %arg3: memref<32x2x40x128xi32, #tpu.memory_space<hbm>>, %arg4: memref<32x2x40x128xi32, #tpu.memory_space<hbm>>, %arg5: memref<2x10240x128xf32, #tpu.memory_space<hbm>>, %arg6: memref<10240x128xf32, #tpu.memory_space<vmem_shared>>, %arg7: memref<40x128xi32, #tpu.memory_space<vmem>>, %arg8: memref<40x128xi32, #tpu.memory_space<vmem>>, %arg9: memref<128x128xf32, #tpu.memory_space<vmem>>, %arg10: memref<128x128xf32, #tpu.memory_space<vmem>>, %arg11: memref<!tpu.dma_semaphore, #tpu.memory_space<semaphore_mem>>, %arg12: memref<!tpu.dma_semaphore, #tpu.memory_space<semaphore_mem>>) attributes {dimension_semantics = [#tpu.dimension_semantics<core_parallel>, #tpu.dimension_semantics<subcore_parallel>], iteration_bounds = array<i64: 2, 16>, scalar_prefetch = 0 : i64, scratch_operands = 7 : i64, tpu.core_type = #tpu.core_type<sc_vector_subcore>, window_params = [{transform_indices = #map}, {transform_indices = #map1}, {transform_indices = #map1}, {transform_indices = #map2}]} {
    %mul3A = arith.constant 16 : i32
    %mul3A_0 = arith.muli %arg0, %mul3A : i32
    %add3A = arith.addi %mul3A_0, %arg1 : i32
    %scan3A = arith.constant 0 : i32
    %scan3A_1 = arith.constant 0 : i32
    %scan3A_2 = arith.constant 128 : i32
    %scan3A_3 = arith.addi %scan3A_1, %scan3A_2 : i32
    %scan3A_4 = arith.constant 1 : i32
    scf.for %scan3A_104 = %scan3A_1 to %scan3A_3 step %scan3A_4  : i32 {
      %broadcast_in_dim3A = arith.constant 0.000000e+00 : f32
      %broadcast_in_dim3A_105 = vector.broadcast %broadcast_in_dim3A : f32 to vector<16xf32>
      %swap3A = arith.index_cast %scan3A_104 : i32 to index
      %swap3A_106 = arith.constant 0 : index
      %swap3A_107 = tpu.vector_load %arg9[%swap3A, %swap3A_106] {strides = array<i32>} : memref<128x128xf32, #tpu.memory_space<vmem>>, vector<1x16xf32>,
      %swap3A_108 = vector.shape_cast %swap3A_107 : vector<1x16xf32> to vector<16xf32>
      %swap3A_109 = vector.shape_cast %broadcast_in_dim3A_105 : vector<16xf32> to vector<1x16xf32>
      tpu.vector_store %arg9[%swap3A, %swap3A_106], %swap3A_109 {strides = array<i32>} : memref<128x128xf32, #tpu.memory_space<vmem>>, vector<1x16xf32>,
      %broadcast_in_dim3A_110 = arith.constant 0.000000e+00 : f32
      %broadcast_in_dim3A_111 = vector.broadcast %broadcast_in_dim3A_110 : f32 to vector<16xf32>
      %swap3A_112 = arith.index_cast %scan3A_104 : i32 to index
      %swap3A_113 = arith.constant 16 : index
      %swap3A_114 = tpu.vector_load %arg9[%swap3A_112, %swap3A_113] {strides = array<i32>} : memref<128x128xf32, #tpu.memory_space<vmem>>, vector<1x16xf32>,
      %swap3A_115 = vector.shape_cast %swap3A_114 : vector<1x16xf32> to vector<16xf32>
      %swap3A_116 = vector.shape_cast %broadcast_in_dim3A_111 : vector<16xf32> to vector<1x16xf32>
      tpu.vector_store %arg9[%swap3A_112, %swap3A_113], %swap3A_116 {strides = array<i32>} : memref<128x128xf32, #tpu.memory_space<vmem>>, vector<1x16xf32>,
      %broadcast_in_dim3A_117 = arith.constant 0.000000e+00 : f32
      %broadcast_in_dim3A_118 = vector.broadcast %broadcast_in_dim3A_117 : f32 to vector<16xf32>
      %swap3A_119 = arith.index_cast %scan3A_104 : i32 to index
      %swap3A_120 = arith.constant 32 : index
      %swap3A_121 = tpu.vector_load %arg9[%swap3A_119, %swap3A_120] {strides = array<i32>} : memref<128x128xf32, #tpu.memory_space<vmem>>, vector<1x16xf32>,
      %swap3A_122 = vector.shape_cast %swap3A_121 : vector<1x16xf32> to vector<16xf32>
      %swap3A_123 = vector.shape_cast %broadcast_in_dim3A_118 : vector<16xf32> to vector<1x16xf32>
      tpu.vector_store %arg9[%swap3A_119, %swap3A_120], %swap3A_123 {strides = array<i32>} : memref<128x128xf32, #tpu.memory_space<vmem>>, vector<1x16xf32>,
      %broadcast_in_dim3A_124 = arith.constant 0.000000e+00 : f32
      %broadcast_in_dim3A_125 = vector.broadcast %broadcast_in_dim3A_124 : f32 to vector<16xf32>
      %swap3A_126 = arith.index_cast %scan3A_104 : i32 to index
      %swap3A_127 = arith.constant 48 : index
      %swap3A_128 = tpu.vector_load %arg9[%swap3A_126, %swap3A_127] {strides = array<i32>} : memref<128x128xf32, #tpu.memory_space<vmem>>, vector<1x16xf32>,
      %swap3A_129 = vector.shape_cast %swap3A_128 : vector<1x16xf32> to vector<16xf32>
      %swap3A_130 = vector.shape_cast %broadcast_in_dim3A_125 : vector<16xf32> to vector<1x16xf32>
      tpu.vector_store %arg9[%swap3A_126, %swap3A_127], %swap3A_130 {strides = array<i32>} : memref<128x128xf32, #tpu.memory_space<vmem>>, vector<1x16xf32>,
      %broadcast_in_dim3A_131 = arith.constant 0.000000e+00 : f32
      %broadcast_in_dim3A_132 = vector.broadcast %broadcast_in_dim3A_131 : f32 to vector<16xf32>
      %swap3A_133 = arith.index_cast %scan3A_104 : i32 to index
      %swap3A_134 = arith.constant 64 : index
      %swap3A_135 = tpu.vector_load %arg9[%swap3A_133, %swap3A_134] {strides = array<i32>} : memref<128x128xf32, #tpu.memory_space<vmem>>, vector<1x16xf32>,
      %swap3A_136 = vector.shape_cast %swap3A_135 : vector<1x16xf32> to vector<16xf32>
      %swap3A_137 = vector.shape_cast %broadcast_in_dim3A_132 : vector<16xf32> to vector<1x16xf32>
      tpu.vector_store %arg9[%swap3A_133, %swap3A_134], %swap3A_137 {strides = array<i32>} : memref<128x128xf32, #tpu.memory_space<vmem>>, vector<1x16xf32>,
      %broadcast_in_dim3A_138 = arith.constant 0.000000e+00 : f32
      %broadcast_in_dim3A_139 = vector.broadcast %broadcast_in_dim3A_138 : f32 to vector<16xf32>
      %swap3A_140 = arith.index_cast %scan3A_104 : i32 to index
      %swap3A_141 = arith.constant 80 : index
      %swap3A_142 = tpu.vector_load %arg9[%swap3A_140, %swap3A_141] {strides = array<i32>} : memref<128x128xf32, #tpu.memory_space<vmem>>, vector<1x16xf32>,
      %swap3A_143 = vector.shape_cast %swap3A_142 : vector<1x16xf32> to vector<16xf32>
      %swap3A_144 = vector.shape_cast %broadcast_in_dim3A_139 : vector<16xf32> to vector<1x16xf32>
      tpu.vector_store %arg9[%swap3A_140, %swap3A_141], %swap3A_144 {strides = array<i32>} : memref<128x128xf32, #tpu.memory_space<vmem>>, vector<1x16xf32>,
      %broadcast_in_dim3A_145 = arith.constant 0.000000e+00 : f32
      %broadcast_in_dim3A_146 = vector.broadcast %broadcast_in_dim3A_145 : f32 to vector<16xf32>
      %swap3A_147 = arith.index_cast %scan3A_104 : i32 to index
      %swap3A_148 = arith.constant 96 : index
      %swap3A_149 = tpu.vector_load %arg9[%swap3A_147, %swap3A_148] {strides = array<i32>} : memref<128x128xf32, #tpu.memory_space<vmem>>, vector<1x16xf32>,
      %swap3A_150 = vector.shape_cast %swap3A_149 : vector<1x16xf32> to vector<16xf32>
      %swap3A_151 = vector.shape_cast %broadcast_in_dim3A_146 : vector<16xf32> to vector<1x16xf32>
      tpu.vector_store %arg9[%swap3A_147, %swap3A_148], %swap3A_151 {strides = array<i32>} : memref<128x128xf32, #tpu.memory_space<vmem>>, vector<1x16xf32>,
      %broadcast_in_dim3A_152 = arith.constant 0.000000e+00 : f32
      %broadcast_in_dim3A_153 = vector.broadcast %broadcast_in_dim3A_152 : f32 to vector<16xf32>
      %swap3A_154 = arith.index_cast %scan3A_104 : i32 to index
      %swap3A_155 = arith.constant 112 : index
      %swap3A_156 = tpu.vector_load %arg9[%swap3A_154, %swap3A_155] {strides = array<i32>} : memref<128x128xf32, #tpu.memory_space<vmem>>, vector<1x16xf32>,
      %swap3A_157 = vector.shape_cast %swap3A_156 : vector<1x16xf32> to vector<16xf32>
      %swap3A_158 = vector.shape_cast %broadcast_in_dim3A_153 : vector<16xf32> to vector<1x16xf32>
      tpu.vector_store %arg9[%swap3A_154, %swap3A_155], %swap3A_158 {strides = array<i32>} : memref<128x128xf32, #tpu.memory_space<vmem>>, vector<1x16xf32>,
    }
    %scan3A_5 = arith.constant 128 : i32
    %mul3A_6 = arith.constant 640 : i32
    %mul3A_7 = arith.muli %arg1, %mul3A_6 : i32
    %add3A_8 = arith.constant 0 : i32
    %add3A_9 = arith.addi %mul3A_7, %add3A_8 : i32
    "tpu.region"() ({
      %run_scoped3A_104 = tpu.sem_alloc : memref<!tpu.dma_semaphore, #tpu.memory_space<semaphore_mem>>
      %dma_start3A_105 = arith.constant 0 : i32
      %dma_start3A_106 = tpu.memref_slice %arg6[%add3A_9, %dma_start3A_105] : memref<10240x128xf32, #tpu.memory_space<vmem_shared>> -> memref<128x128xf32, #tpu.memory_space<vmem_shared>>
      %dma_start3A_107 = arith.constant 0 : i32
      %dma_start3A_108 = tpu.memref_slice %arg6[%add3A_9, %dma_start3A_107] : memref<10240x128xf32, #tpu.memory_space<vmem_shared>> -> memref<128x128xf32, #tpu.memory_space<vmem_shared>>
      tpu.enqueue_dma source(%arg9 : memref<128x128xf32, #tpu.memory_space<vmem>>) target(%dma_start3A_108 : memref<128x128xf32, #tpu.memory_space<vmem_shared>>) target_semaphore(%run_scoped3A_104 : memref<!tpu.dma_semaphore, #tpu.memory_space<semaphore_mem>>)
      %dma_wait3A_109 = arith.constant 0 : i32
      %dma_wait3A_110 = tpu.memref_slice %arg6[%add3A_9, %dma_wait3A_109] : memref<10240x128xf32, #tpu.memory_space<vmem_shared>> -> memref<128x128xf32, #tpu.memory_space<vmem_shared>>
      %dma_wait3A_111 = arith.constant 0 : i32
      %dma_wait3A_112 = tpu.memref_slice %arg6[%add3A_9, %dma_wait3A_111] : memref<10240x128xf32, #tpu.memory_space<vmem_shared>> -> memref<128x128xf32, #tpu.memory_space<vmem_shared>>
      tpu.wait_dma2 semaphore(%run_scoped3A_104 : memref<!tpu.dma_semaphore, #tpu.memory_space<semaphore_mem>>) src(%arg9 : memref<128x128xf32, #tpu.memory_space<vmem>>) dst(%dma_wait3A_112 : memref<128x128xf32, #tpu.memory_space<vmem_shared>>)
      tpu.yield
    }) : () -> ()
    %mul3A_10 = arith.constant 640 : i32
    %mul3A_11 = arith.muli %arg1, %mul3A_10 : i32
    %add3A_12 = arith.constant 128 : i32
    %add3A_13 = arith.addi %mul3A_11, %add3A_12 : i32
    "tpu.region"() ({
      %run_scoped3A_104 = tpu.sem_alloc : memref<!tpu.dma_semaphore, #tpu.memory_space<semaphore_mem>>
      %dma_start3A_105 = arith.constant 0 : i32
      %dma_start3A_106 = tpu.memref_slice %arg6[%add3A_13, %dma_start3A_105] : memref<10240x128xf32, #tpu.memory_space<vmem_shared>> -> memref<128x128xf32, #tpu.memory_space<vmem_shared>>
      %dma_start3A_107 = arith.constant 0 : i32
      %dma_start3A_108 = tpu.memref_slice %arg6[%add3A_13, %dma_start3A_107] : memref<10240x128xf32, #tpu.memory_space<vmem_shared>> -> memref<128x128xf32, #tpu.memory_space<vmem_shared>>
      tpu.enqueue_dma source(%arg9 : memref<128x128xf32, #tpu.memory_space<vmem>>) target(%dma_start3A_108 : memref<128x128xf32, #tpu.memory_space<vmem_shared>>) target_semaphore(%run_scoped3A_104 : memref<!tpu.dma_semaphore, #tpu.memory_space<semaphore_mem>>)
      %dma_wait3A_109 = arith.constant 0 : i32
      %dma_wait3A_110 = tpu.memref_slice %arg6[%add3A_13, %dma_wait3A_109] : memref<10240x128xf32, #tpu.memory_space<vmem_shared>> -> memref<128x128xf32, #tpu.memory_space<vmem_shared>>
      %dma_wait3A_111 = arith.constant 0 : i32
      %dma_wait3A_112 = tpu.memref_slice %arg6[%add3A_13, %dma_wait3A_111] : memref<10240x128xf32, #tpu.memory_space<vmem_shared>> -> memref<128x128xf32, #tpu.memory_space<vmem_shared>>
      tpu.wait_dma2 semaphore(%run_scoped3A_104 : memref<!tpu.dma_semaphore, #tpu.memory_space<semaphore_mem>>) src(%arg9 : memref<128x128xf32, #tpu.memory_space<vmem>>) dst(%dma_wait3A_112 : memref<128x128xf32, #tpu.memory_space<vmem_shared>>)
      tpu.yield
    }) : () -> ()
    %mul3A_14 = arith.constant 640 : i32
    %mul3A_15 = arith.muli %arg1, %mul3A_14 : i32
    %add3A_16 = arith.constant 256 : i32
    %add3A_17 = arith.addi %mul3A_15, %add3A_16 : i32
    "tpu.region"() ({
      %run_scoped3A_104 = tpu.sem_alloc : memref<!tpu.dma_semaphore, #tpu.memory_space<semaphore_mem>>
      %dma_start3A_105 = arith.constant 0 : i32
      %dma_start3A_106 = tpu.memref_slice %arg6[%add3A_17, %dma_start3A_105] : memref<10240x128xf32, #tpu.memory_space<vmem_shared>> -> memref<128x128xf32, #tpu.memory_space<vmem_shared>>
      %dma_start3A_107 = arith.constant 0 : i32
      %dma_start3A_108 = tpu.memref_slice %arg6[%add3A_17, %dma_start3A_107] : memref<10240x128xf32, #tpu.memory_space<vmem_shared>> -> memref<128x128xf32, #tpu.memory_space<vmem_shared>>
      tpu.enqueue_dma source(%arg9 : memref<128x128xf32, #tpu.memory_space<vmem>>) target(%dma_start3A_108 : memref<128x128xf32, #tpu.memory_space<vmem_shared>>) target_semaphore(%run_scoped3A_104 : memref<!tpu.dma_semaphore, #tpu.memory_space<semaphore_mem>>)
      %dma_wait3A_109 = arith.constant 0 : i32
      %dma_wait3A_110 = tpu.memref_slice %arg6[%add3A_17, %dma_wait3A_109] : memref<10240x128xf32, #tpu.memory_space<vmem_shared>> -> memref<128x128xf32, #tpu.memory_space<vmem_shared>>
      %dma_wait3A_111 = arith.constant 0 : i32
      %dma_wait3A_112 = tpu.memref_slice %arg6[%add3A_17, %dma_wait3A_111] : memref<10240x128xf32, #tpu.memory_space<vmem_shared>> -> memref<128x128xf32, #tpu.memory_space<vmem_shared>>
      tpu.wait_dma2 semaphore(%run_scoped3A_104 : memref<!tpu.dma_semaphore, #tpu.memory_space<semaphore_mem>>) src(%arg9 : memref<128x128xf32, #tpu.memory_space<vmem>>) dst(%dma_wait3A_112 : memref<128x128xf32, #tpu.memory_space<vmem_shared>>)
      tpu.yield
    }) : () -> ()
    %mul3A_18 = arith.constant 640 : i32
    %mul3A_19 = arith.muli %arg1, %mul3A_18 : i32
    %add3A_20 = arith.constant 384 : i32
    %add3A_21 = arith.addi %mul3A_19, %add3A_20 : i32
    "tpu.region"() ({
      %run_scoped3A_104 = tpu.sem_alloc : memref<!tpu.dma_semaphore, #tpu.memory_space<semaphore_mem>>
      %dma_start3A_105 = arith.constant 0 : i32
      %dma_start3A_106 = tpu.memref_slice %arg6[%add3A_21, %dma_start3A_105] : memref<10240x128xf32, #tpu.memory_space<vmem_shared>> -> memref<128x128xf32, #tpu.memory_space<vmem_shared>>
      %dma_start3A_107 = arith.constant 0 : i32
      %dma_start3A_108 = tpu.memref_slice %arg6[%add3A_21, %dma_start3A_107] : memref<10240x128xf32, #tpu.memory_space<vmem_shared>> -> memref<128x128xf32, #tpu.memory_space<vmem_shared>>
      tpu.enqueue_dma source(%arg9 : memref<128x128xf32, #tpu.memory_space<vmem>>) target(%dma_start3A_108 : memref<128x128xf32, #tpu.memory_space<vmem_shared>>) target_semaphore(%run_scoped3A_104 : memref<!tpu.dma_semaphore, #tpu.memory_space<semaphore_mem>>)
      %dma_wait3A_109 = arith.constant 0 : i32
      %dma_wait3A_110 = tpu.memref_slice %arg6[%add3A_21, %dma_wait3A_109] : memref<10240x128xf32, #tpu.memory_space<vmem_shared>> -> memref<128x128xf32, #tpu.memory_space<vmem_shared>>
      %dma_wait3A_111 = arith.constant 0 : i32
      %dma_wait3A_112 = tpu.memref_slice %arg6[%add3A_21, %dma_wait3A_111] : memref<10240x128xf32, #tpu.memory_space<vmem_shared>> -> memref<128x128xf32, #tpu.memory_space<vmem_shared>>
      tpu.wait_dma2 semaphore(%run_scoped3A_104 : memref<!tpu.dma_semaphore, #tpu.memory_space<semaphore_mem>>) src(%arg9 : memref<128x128xf32, #tpu.memory_space<vmem>>) dst(%dma_wait3A_112 : memref<128x128xf32, #tpu.memory_space<vmem_shared>>)
      tpu.yield
    }) : () -> ()
    %mul3A_22 = arith.constant 640 : i32
    %mul3A_23 = arith.muli %arg1, %mul3A_22 : i32
    %add3A_24 = arith.constant 512 : i32
    %add3A_25 = arith.addi %mul3A_23, %add3A_24 : i32
    "tpu.region"() ({
      %run_scoped3A_104 = tpu.sem_alloc : memref<!tpu.dma_semaphore, #tpu.memory_space<semaphore_mem>>
      %dma_start3A_105 = arith.constant 0 : i32
      %dma_start3A_106 = tpu.memref_slice %arg6[%add3A_25, %dma_start3A_105] : memref<10240x128xf32, #tpu.memory_space<vmem_shared>> -> memref<128x128xf32, #tpu.memory_space<vmem_shared>>
      %dma_start3A_107 = arith.constant 0 : i32
      %dma_start3A_108 = tpu.memref_slice %arg6[%add3A_25, %dma_start3A_107] : memref<10240x128xf32, #tpu.memory_space<vmem_shared>> -> memref<128x128xf32, #tpu.memory_space<vmem_shared>>
      tpu.enqueue_dma source(%arg9 : memref<128x128xf32, #tpu.memory_space<vmem>>) target(%dma_start3A_108 : memref<128x128xf32, #tpu.memory_space<vmem_shared>>) target_semaphore(%run_scoped3A_104 : memref<!tpu.dma_semaphore, #tpu.memory_space<semaphore_mem>>)
      %dma_wait3A_109 = arith.constant 0 : i32
      %dma_wait3A_110 = tpu.memref_slice %arg6[%add3A_25, %dma_wait3A_109] : memref<10240x128xf32, #tpu.memory_space<vmem_shared>> -> memref<128x128xf32, #tpu.memory_space<vmem_shared>>
      %dma_wait3A_111 = arith.constant 0 : i32
      %dma_wait3A_112 = tpu.memref_slice %arg6[%add3A_25, %dma_wait3A_111] : memref<10240x128xf32, #tpu.memory_space<vmem_shared>> -> memref<128x128xf32, #tpu.memory_space<vmem_shared>>
      tpu.wait_dma2 semaphore(%run_scoped3A_104 : memref<!tpu.dma_semaphore, #tpu.memory_space<semaphore_mem>>) src(%arg9 : memref<128x128xf32, #tpu.memory_space<vmem>>) dst(%dma_wait3A_112 : memref<128x128xf32, #tpu.memory_space<vmem_shared>>)
      tpu.yield
    }) : () -> ()
    %run_scoped3A = arith.constant 0 : i32
    "tpu.region"() ({
      %run_scoped3A_104 = tpu.sem_alloc : memref<!tpu.dma_semaphore, #tpu.memory_space<semaphore_mem>>
      %dma_start3A_105 = arith.constant 0 : i32
      %dma_start3A_106 = arith.constant 0 : i32
      %dma_start3A_107 = tpu.memref_slice %arg3[%add3A, %run_scoped3A, %dma_start3A_105, %dma_start3A_106] : memref<32x2x40x128xi32, #tpu.memory_space<hbm>> -> memref<1x1x40x128xi32, #tpu.memory_space<hbm>>
      %dma_start3A_108 = tpu.memref_squeeze %dma_start3A_107 : memref<1x1x40x128xi32, #tpu.memory_space<hbm>> -> memref<40x128xi32, #tpu.memory_space<hbm>>
      %dma_start3A_109 = arith.constant 0 : i32
      %dma_start3A_110 = arith.constant 0 : i32
      %dma_start3A_111 = tpu.memref_slice %arg3[%add3A, %run_scoped3A, %dma_start3A_109, %dma_start3A_110] : memref<32x2x40x128xi32, #tpu.memory_space<hbm>> -> memref<1x1x40x128xi32, #tpu.memory_space<hbm>>
      %dma_start3A_112 = tpu.memref_squeeze %dma_start3A_111 : memref<1x1x40x128xi32, #tpu.memory_space<hbm>> -> memref<40x128xi32, #tpu.memory_space<hbm>>
      tpu.enqueue_dma source(%dma_start3A_112 : memref<40x128xi32, #tpu.memory_space<hbm>>) target(%arg7 : memref<40x128xi32, #tpu.memory_space<vmem>>) target_semaphore(%run_scoped3A_104 : memref<!tpu.dma_semaphore, #tpu.memory_space<semaphore_mem>>)
      %dma_wait3A_113 = arith.constant 0 : i32
      %dma_wait3A_114 = arith.constant 0 : i32
      %dma_wait3A_115 = tpu.memref_slice %arg3[%add3A, %run_scoped3A, %dma_wait3A_113, %dma_wait3A_114] : memref<32x2x40x128xi32, #tpu.memory_space<hbm>> -> memref<1x1x40x128xi32, #tpu.memory_space<hbm>>
      %dma_wait3A_116 = tpu.memref_squeeze %dma_wait3A_115 : memref<1x1x40x128xi32, #tpu.memory_space<hbm>> -> memref<40x128xi32, #tpu.memory_space<hbm>>
      %dma_wait3A_117 = arith.constant 0 : i32
      %dma_wait3A_118 = arith.constant 0 : i32
      %dma_wait3A_119 = tpu.memref_slice %arg3[%add3A, %run_scoped3A, %dma_wait3A_117, %dma_wait3A_118] : memref<32x2x40x128xi32, #tpu.memory_space<hbm>> -> memref<1x1x40x128xi32, #tpu.memory_space<hbm>>
      %dma_wait3A_120 = tpu.memref_squeeze %dma_wait3A_119 : memref<1x1x40x128xi32, #tpu.memory_space<hbm>> -> memref<40x128xi32, #tpu.memory_space<hbm>>
      tpu.wait_dma2 semaphore(%run_scoped3A_104 : memref<!tpu.dma_semaphore, #tpu.memory_space<semaphore_mem>>) src(%dma_wait3A_120 : memref<40x128xi32, #tpu.memory_space<hbm>>) dst(%arg7 : memref<40x128xi32, #tpu.memory_space<vmem>>)
      tpu.yield
    }) : () -> ()
    %run_scoped3A_26 = arith.constant 0 : i32
    "tpu.region"() ({
      %run_scoped3A_104 = tpu.sem_alloc : memref<!tpu.dma_semaphore, #tpu.memory_space<semaphore_mem>>
      %dma_start3A_105 = arith.constant 0 : i32
      %dma_start3A_106 = arith.constant 0 : i32
      %dma_start3A_107 = tpu.memref_slice %arg4[%add3A, %run_scoped3A_26, %dma_start3A_105, %dma_start3A_106] : memref<32x2x40x128xi32, #tpu.memory_space<hbm>> -> memref<1x1x40x128xi32, #tpu.memory_space<hbm>>
      %dma_start3A_108 = tpu.memref_squeeze %dma_start3A_107 : memref<1x1x40x128xi32, #tpu.memory_space<hbm>> -> memref<40x128xi32, #tpu.memory_space<hbm>>
      %dma_start3A_109 = arith.constant 0 : i32
      %dma_start3A_110 = arith.constant 0 : i32
      %dma_start3A_111 = tpu.memref_slice %arg4[%add3A, %run_scoped3A_26, %dma_start3A_109, %dma_start3A_110] : memref<32x2x40x128xi32, #tpu.memory_space<hbm>> -> memref<1x1x40x128xi32, #tpu.memory_space<hbm>>
      %dma_start3A_112 = tpu.memref_squeeze %dma_start3A_111 : memref<1x1x40x128xi32, #tpu.memory_space<hbm>> -> memref<40x128xi32, #tpu.memory_space<hbm>>
      tpu.enqueue_dma source(%dma_start3A_112 : memref<40x128xi32, #tpu.memory_space<hbm>>) target(%arg8 : memref<40x128xi32, #tpu.memory_space<vmem>>) target_semaphore(%run_scoped3A_104 : memref<!tpu.dma_semaphore, #tpu.memory_space<semaphore_mem>>)
      %dma_wait3A_113 = arith.constant 0 : i32
      %dma_wait3A_114 = arith.constant 0 : i32
      %dma_wait3A_115 = tpu.memref_slice %arg4[%add3A, %run_scoped3A_26, %dma_wait3A_113, %dma_wait3A_114] : memref<32x2x40x128xi32, #tpu.memory_space<hbm>> -> memref<1x1x40x128xi32, #tpu.memory_space<hbm>>
      %dma_wait3A_116 = tpu.memref_squeeze %dma_wait3A_115 : memref<1x1x40x128xi32, #tpu.memory_space<hbm>> -> memref<40x128xi32, #tpu.memory_space<hbm>>
      %dma_wait3A_117 = arith.constant 0 : i32
      %dma_wait3A_118 = arith.constant 0 : i32
      %dma_wait3A_119 = tpu.memref_slice %arg4[%add3A, %run_scoped3A_26, %dma_wait3A_117, %dma_wait3A_118] : memref<32x2x40x128xi32, #tpu.memory_space<hbm>> -> memref<1x1x40x128xi32, #tpu.memory_space<hbm>>
      %dma_wait3A_120 = tpu.memref_squeeze %dma_wait3A_119 : memref<1x1x40x128xi32, #tpu.memory_space<hbm>> -> memref<40x128xi32, #tpu.memory_space<hbm>>
      tpu.wait_dma2 semaphore(%run_scoped3A_104 : memref<!tpu.dma_semaphore, #tpu.memory_space<semaphore_mem>>) src(%dma_wait3A_120 : memref<40x128xi32, #tpu.memory_space<hbm>>) dst(%arg8 : memref<40x128xi32, #tpu.memory_space<vmem>>)
      tpu.yield
    }) : () -> ()
    %dma_start3A = arith.constant 0 : i32
    %dma_start3A_27 = arith.constant 0 : i32
    %dma_start3A_28 = tpu.memref_slice %arg7[%dma_start3A, %dma_start3A_27] : memref<40x128xi32, #tpu.memory_space<vmem>> -> memref<1x128xi32, #tpu.memory_space<vmem>>
    %dma_start3A_29 = tpu.memref_squeeze %dma_start3A_28 : memref<1x128xi32, #tpu.memory_space<vmem>> -> memref<128xi32, #tpu.memory_space<vmem>>
    %dma_start3A_30 = arith.constant 0 : i32
    %dma_start3A_31 = arith.constant 0 : i32
    %dma_start3A_32 = tpu.memref_slice %arg2[%dma_start3A_30, %dma_start3A_31] : memref<10000x128xf32, #tpu.memory_space<hbm>> -> memref<10000x128xf32, #tpu.memory_space<hbm>>
    tpu.enqueue_indirect_dma source(%dma_start3A_32 : memref<10000x128xf32, #tpu.memory_space<hbm>>) target(%arg9 : memref<128x128xf32, #tpu.memory_space<vmem>>) offsets(%dma_start3A_29 : memref<128xi32, #tpu.memory_space<vmem>>) semaphore(%arg11 : memref<!tpu.dma_semaphore, #tpu.memory_space<semaphore_mem>>)
    %dma_start3A_33 = arith.constant 1 : i32
    %dma_start3A_34 = arith.constant 0 : i32
    %dma_start3A_35 = tpu.memref_slice %arg7[%dma_start3A_33, %dma_start3A_34] : memref<40x128xi32, #tpu.memory_space<vmem>> -> memref<1x128xi32, #tpu.memory_space<vmem>>
    %dma_start3A_36 = tpu.memref_squeeze %dma_start3A_35 : memref<1x128xi32, #tpu.memory_space<vmem>> -> memref<128xi32, #tpu.memory_space<vmem>>
    %dma_start3A_37 = arith.constant 0 : i32
    %dma_start3A_38 = arith.constant 0 : i32
    %dma_start3A_39 = tpu.memref_slice %arg2[%dma_start3A_37, %dma_start3A_38] : memref<10000x128xf32, #tpu.memory_space<hbm>> -> memref<10000x128xf32, #tpu.memory_space<hbm>>
    tpu.enqueue_indirect_dma source(%dma_start3A_39 : memref<10000x128xf32, #tpu.memory_space<hbm>>) target(%arg10 : memref<128x128xf32, #tpu.memory_space<vmem>>) offsets(%dma_start3A_36 : memref<128xi32, #tpu.memory_space<vmem>>) semaphore(%arg12 : memref<!tpu.dma_semaphore, #tpu.memory_space<semaphore_mem>>)
    %barrier3A = arith.constant 0 : index
    tpu.barrier barrier_id(%barrier3A)
    %scan3A_40 = arith.constant 0 : i32
    %scan3A_41 = arith.constant 0 : i32
    %scan3A_42 = arith.constant 19 : i32
    %scan3A_43 = arith.addi %scan3A_41, %scan3A_42 : i32
    %scan3A_44 = arith.constant 1 : i32
    scf.for %scan3A_104 = %scan3A_41 to %scan3A_43 step %scan3A_44  : i32 {
      %mul3A_105 = arith.constant 2 : i32
      %mul3A_106 = arith.muli %mul3A_105, %scan3A_104 : i32
      %dma_wait3A_107 = arith.constant 0 : i32
      %dma_wait3A_108 = tpu.memref_slice %arg7[%mul3A_106, %dma_wait3A_107] : memref<40x128xi32, #tpu.memory_space<vmem>> -> memref<1x128xi32, #tpu.memory_space<vmem>>
      %dma_wait3A_109 = tpu.memref_squeeze %dma_wait3A_108 : memref<1x128xi32, #tpu.memory_space<vmem>> -> memref<128xi32, #tpu.memory_space<vmem>>
      %dma_wait3A_110 = arith.constant 0 : i32
      %dma_wait3A_111 = arith.constant 0 : i32
      %dma_wait3A_112 = tpu.memref_slice %arg2[%dma_wait3A_110, %dma_wait3A_111] : memref<10000x128xf32, #tpu.memory_space<hbm>> -> memref<10000x128xf32, #tpu.memory_space<hbm>>
      tpu.wait_indirect_dma semaphore(%arg11 : memref<!tpu.dma_semaphore, #tpu.memory_space<semaphore_mem>>) src(%dma_wait3A_112 : memref<10000x128xf32, #tpu.memory_space<hbm>>) dst(%arg9 : memref<128x128xf32, #tpu.memory_space<vmem>>)
      "tpu.region"() ({
        %run_scoped3A_139 = tpu.sem_alloc : memref<!tpu.dma_semaphore, #tpu.memory_space<semaphore_mem>>
        %dma_start3A_140 = arith.constant 0 : i32
        %dma_start3A_141 = tpu.memref_slice %arg8[%mul3A_106, %dma_start3A_140] : memref<40x128xi32, #tpu.memory_space<vmem>> -> memref<1x128xi32, #tpu.memory_space<vmem>>
        %dma_start3A_142 = tpu.memref_squeeze %dma_start3A_141 : memref<1x128xi32, #tpu.memory_space<vmem>> -> memref<128xi32, #tpu.memory_space<vmem>>
        %dma_start3A_143 = arith.constant 0 : i32
        %dma_start3A_144 = arith.constant 0 : i32
        %dma_start3A_145 = tpu.memref_slice %arg6[%dma_start3A_143, %dma_start3A_144] : memref<10240x128xf32, #tpu.memory_space<vmem_shared>> -> memref<10240x128xf32, #tpu.memory_space<vmem_shared>>
        tpu.enqueue_indirect_dma source(%arg9 : memref<128x128xf32, #tpu.memory_space<vmem>>) target(%dma_start3A_145 : memref<10240x128xf32, #tpu.memory_space<vmem_shared>>) offsets(%dma_start3A_142 : memref<128xi32, #tpu.memory_space<vmem>>) semaphore(%run_scoped3A_139 : memref<!tpu.dma_semaphore, #tpu.memory_space<semaphore_mem>>) {add = true}
        %dma_wait3A_146 = arith.constant 0 : i32
        %dma_wait3A_147 = tpu.memref_slice %arg8[%mul3A_106, %dma_wait3A_146] : memref<40x128xi32, #tpu.memory_space<vmem>> -> memref<1x128xi32, #tpu.memory_space<vmem>>
        %dma_wait3A_148 = tpu.memref_squeeze %dma_wait3A_147 : memref<1x128xi32, #tpu.memory_space<vmem>> -> memref<128xi32, #tpu.memory_space<vmem>>
        %dma_wait3A_149 = arith.constant 0 : i32
        %dma_wait3A_150 = arith.constant 0 : i32
        %dma_wait3A_151 = tpu.memref_slice %arg6[%dma_wait3A_149, %dma_wait3A_150] : memref<10240x128xf32, #tpu.memory_space<vmem_shared>> -> memref<10240x128xf32, #tpu.memory_space<vmem_shared>>
        tpu.wait_indirect_dma semaphore(%run_scoped3A_139 : memref<!tpu.dma_semaphore, #tpu.memory_space<semaphore_mem>>) src(%arg9 : memref<128x128xf32, #tpu.memory_space<vmem>>) dst(%dma_wait3A_151 : memref<10240x128xf32, #tpu.memory_space<vmem_shared>>)
        tpu.yield
      }) : () -> ()
      %add3A_113 = arith.constant 2 : i32
      %add3A_114 = arith.addi %mul3A_106, %add3A_113 : i32
      %dma_start3A_115 = arith.constant 0 : i32
      %dma_start3A_116 = tpu.memref_slice %arg7[%add3A_114, %dma_start3A_115] : memref<40x128xi32, #tpu.memory_space<vmem>> -> memref<1x128xi32, #tpu.memory_space<vmem>>
      %dma_start3A_117 = tpu.memref_squeeze %dma_start3A_116 : memref<1x128xi32, #tpu.memory_space<vmem>> -> memref<128xi32, #tpu.memory_space<vmem>>
      %dma_start3A_118 = arith.constant 0 : i32
      %dma_start3A_119 = arith.constant 0 : i32
      %dma_start3A_120 = tpu.memref_slice %arg2[%dma_start3A_118, %dma_start3A_119] : memref<10000x128xf32, #tpu.memory_space<hbm>> -> memref<10000x128xf32, #tpu.memory_space<hbm>>
      tpu.enqueue_indirect_dma source(%dma_start3A_120 : memref<10000x128xf32, #tpu.memory_space<hbm>>) target(%arg9 : memref<128x128xf32, #tpu.memory_space<vmem>>) offsets(%dma_start3A_117 : memref<128xi32, #tpu.memory_space<vmem>>) semaphore(%arg11 : memref<!tpu.dma_semaphore, #tpu.memory_space<semaphore_mem>>)
      %add3A_121 = arith.constant 1 : i32
      %add3A_122 = arith.addi %mul3A_106, %add3A_121 : i32
      %dma_wait3A_123 = arith.constant 0 : i32
      %dma_wait3A_124 = tpu.memref_slice %arg7[%add3A_122, %dma_wait3A_123] : memref<40x128xi32, #tpu.memory_space<vmem>> -> memref<1x128xi32, #tpu.memory_space<vmem>>
      %dma_wait3A_125 = tpu.memref_squeeze %dma_wait3A_124 : memref<1x128xi32, #tpu.memory_space<vmem>> -> memref<128xi32, #tpu.memory_space<vmem>>
      %dma_wait3A_126 = arith.constant 0 : i32
      %dma_wait3A_127 = arith.constant 0 : i32
      %dma_wait3A_128 = tpu.memref_slice %arg2[%dma_wait3A_126, %dma_wait3A_127] : memref<10000x128xf32, #tpu.memory_space<hbm>> -> memref<10000x128xf32, #tpu.memory_space<hbm>>
      tpu.wait_indirect_dma semaphore(%arg12 : memref<!tpu.dma_semaphore, #tpu.memory_space<semaphore_mem>>) src(%dma_wait3A_128 : memref<10000x128xf32, #tpu.memory_space<hbm>>) dst(%arg10 : memref<128x128xf32, #tpu.memory_space<vmem>>)
      %add3A_129 = arith.constant 1 : i32
      %add3A_130 = arith.addi %mul3A_106, %add3A_129 : i32
      "tpu.region"() ({
        %run_scoped3A_139 = tpu.sem_alloc : memref<!tpu.dma_semaphore, #tpu.memory_space<semaphore_mem>>
        %dma_start3A_140 = arith.constant 0 : i32
        %dma_start3A_141 = tpu.memref_slice %arg8[%add3A_130, %dma_start3A_140] : memref<40x128xi32, #tpu.memory_space<vmem>> -> memref<1x128xi32, #tpu.memory_space<vmem>>
        %dma_start3A_142 = tpu.memref_squeeze %dma_start3A_141 : memref<1x128xi32, #tpu.memory_space<vmem>> -> memref<128xi32, #tpu.memory_space<vmem>>
        %dma_start3A_143 = arith.constant 0 : i32
        %dma_start3A_144 = arith.constant 0 : i32
        %dma_start3A_145 = tpu.memref_slice %arg6[%dma_start3A_143, %dma_start3A_144] : memref<10240x128xf32, #tpu.memory_space<vmem_shared>> -> memref<10240x128xf32, #tpu.memory_space<vmem_shared>>
        tpu.enqueue_indirect_dma source(%arg10 : memref<128x128xf32, #tpu.memory_space<vmem>>) target(%dma_start3A_145 : memref<10240x128xf32, #tpu.memory_space<vmem_shared>>) offsets(%dma_start3A_142 : memref<128xi32, #tpu.memory_space<vmem>>) semaphore(%run_scoped3A_139 : memref<!tpu.dma_semaphore, #tpu.memory_space<semaphore_mem>>) {add = true}
        %dma_wait3A_146 = arith.constant 0 : i32
        %dma_wait3A_147 = tpu.memref_slice %arg8[%add3A_130, %dma_wait3A_146] : memref<40x128xi32, #tpu.memory_space<vmem>> -> memref<1x128xi32, #tpu.memory_space<vmem>>
        %dma_wait3A_148 = tpu.memref_squeeze %dma_wait3A_147 : memref<1x128xi32, #tpu.memory_space<vmem>> -> memref<128xi32, #tpu.memory_space<vmem>>
        %dma_wait3A_149 = arith.constant 0 : i32
        %dma_wait3A_150 = arith.constant 0 : i32
        %dma_wait3A_151 = tpu.memref_slice %arg6[%dma_wait3A_149, %dma_wait3A_150] : memref<10240x128xf32, #tpu.memory_space<vmem_shared>> -> memref<10240x128xf32, #tpu.memory_space<vmem_shared>>
        tpu.wait_indirect_dma semaphore(%run_scoped3A_139 : memref<!tpu.dma_semaphore, #tpu.memory_space<semaphore_mem>>) src(%arg10 : memref<128x128xf32, #tpu.memory_space<vmem>>) dst(%dma_wait3A_151 : memref<10240x128xf32, #tpu.memory_space<vmem_shared>>)
        tpu.yield
      }) : () -> ()
      %add3A_131 = arith.constant 3 : i32
      %add3A_132 = arith.addi %mul3A_106, %add3A_131 : i32
      %dma_start3A_133 = arith.constant 0 : i32
      %dma_start3A_134 = tpu.memref_slice %arg7[%add3A_132, %dma_start3A_133] : memref<40x128xi32, #tpu.memory_space<vmem>> -> memref<1x128xi32, #tpu.memory_space<vmem>>
      %dma_start3A_135 = tpu.memref_squeeze %dma_start3A_134 : memref<1x128xi32, #tpu.memory_space<vmem>> -> memref<128xi32, #tpu.memory_space<vmem>>
      %dma_start3A_136 = arith.constant 0 : i32
      %dma_start3A_137 = arith.constant 0 : i32
      %dma_start3A_138 = tpu.memref_slice %arg2[%dma_start3A_136, %dma_start3A_137] : memref<10000x128xf32, #tpu.memory_space<hbm>> -> memref<10000x128xf32, #tpu.memory_space<hbm>>
      tpu.enqueue_indirect_dma source(%dma_start3A_138 : memref<10000x128xf32, #tpu.memory_space<hbm>>) target(%arg10 : memref<128x128xf32, #tpu.memory_space<vmem>>) offsets(%dma_start3A_135 : memref<128xi32, #tpu.memory_space<vmem>>) semaphore(%arg12 : memref<!tpu.dma_semaphore, #tpu.memory_space<semaphore_mem>>)
    }
    %scan3A_45 = arith.constant 19 : i32
    %dma_wait3A = arith.constant 38 : i32
    %dma_wait3A_46 = arith.constant 0 : i32
    %dma_wait3A_47 = tpu.memref_slice %arg7[%dma_wait3A, %dma_wait3A_46] : memref<40x128xi32, #tpu.memory_space<vmem>> -> memref<1x128xi32, #tpu.memory_space<vmem>>
    %dma_wait3A_48 = tpu.memref_squeeze %dma_wait3A_47 : memref<1x128xi32, #tpu.memory_space<vmem>> -> memref<128xi32, #tpu.memory_space<vmem>>
    %dma_wait3A_49 = arith.constant 0 : i32
    %dma_wait3A_50 = arith.constant 0 : i32
    %dma_wait3A_51 = tpu.memref_slice %arg2[%dma_wait3A_49, %dma_wait3A_50] : memref<10000x128xf32, #tpu.memory_space<hbm>> -> memref<10000x128xf32, #tpu.memory_space<hbm>>
    tpu.wait_indirect_dma semaphore(%arg11 : memref<!tpu.dma_semaphore, #tpu.memory_space<semaphore_mem>>) src(%dma_wait3A_51 : memref<10000x128xf32, #tpu.memory_space<hbm>>) dst(%arg9 : memref<128x128xf32, #tpu.memory_space<vmem>>)
    %run_scoped3A_52 = arith.constant 38 : i32
    "tpu.region"() ({
      %run_scoped3A_104 = tpu.sem_alloc : memref<!tpu.dma_semaphore, #tpu.memory_space<semaphore_mem>>
      %dma_start3A_105 = arith.constant 0 : i32
      %dma_start3A_106 = tpu.memref_slice %arg8[%run_scoped3A_52, %dma_start3A_105] : memref<40x128xi32, #tpu.memory_space<vmem>> -> memref<1x128xi32, #tpu.memory_space<vmem>>
      %dma_start3A_107 = tpu.memref_squeeze %dma_start3A_106 : memref<1x128xi32, #tpu.memory_space<vmem>> -> memref<128xi32, #tpu.memory_space<vmem>>
      %dma_start3A_108 = arith.constant 0 : i32
      %dma_start3A_109 = arith.constant 0 : i32
      %dma_start3A_110 = tpu.memref_slice %arg6[%dma_start3A_108, %dma_start3A_109] : memref<10240x128xf32, #tpu.memory_space<vmem_shared>> -> memref<10240x128xf32, #tpu.memory_space<vmem_shared>>
      tpu.enqueue_indirect_dma source(%arg9 : memref<128x128xf32, #tpu.memory_space<vmem>>) target(%dma_start3A_110 : memref<10240x128xf32, #tpu.memory_space<vmem_shared>>) offsets(%dma_start3A_107 : memref<128xi32, #tpu.memory_space<vmem>>) semaphore(%run_scoped3A_104 : memref<!tpu.dma_semaphore, #tpu.memory_space<semaphore_mem>>) {add = true}
      %dma_wait3A_111 = arith.constant 0 : i32
      %dma_wait3A_112 = tpu.memref_slice %arg8[%run_scoped3A_52, %dma_wait3A_111] : memref<40x128xi32, #tpu.memory_space<vmem>> -> memref<1x128xi32, #tpu.memory_space<vmem>>
      %dma_wait3A_113 = tpu.memref_squeeze %dma_wait3A_112 : memref<1x128xi32, #tpu.memory_space<vmem>> -> memref<128xi32, #tpu.memory_space<vmem>>
      %dma_wait3A_114 = arith.constant 0 : i32
      %dma_wait3A_115 = arith.constant 0 : i32
      %dma_wait3A_116 = tpu.memref_slice %arg6[%dma_wait3A_114, %dma_wait3A_115] : memref<10240x128xf32, #tpu.memory_space<vmem_shared>> -> memref<10240x128xf32, #tpu.memory_space<vmem_shared>>
      tpu.wait_indirect_dma semaphore(%run_scoped3A_104 : memref<!tpu.dma_semaphore, #tpu.memory_space<semaphore_mem>>) src(%arg9 : memref<128x128xf32, #tpu.memory_space<vmem>>) dst(%dma_wait3A_116 : memref<10240x128xf32, #tpu.memory_space<vmem_shared>>)
      tpu.yield
    }) : () -> ()
    %dma_wait3A_53 = arith.constant 39 : i32
    %dma_wait3A_54 = arith.constant 0 : i32
    %dma_wait3A_55 = tpu.memref_slice %arg7[%dma_wait3A_53, %dma_wait3A_54] : memref<40x128xi32, #tpu.memory_space<vmem>> -> memref<1x128xi32, #tpu.memory_space<vmem>>
    %dma_wait3A_56 = tpu.memref_squeeze %dma_wait3A_55 : memref<1x128xi32, #tpu.memory_space<vmem>> -> memref<128xi32, #tpu.memory_space<vmem>>
    %dma_wait3A_57 = arith.constant 0 : i32
    %dma_wait3A_58 = arith.constant 0 : i32
    %dma_wait3A_59 = tpu.memref_slice %arg2[%dma_wait3A_57, %dma_wait3A_58] : memref<10000x128xf32, #tpu.memory_space<hbm>> -> memref<10000x128xf32, #tpu.memory_space<hbm>>
    tpu.wait_indirect_dma semaphore(%arg12 : memref<!tpu.dma_semaphore, #tpu.memory_space<semaphore_mem>>) src(%dma_wait3A_59 : memref<10000x128xf32, #tpu.memory_space<hbm>>) dst(%arg10 : memref<128x128xf32, #tpu.memory_space<vmem>>)
    %run_scoped3A_60 = arith.constant 39 : i32
    "tpu.region"() ({
      %run_scoped3A_104 = tpu.sem_alloc : memref<!tpu.dma_semaphore, #tpu.memory_space<semaphore_mem>>
      %dma_start3A_105 = arith.constant 0 : i32
      %dma_start3A_106 = tpu.memref_slice %arg8[%run_scoped3A_60, %dma_start3A_105] : memref<40x128xi32, #tpu.memory_space<vmem>> -> memref<1x128xi32, #tpu.memory_space<vmem>>
      %dma_start3A_107 = tpu.memref_squeeze %dma_start3A_106 : memref<1x128xi32, #tpu.memory_space<vmem>> -> memref<128xi32, #tpu.memory_space<vmem>>
      %dma_start3A_108 = arith.constant 0 : i32
      %dma_start3A_109 = arith.constant 0 : i32
      %dma_start3A_110 = tpu.memref_slice %arg6[%dma_start3A_108, %dma_start3A_109] : memref<10240x128xf32, #tpu.memory_space<vmem_shared>> -> memref<10240x128xf32, #tpu.memory_space<vmem_shared>>
      tpu.enqueue_indirect_dma source(%arg10 : memref<128x128xf32, #tpu.memory_space<vmem>>) target(%dma_start3A_110 : memref<10240x128xf32, #tpu.memory_space<vmem_shared>>) offsets(%dma_start3A_107 : memref<128xi32, #tpu.memory_space<vmem>>) semaphore(%run_scoped3A_104 : memref<!tpu.dma_semaphore, #tpu.memory_space<semaphore_mem>>) {add = true}
      %dma_wait3A_111 = arith.constant 0 : i32
      %dma_wait3A_112 = tpu.memref_slice %arg8[%run_scoped3A_60, %dma_wait3A_111] : memref<40x128xi32, #tpu.memory_space<vmem>> -> memref<1x128xi32, #tpu.memory_space<vmem>>
      %dma_wait3A_113 = tpu.memref_squeeze %dma_wait3A_112 : memref<1x128xi32, #tpu.memory_space<vmem>> -> memref<128xi32, #tpu.memory_space<vmem>>
      %dma_wait3A_114 = arith.constant 0 : i32
      %dma_wait3A_115 = arith.constant 0 : i32
      %dma_wait3A_116 = tpu.memref_slice %arg6[%dma_wait3A_114, %dma_wait3A_115] : memref<10240x128xf32, #tpu.memory_space<vmem_shared>> -> memref<10240x128xf32, #tpu.memory_space<vmem_shared>>
      tpu.wait_indirect_dma semaphore(%run_scoped3A_104 : memref<!tpu.dma_semaphore, #tpu.memory_space<semaphore_mem>>) src(%arg10 : memref<128x128xf32, #tpu.memory_space<vmem>>) dst(%dma_wait3A_116 : memref<10240x128xf32, #tpu.memory_space<vmem_shared>>)
      tpu.yield
    }) : () -> ()
    %run_scoped3A_61 = arith.constant 1 : i32
    "tpu.region"() ({
      %run_scoped3A_104 = tpu.sem_alloc : memref<!tpu.dma_semaphore, #tpu.memory_space<semaphore_mem>>
      %dma_start3A_105 = arith.constant 0 : i32
      %dma_start3A_106 = arith.constant 0 : i32
      %dma_start3A_107 = tpu.memref_slice %arg3[%add3A, %run_scoped3A_61, %dma_start3A_105, %dma_start3A_106] : memref<32x2x40x128xi32, #tpu.memory_space<hbm>> -> memref<1x1x40x128xi32, #tpu.memory_space<hbm>>
      %dma_start3A_108 = tpu.memref_squeeze %dma_start3A_107 : memref<1x1x40x128xi32, #tpu.memory_space<hbm>> -> memref<40x128xi32, #tpu.memory_space<hbm>>
      %dma_start3A_109 = arith.constant 0 : i32
      %dma_start3A_110 = arith.constant 0 : i32
      %dma_start3A_111 = tpu.memref_slice %arg3[%add3A, %run_scoped3A_61, %dma_start3A_109, %dma_start3A_110] : memref<32x2x40x128xi32, #tpu.memory_space<hbm>> -> memref<1x1x40x128xi32, #tpu.memory_space<hbm>>
      %dma_start3A_112 = tpu.memref_squeeze %dma_start3A_111 : memref<1x1x40x128xi32, #tpu.memory_space<hbm>> -> memref<40x128xi32, #tpu.memory_space<hbm>>
      tpu.enqueue_dma source(%dma_start3A_112 : memref<40x128xi32, #tpu.memory_space<hbm>>) target(%arg7 : memref<40x128xi32, #tpu.memory_space<vmem>>) target_semaphore(%run_scoped3A_104 : memref<!tpu.dma_semaphore, #tpu.memory_space<semaphore_mem>>)
      %dma_wait3A_113 = arith.constant 0 : i32
      %dma_wait3A_114 = arith.constant 0 : i32
      %dma_wait3A_115 = tpu.memref_slice %arg3[%add3A, %run_scoped3A_61, %dma_wait3A_113, %dma_wait3A_114] : memref<32x2x40x128xi32, #tpu.memory_space<hbm>> -> memref<1x1x40x128xi32, #tpu.memory_space<hbm>>
      %dma_wait3A_116 = tpu.memref_squeeze %dma_wait3A_115 : memref<1x1x40x128xi32, #tpu.memory_space<hbm>> -> memref<40x128xi32, #tpu.memory_space<hbm>>
      %dma_wait3A_117 = arith.constant 0 : i32
      %dma_wait3A_118 = arith.constant 0 : i32
      %dma_wait3A_119 = tpu.memref_slice %arg3[%add3A, %run_scoped3A_61, %dma_wait3A_117, %dma_wait3A_118] : memref<32x2x40x128xi32, #tpu.memory_space<hbm>> -> memref<1x1x40x128xi32, #tpu.memory_space<hbm>>
      %dma_wait3A_120 = tpu.memref_squeeze %dma_wait3A_119 : memref<1x1x40x128xi32, #tpu.memory_space<hbm>> -> memref<40x128xi32, #tpu.memory_space<hbm>>
      tpu.wait_dma2 semaphore(%run_scoped3A_104 : memref<!tpu.dma_semaphore, #tpu.memory_space<semaphore_mem>>) src(%dma_wait3A_120 : memref<40x128xi32, #tpu.memory_space<hbm>>) dst(%arg7 : memref<40x128xi32, #tpu.memory_space<vmem>>)
      tpu.yield
    }) : () -> ()
    %run_scoped3A_62 = arith.constant 1 : i32
    "tpu.region"() ({
      %run_scoped3A_104 = tpu.sem_alloc : memref<!tpu.dma_semaphore, #tpu.memory_space<semaphore_mem>>
      %dma_start3A_105 = arith.constant 0 : i32
      %dma_start3A_106 = arith.constant 0 : i32
      %dma_start3A_107 = tpu.memref_slice %arg4[%add3A, %run_scoped3A_62, %dma_start3A_105, %dma_start3A_106] : memref<32x2x40x128xi32, #tpu.memory_space<hbm>> -> memref<1x1x40x128xi32, #tpu.memory_space<hbm>>
      %dma_start3A_108 = tpu.memref_squeeze %dma_start3A_107 : memref<1x1x40x128xi32, #tpu.memory_space<hbm>> -> memref<40x128xi32, #tpu.memory_space<hbm>>
      %dma_start3A_109 = arith.constant 0 : i32
      %dma_start3A_110 = arith.constant 0 : i32
      %dma_start3A_111 = tpu.memref_slice %arg4[%add3A, %run_scoped3A_62, %dma_start3A_109, %dma_start3A_110] : memref<32x2x40x128xi32, #tpu.memory_space<hbm>> -> memref<1x1x40x128xi32, #tpu.memory_space<hbm>>
      %dma_start3A_112 = tpu.memref_squeeze %dma_start3A_111 : memref<1x1x40x128xi32, #tpu.memory_space<hbm>> -> memref<40x128xi32, #tpu.memory_space<hbm>>
      tpu.enqueue_dma source(%dma_start3A_112 : memref<40x128xi32, #tpu.memory_space<hbm>>) target(%arg8 : memref<40x128xi32, #tpu.memory_space<vmem>>) target_semaphore(%run_scoped3A_104 : memref<!tpu.dma_semaphore, #tpu.memory_space<semaphore_mem>>)
      %dma_wait3A_113 = arith.constant 0 : i32
      %dma_wait3A_114 = arith.constant 0 : i32
      %dma_wait3A_115 = tpu.memref_slice %arg4[%add3A, %run_scoped3A_62, %dma_wait3A_113, %dma_wait3A_114] : memref<32x2x40x128xi32, #tpu.memory_space<hbm>> -> memref<1x1x40x128xi32, #tpu.memory_space<hbm>>
      %dma_wait3A_116 = tpu.memref_squeeze %dma_wait3A_115 : memref<1x1x40x128xi32, #tpu.memory_space<hbm>> -> memref<40x128xi32, #tpu.memory_space<hbm>>
      %dma_wait3A_117 = arith.constant 0 : i32
      %dma_wait3A_118 = arith.constant 0 : i32
      %dma_wait3A_119 = tpu.memref_slice %arg4[%add3A, %run_scoped3A_62, %dma_wait3A_117, %dma_wait3A_118] : memref<32x2x40x128xi32, #tpu.memory_space<hbm>> -> memref<1x1x40x128xi32, #tpu.memory_space<hbm>>
      %dma_wait3A_120 = tpu.memref_squeeze %dma_wait3A_119 : memref<1x1x40x128xi32, #tpu.memory_space<hbm>> -> memref<40x128xi32, #tpu.memory_space<hbm>>
      tpu.wait_dma2 semaphore(%run_scoped3A_104 : memref<!tpu.dma_semaphore, #tpu.memory_space<semaphore_mem>>) src(%dma_wait3A_120 : memref<40x128xi32, #tpu.memory_space<hbm>>) dst(%arg8 : memref<40x128xi32, #tpu.memory_space<vmem>>)
      tpu.yield
    }) : () -> ()
    %dma_start3A_63 = arith.constant 0 : i32
    %dma_start3A_64 = arith.constant 0 : i32
    %dma_start3A_65 = tpu.memref_slice %arg7[%dma_start3A_63, %dma_start3A_64] : memref<40x128xi32, #tpu.memory_space<vmem>> -> memref<1x128xi32, #tpu.memory_space<vmem>>
    %dma_start3A_66 = tpu.memref_squeeze %dma_start3A_65 : memref<1x128xi32, #tpu.memory_space<vmem>> -> memref<128xi32, #tpu.memory_space<vmem>>
    %dma_start3A_67 = arith.constant 0 : i32
    %dma_start3A_68 = arith.constant 0 : i32
    %dma_start3A_69 = tpu.memref_slice %arg2[%dma_start3A_67, %dma_start3A_68] : memref<10000x128xf32, #tpu.memory_space<hbm>> -> memref<10000x128xf32, #tpu.memory_space<hbm>>
    tpu.enqueue_indirect_dma source(%dma_start3A_69 : memref<10000x128xf32, #tpu.memory_space<hbm>>) target(%arg9 : memref<128x128xf32, #tpu.memory_space<vmem>>) offsets(%dma_start3A_66 : memref<128xi32, #tpu.memory_space<vmem>>) semaphore(%arg11 : memref<!tpu.dma_semaphore, #tpu.memory_space<semaphore_mem>>)
    %dma_start3A_70 = arith.constant 1 : i32
    %dma_start3A_71 = arith.constant 0 : i32
    %dma_start3A_72 = tpu.memref_slice %arg7[%dma_start3A_70, %dma_start3A_71] : memref<40x128xi32, #tpu.memory_space<vmem>> -> memref<1x128xi32, #tpu.memory_space<vmem>>
    %dma_start3A_73 = tpu.memref_squeeze %dma_start3A_72 : memref<1x128xi32, #tpu.memory_space<vmem>> -> memref<128xi32, #tpu.memory_space<vmem>>
    %dma_start3A_74 = arith.constant 0 : i32
    %dma_start3A_75 = arith.constant 0 : i32
    %dma_start3A_76 = tpu.memref_slice %arg2[%dma_start3A_74, %dma_start3A_75] : memref<10000x128xf32, #tpu.memory_space<hbm>> -> memref<10000x128xf32, #tpu.memory_space<hbm>>
    tpu.enqueue_indirect_dma source(%dma_start3A_76 : memref<10000x128xf32, #tpu.memory_space<hbm>>) target(%arg10 : memref<128x128xf32, #tpu.memory_space<vmem>>) offsets(%dma_start3A_73 : memref<128xi32, #tpu.memory_space<vmem>>) semaphore(%arg12 : memref<!tpu.dma_semaphore, #tpu.memory_space<semaphore_mem>>)
    %scan3A_77 = arith.constant 0 : i32
    %scan3A_78 = arith.constant 0 : i32
    %scan3A_79 = arith.constant 19 : i32
    %scan3A_80 = arith.addi %scan3A_78, %scan3A_79 : i32
    %scan3A_81 = arith.constant 1 : i32
    scf.for %scan3A_104 = %scan3A_78 to %scan3A_80 step %scan3A_81  : i32 {
      %mul3A_105 = arith.constant 2 : i32
      %mul3A_106 = arith.muli %mul3A_105, %scan3A_104 : i32
      %dma_wait3A_107 = arith.constant 0 : i32
      %dma_wait3A_108 = tpu.memref_slice %arg7[%mul3A_106, %dma_wait3A_107] : memref<40x128xi32, #tpu.memory_space<vmem>> -> memref<1x128xi32, #tpu.memory_space<vmem>>
      %dma_wait3A_109 = tpu.memref_squeeze %dma_wait3A_108 : memref<1x128xi32, #tpu.memory_space<vmem>> -> memref<128xi32, #tpu.memory_space<vmem>>
      %dma_wait3A_110 = arith.constant 0 : i32
      %dma_wait3A_111 = arith.constant 0 : i32
      %dma_wait3A_112 = tpu.memref_slice %arg2[%dma_wait3A_110, %dma_wait3A_111] : memref<10000x128xf32, #tpu.memory_space<hbm>> -> memref<10000x128xf32, #tpu.memory_space<hbm>>
      tpu.wait_indirect_dma semaphore(%arg11 : memref<!tpu.dma_semaphore, #tpu.memory_space<semaphore_mem>>) src(%dma_wait3A_112 : memref<10000x128xf32, #tpu.memory_space<hbm>>) dst(%arg9 : memref<128x128xf32, #tpu.memory_space<vmem>>)
      "tpu.region"() ({
        %run_scoped3A_139 = tpu.sem_alloc : memref<!tpu.dma_semaphore, #tpu.memory_space<semaphore_mem>>
        %dma_start3A_140 = arith.constant 0 : i32
        %dma_start3A_141 = tpu.memref_slice %arg8[%mul3A_106, %dma_start3A_140] : memref<40x128xi32, #tpu.memory_space<vmem>> -> memref<1x128xi32, #tpu.memory_space<vmem>>
        %dma_start3A_142 = tpu.memref_squeeze %dma_start3A_141 : memref<1x128xi32, #tpu.memory_space<vmem>> -> memref<128xi32, #tpu.memory_space<vmem>>
        %dma_start3A_143 = arith.constant 0 : i32
        %dma_start3A_144 = arith.constant 0 : i32
        %dma_start3A_145 = tpu.memref_slice %arg6[%dma_start3A_143, %dma_start3A_144] : memref<10240x128xf32, #tpu.memory_space<vmem_shared>> -> memref<10240x128xf32, #tpu.memory_space<vmem_shared>>
        tpu.enqueue_indirect_dma source(%arg9 : memref<128x128xf32, #tpu.memory_space<vmem>>) target(%dma_start3A_145 : memref<10240x128xf32, #tpu.memory_space<vmem_shared>>) offsets(%dma_start3A_142 : memref<128xi32, #tpu.memory_space<vmem>>) semaphore(%run_scoped3A_139 : memref<!tpu.dma_semaphore, #tpu.memory_space<semaphore_mem>>) {add = true}
        %dma_wait3A_146 = arith.constant 0 : i32
        %dma_wait3A_147 = tpu.memref_slice %arg8[%mul3A_106, %dma_wait3A_146] : memref<40x128xi32, #tpu.memory_space<vmem>> -> memref<1x128xi32, #tpu.memory_space<vmem>>
        %dma_wait3A_148 = tpu.memref_squeeze %dma_wait3A_147 : memref<1x128xi32, #tpu.memory_space<vmem>> -> memref<128xi32, #tpu.memory_space<vmem>>
        %dma_wait3A_149 = arith.constant 0 : i32
        %dma_wait3A_150 = arith.constant 0 : i32
        %dma_wait3A_151 = tpu.memref_slice %arg6[%dma_wait3A_149, %dma_wait3A_150] : memref<10240x128xf32, #tpu.memory_space<vmem_shared>> -> memref<10240x128xf32, #tpu.memory_space<vmem_shared>>
        tpu.wait_indirect_dma semaphore(%run_scoped3A_139 : memref<!tpu.dma_semaphore, #tpu.memory_space<semaphore_mem>>) src(%arg9 : memref<128x128xf32, #tpu.memory_space<vmem>>) dst(%dma_wait3A_151 : memref<10240x128xf32, #tpu.memory_space<vmem_shared>>)
        tpu.yield
      }) : () -> ()
      %add3A_113 = arith.constant 2 : i32
      %add3A_114 = arith.addi %mul3A_106, %add3A_113 : i32
      %dma_start3A_115 = arith.constant 0 : i32
      %dma_start3A_116 = tpu.memref_slice %arg7[%add3A_114, %dma_start3A_115] : memref<40x128xi32, #tpu.memory_space<vmem>> -> memref<1x128xi32, #tpu.memory_space<vmem>>
      %dma_start3A_117 = tpu.memref_squeeze %dma_start3A_116 : memref<1x128xi32, #tpu.memory_space<vmem>> -> memref<128xi32, #tpu.memory_space<vmem>>
      %dma_start3A_118 = arith.constant 0 : i32
      %dma_start3A_119 = arith.constant 0 : i32
      %dma_start3A_120 = tpu.memref_slice %arg2[%dma_start3A_118, %dma_start3A_119] : memref<10000x128xf32, #tpu.memory_space<hbm>> -> memref<10000x128xf32, #tpu.memory_space<hbm>>
      tpu.enqueue_indirect_dma source(%dma_start3A_120 : memref<10000x128xf32, #tpu.memory_space<hbm>>) target(%arg9 : memref<128x128xf32, #tpu.memory_space<vmem>>) offsets(%dma_start3A_117 : memref<128xi32, #tpu.memory_space<vmem>>) semaphore(%arg11 : memref<!tpu.dma_semaphore, #tpu.memory_space<semaphore_mem>>)
      %add3A_121 = arith.constant 1 : i32
      %add3A_122 = arith.addi %mul3A_106, %add3A_121 : i32
      %dma_wait3A_123 = arith.constant 0 : i32
      %dma_wait3A_124 = tpu.memref_slice %arg7[%add3A_122, %dma_wait3A_123] : memref<40x128xi32, #tpu.memory_space<vmem>> -> memref<1x128xi32, #tpu.memory_space<vmem>>
      %dma_wait3A_125 = tpu.memref_squeeze %dma_wait3A_124 : memref<1x128xi32, #tpu.memory_space<vmem>> -> memref<128xi32, #tpu.memory_space<vmem>>
      %dma_wait3A_126 = arith.constant 0 : i32
      %dma_wait3A_127 = arith.constant 0 : i32
      %dma_wait3A_128 = tpu.memref_slice %arg2[%dma_wait3A_126, %dma_wait3A_127] : memref<10000x128xf32, #tpu.memory_space<hbm>> -> memref<10000x128xf32, #tpu.memory_space<hbm>>
      tpu.wait_indirect_dma semaphore(%arg12 : memref<!tpu.dma_semaphore, #tpu.memory_space<semaphore_mem>>) src(%dma_wait3A_128 : memref<10000x128xf32, #tpu.memory_space<hbm>>) dst(%arg10 : memref<128x128xf32, #tpu.memory_space<vmem>>)
      %add3A_129 = arith.constant 1 : i32
      %add3A_130 = arith.addi %mul3A_106, %add3A_129 : i32
      "tpu.region"() ({
        %run_scoped3A_139 = tpu.sem_alloc : memref<!tpu.dma_semaphore, #tpu.memory_space<semaphore_mem>>
        %dma_start3A_140 = arith.constant 0 : i32
        %dma_start3A_141 = tpu.memref_slice %arg8[%add3A_130, %dma_start3A_140] : memref<40x128xi32, #tpu.memory_space<vmem>> -> memref<1x128xi32, #tpu.memory_space<vmem>>
        %dma_start3A_142 = tpu.memref_squeeze %dma_start3A_141 : memref<1x128xi32, #tpu.memory_space<vmem>> -> memref<128xi32, #tpu.memory_space<vmem>>
        %dma_start3A_143 = arith.constant 0 : i32
        %dma_start3A_144 = arith.constant 0 : i32
        %dma_start3A_145 = tpu.memref_slice %arg6[%dma_start3A_143, %dma_start3A_144] : memref<10240x128xf32, #tpu.memory_space<vmem_shared>> -> memref<10240x128xf32, #tpu.memory_space<vmem_shared>>
        tpu.enqueue_indirect_dma source(%arg10 : memref<128x128xf32, #tpu.memory_space<vmem>>) target(%dma_start3A_145 : memref<10240x128xf32, #tpu.memory_space<vmem_shared>>) offsets(%dma_start3A_142 : memref<128xi32, #tpu.memory_space<vmem>>) semaphore(%run_scoped3A_139 : memref<!tpu.dma_semaphore, #tpu.memory_space<semaphore_mem>>) {add = true}
        %dma_wait3A_146 = arith.constant 0 : i32
        %dma_wait3A_147 = tpu.memref_slice %arg8[%add3A_130, %dma_wait3A_146] : memref<40x128xi32, #tpu.memory_space<vmem>> -> memref<1x128xi32, #tpu.memory_space<vmem>>
        %dma_wait3A_148 = tpu.memref_squeeze %dma_wait3A_147 : memref<1x128xi32, #tpu.memory_space<vmem>> -> memref<128xi32, #tpu.memory_space<vmem>>
        %dma_wait3A_149 = arith.constant 0 : i32
        %dma_wait3A_150 = arith.constant 0 : i32
        %dma_wait3A_151 = tpu.memref_slice %arg6[%dma_wait3A_149, %dma_wait3A_150] : memref<10240x128xf32, #tpu.memory_space<vmem_shared>> -> memref<10240x128xf32, #tpu.memory_space<vmem_shared>>
        tpu.wait_indirect_dma semaphore(%run_scoped3A_139 : memref<!tpu.dma_semaphore, #tpu.memory_space<semaphore_mem>>) src(%arg10 : memref<128x128xf32, #tpu.memory_space<vmem>>) dst(%dma_wait3A_151 : memref<10240x128xf32, #tpu.memory_space<vmem_shared>>)
        tpu.yield
      }) : () -> ()
      %add3A_131 = arith.constant 3 : i32
      %add3A_132 = arith.addi %mul3A_106, %add3A_131 : i32
      %dma_start3A_133 = arith.constant 0 : i32
      %dma_start3A_134 = tpu.memref_slice %arg7[%add3A_132, %dma_start3A_133] : memref<40x128xi32, #tpu.memory_space<vmem>> -> memref<1x128xi32, #tpu.memory_space<vmem>>
      %dma_start3A_135 = tpu.memref_squeeze %dma_start3A_134 : memref<1x128xi32, #tpu.memory_space<vmem>> -> memref<128xi32, #tpu.memory_space<vmem>>
      %dma_start3A_136 = arith.constant 0 : i32
      %dma_start3A_137 = arith.constant 0 : i32
      %dma_start3A_138 = tpu.memref_slice %arg2[%dma_start3A_136, %dma_start3A_137] : memref<10000x128xf32, #tpu.memory_space<hbm>> -> memref<10000x128xf32, #tpu.memory_space<hbm>>
      tpu.enqueue_indirect_dma source(%dma_start3A_138 : memref<10000x128xf32, #tpu.memory_space<hbm>>) target(%arg10 : memref<128x128xf32, #tpu.memory_space<vmem>>) offsets(%dma_start3A_135 : memref<128xi32, #tpu.memory_space<vmem>>) semaphore(%arg12 : memref<!tpu.dma_semaphore, #tpu.memory_space<semaphore_mem>>)
    }
    %scan3A_82 = arith.constant 19 : i32
    %dma_wait3A_83 = arith.constant 38 : i32
    %dma_wait3A_84 = arith.constant 0 : i32
    %dma_wait3A_85 = tpu.memref_slice %arg7[%dma_wait3A_83, %dma_wait3A_84] : memref<40x128xi32, #tpu.memory_space<vmem>> -> memref<1x128xi32, #tpu.memory_space<vmem>>
    %dma_wait3A_86 = tpu.memref_squeeze %dma_wait3A_85 : memref<1x128xi32, #tpu.memory_space<vmem>> -> memref<128xi32, #tpu.memory_space<vmem>>
    %dma_wait3A_87 = arith.constant 0 : i32
    %dma_wait3A_88 = arith.constant 0 : i32
    %dma_wait3A_89 = tpu.memref_slice %arg2[%dma_wait3A_87, %dma_wait3A_88] : memref<10000x128xf32, #tpu.memory_space<hbm>> -> memref<10000x128xf32, #tpu.memory_space<hbm>>
    tpu.wait_indirect_dma semaphore(%arg11 : memref<!tpu.dma_semaphore, #tpu.memory_space<semaphore_mem>>) src(%dma_wait3A_89 : memref<10000x128xf32, #tpu.memory_space<hbm>>) dst(%arg9 : memref<128x128xf32, #tpu.memory_space<vmem>>)
    %run_scoped3A_90 = arith.constant 38 : i32
    "tpu.region"() ({
      %run_scoped3A_104 = tpu.sem_alloc : memref<!tpu.dma_semaphore, #tpu.memory_space<semaphore_mem>>
      %dma_start3A_105 = arith.constant 0 : i32
      %dma_start3A_106 = tpu.memref_slice %arg8[%run_scoped3A_90, %dma_start3A_105] : memref<40x128xi32, #tpu.memory_space<vmem>> -> memref<1x128xi32, #tpu.memory_space<vmem>>
      %dma_start3A_107 = tpu.memref_squeeze %dma_start3A_106 : memref<1x128xi32, #tpu.memory_space<vmem>> -> memref<128xi32, #tpu.memory_space<vmem>>
      %dma_start3A_108 = arith.constant 0 : i32
      %dma_start3A_109 = arith.constant 0 : i32
      %dma_start3A_110 = tpu.memref_slice %arg6[%dma_start3A_108, %dma_start3A_109] : memref<10240x128xf32, #tpu.memory_space<vmem_shared>> -> memref<10240x128xf32, #tpu.memory_space<vmem_shared>>
      tpu.enqueue_indirect_dma source(%arg9 : memref<128x128xf32, #tpu.memory_space<vmem>>) target(%dma_start3A_110 : memref<10240x128xf32, #tpu.memory_space<vmem_shared>>) offsets(%dma_start3A_107 : memref<128xi32, #tpu.memory_space<vmem>>) semaphore(%run_scoped3A_104 : memref<!tpu.dma_semaphore, #tpu.memory_space<semaphore_mem>>) {add = true}
      %dma_wait3A_111 = arith.constant 0 : i32
      %dma_wait3A_112 = tpu.memref_slice %arg8[%run_scoped3A_90, %dma_wait3A_111] : memref<40x128xi32, #tpu.memory_space<vmem>> -> memref<1x128xi32, #tpu.memory_space<vmem>>
      %dma_wait3A_113 = tpu.memref_squeeze %dma_wait3A_112 : memref<1x128xi32, #tpu.memory_space<vmem>> -> memref<128xi32, #tpu.memory_space<vmem>>
      %dma_wait3A_114 = arith.constant 0 : i32
      %dma_wait3A_115 = arith.constant 0 : i32
      %dma_wait3A_116 = tpu.memref_slice %arg6[%dma_wait3A_114, %dma_wait3A_115] : memref<10240x128xf32, #tpu.memory_space<vmem_shared>> -> memref<10240x128xf32, #tpu.memory_space<vmem_shared>>
      tpu.wait_indirect_dma semaphore(%run_scoped3A_104 : memref<!tpu.dma_semaphore, #tpu.memory_space<semaphore_mem>>) src(%arg9 : memref<128x128xf32, #tpu.memory_space<vmem>>) dst(%dma_wait3A_116 : memref<10240x128xf32, #tpu.memory_space<vmem_shared>>)
      tpu.yield
    }) : () -> ()
    %dma_wait3A_91 = arith.constant 39 : i32
    %dma_wait3A_92 = arith.constant 0 : i32
    %dma_wait3A_93 = tpu.memref_slice %arg7[%dma_wait3A_91, %dma_wait3A_92] : memref<40x128xi32, #tpu.memory_space<vmem>> -> memref<1x128xi32, #tpu.memory_space<vmem>>
    %dma_wait3A_94 = tpu.memref_squeeze %dma_wait3A_93 : memref<1x128xi32, #tpu.memory_space<vmem>> -> memref<128xi32, #tpu.memory_space<vmem>>
    %dma_wait3A_95 = arith.constant 0 : i32
    %dma_wait3A_96 = arith.constant 0 : i32
    %dma_wait3A_97 = tpu.memref_slice %arg2[%dma_wait3A_95, %dma_wait3A_96] : memref<10000x128xf32, #tpu.memory_space<hbm>> -> memref<10000x128xf32, #tpu.memory_space<hbm>>
    tpu.wait_indirect_dma semaphore(%arg12 : memref<!tpu.dma_semaphore, #tpu.memory_space<semaphore_mem>>) src(%dma_wait3A_97 : memref<10000x128xf32, #tpu.memory_space<hbm>>) dst(%arg10 : memref<128x128xf32, #tpu.memory_space<vmem>>)
    %run_scoped3A_98 = arith.constant 39 : i32
    "tpu.region"() ({
      %run_scoped3A_104 = tpu.sem_alloc : memref<!tpu.dma_semaphore, #tpu.memory_space<semaphore_mem>>
      %dma_start3A_105 = arith.constant 0 : i32
      %dma_start3A_106 = tpu.memref_slice %arg8[%run_scoped3A_98, %dma_start3A_105] : memref<40x128xi32, #tpu.memory_space<vmem>> -> memref<1x128xi32, #tpu.memory_space<vmem>>
      %dma_start3A_107 = tpu.memref_squeeze %dma_start3A_106 : memref<1x128xi32, #tpu.memory_space<vmem>> -> memref<128xi32, #tpu.memory_space<vmem>>
      %dma_start3A_108 = arith.constant 0 : i32
      %dma_start3A_109 = arith.constant 0 : i32
      %dma_start3A_110 = tpu.memref_slice %arg6[%dma_start3A_108, %dma_start3A_109] : memref<10240x128xf32, #tpu.memory_space<vmem_shared>> -> memref<10240x128xf32, #tpu.memory_space<vmem_shared>>
      tpu.enqueue_indirect_dma source(%arg10 : memref<128x128xf32, #tpu.memory_space<vmem>>) target(%dma_start3A_110 : memref<10240x128xf32, #tpu.memory_space<vmem_shared>>) offsets(%dma_start3A_107 : memref<128xi32, #tpu.memory_space<vmem>>) semaphore(%run_scoped3A_104 : memref<!tpu.dma_semaphore, #tpu.memory_space<semaphore_mem>>) {add = true}
      %dma_wait3A_111 = arith.constant 0 : i32
      %dma_wait3A_112 = tpu.memref_slice %arg8[%run_scoped3A_98, %dma_wait3A_111] : memref<40x128xi32, #tpu.memory_space<vmem>> -> memref<1x128xi32, #tpu.memory_space<vmem>>
      %dma_wait3A_113 = tpu.memref_squeeze %dma_wait3A_112 : memref<1x128xi32, #tpu.memory_space<vmem>> -> memref<128xi32, #tpu.memory_space<vmem>>
      %dma_wait3A_114 = arith.constant 0 : i32
      %dma_wait3A_115 = arith.constant 0 : i32
      %dma_wait3A_116 = tpu.memref_slice %arg6[%dma_wait3A_114, %dma_wait3A_115] : memref<10240x128xf32, #tpu.memory_space<vmem_shared>> -> memref<10240x128xf32, #tpu.memory_space<vmem_shared>>
      tpu.wait_indirect_dma semaphore(%run_scoped3A_104 : memref<!tpu.dma_semaphore, #tpu.memory_space<semaphore_mem>>) src(%arg10 : memref<128x128xf32, #tpu.memory_space<vmem>>) dst(%dma_wait3A_116 : memref<10240x128xf32, #tpu.memory_space<vmem_shared>>)
      tpu.yield
    }) : () -> ()
    %barrier3A_99 = arith.constant 0 : index
    tpu.barrier barrier_id(%barrier3A_99)
    %mul3A_100 = arith.constant 640 : i32
    %mul3A_101 = arith.muli %arg1, %mul3A_100 : i32
    %mul3A_102 = arith.constant 640 : i32
    %mul3A_103 = arith.muli %arg1, %mul3A_102 : i32
    "tpu.region"() ({
      %run_scoped3A_104 = tpu.sem_alloc : memref<!tpu.dma_semaphore, #tpu.memory_space<semaphore_mem>>
      %dma_start3A_105 = arith.constant 0 : i32
      %dma_start3A_106 = tpu.memref_slice %arg5[%arg0, %mul3A_103, %dma_start3A_105] : memref<2x10240x128xf32, #tpu.memory_space<hbm>> -> memref<1x640x128xf32, #tpu.memory_space<hbm>>
      %dma_start3A_107 = tpu.memref_squeeze %dma_start3A_106 : memref<1x640x128xf32, #tpu.memory_space<hbm>> -> memref<640x128xf32, #tpu.memory_space<hbm>>
      %dma_start3A_108 = arith.constant 0 : i32
      %dma_start3A_109 = tpu.memref_slice %arg6[%mul3A_101, %dma_start3A_108] : memref<10240x128xf32, #tpu.memory_space<vmem_shared>> -> memref<640x128xf32, #tpu.memory_space<vmem_shared>>
      tpu.enqueue_dma source(%dma_start3A_109 : memref<640x128xf32, #tpu.memory_space<vmem_shared>>) target(%dma_start3A_107 : memref<640x128xf32, #tpu.memory_space<hbm>>) target_semaphore(%run_scoped3A_104 : memref<!tpu.dma_semaphore, #tpu.memory_space<semaphore_mem>>)
      %dma_wait3A_110 = arith.constant 0 : i32
      %dma_wait3A_111 = tpu.memref_slice %arg5[%arg0, %mul3A_103, %dma_wait3A_110] : memref<2x10240x128xf32, #tpu.memory_space<hbm>> -> memref<1x640x128xf32, #tpu.memory_space<hbm>>
      %dma_wait3A_112 = tpu.memref_squeeze %dma_wait3A_111 : memref<1x640x128xf32, #tpu.memory_space<hbm>> -> memref<640x128xf32, #tpu.memory_space<hbm>>
      %dma_wait3A_113 = arith.constant 0 : i32
      %dma_wait3A_114 = tpu.memref_slice %arg6[%mul3A_101, %dma_wait3A_113] : memref<10240x128xf32, #tpu.memory_space<vmem_shared>> -> memref<640x128xf32, #tpu.memory_space<vmem_shared>>
      tpu.wait_dma2 semaphore(%run_scoped3A_104 : memref<!tpu.dma_semaphore, #tpu.memory_space<semaphore_mem>>) src(%dma_wait3A_114 : memref<640x128xf32, #tpu.memory_space<vmem_shared>>) dst(%dma_wait3A_112 : memref<640x128xf32, #tpu.memory_space<hbm>>)
      tpu.yield
    }) : () -> ()
    return
  }
}

module attributes {stable_mosaic.version = 14 : i64} {
  func.func @_tc_pre_body(%arg0: i32, %arg1: memref<10000x128xf32, #tpu.memory_space<vmem>>, %arg2: memref<128x128xf32, #tpu.memory_space<vmem>>, %arg3: memref<10000x1xf32, #tpu.memory_space<vmem>>, %arg4: memref<10000x1xf32, #tpu.memory_space<vmem>>, %arg5: memref<10000x128xf32, #tpu.memory_space<vmem>>, %arg6: memref<10000x1xf32, #tpu.memory_space<vmem>>) attributes {dimension_semantics = [#tpu.dimension_semantics<arbitrary>], iteration_bounds = array<i64: 1>, scalar_prefetch = 0 : i64, scratch_operands = 0 : i64, tpu.core_type = #tpu.core_type<tc>, window_params = [{transform_indices = @transform_0, window_bounds = array<i64: 10000, 128>}, {pipeline_mode = #tpu.pipeline_mode<synchronous>, transform_indices = @transform_1, window_bounds = array<i64: 128, 128>}, {transform_indices = @transform_2, window_bounds = array<i64: 10000, 1>}, {transform_indices = @transform_3, window_bounds = array<i64: 10000, 1>}, {transform_indices = @transform_4, window_bounds = array<i64: 10000, 128>}, {transform_indices = @transform_5, window_bounds = array<i64: 10000, 1>}]} {
    %get3A = arith.constant 0 : index
    %get3A_0 = arith.constant 0 : index
    %get3A_1 = vector.load %arg3[%get3A, %get3A_0] : memref<10000x1xf32, #tpu.memory_space<vmem>>, vector<10000x1xf32>
    %get3A_2 = arith.constant 0 : index
    %get3A_3 = arith.constant 0 : index
    %get3A_4 = vector.load %arg4[%get3A_2, %get3A_3] : memref<10000x1xf32, #tpu.memory_space<vmem>>, vector<10000x1xf32>
    %add3A = arith.addf %get3A_1, %get3A_4 : vector<10000x1xf32>
    %add3A_5 = arith.constant 1.000000e+00 : f32
    %add3A_6 = vector.broadcast %add3A_5 : f32 to vector<10000x1xf32>
    %add3A_7 = arith.addf %add3A, %add3A_6 : vector<10000x1xf32>
    %rsqrt3A = math.rsqrt %add3A_7 : vector<10000x1xf32>
    %get3A_8 = arith.constant 0 : index
    %get3A_9 = arith.constant 0 : index
    %get3A_10 = vector.load %arg1[%get3A_8, %get3A_9] : memref<10000x128xf32, #tpu.memory_space<vmem>>, vector<10000x128xf32>
    %get3A_11 = arith.constant 0 : index
    %get3A_12 = arith.constant 0 : index
    %get3A_13 = vector.load %arg2[%get3A_11, %get3A_12] : memref<128x128xf32, #tpu.memory_space<vmem>>, vector<128x128xf32>
    %dot_general3A = arith.constant dense<0.000000e+00> : vector<10000x128xf32>
    %dot_general3A_14 = tpu.matmul %get3A_10, %get3A_13, %dot_general3A {dimension_numbers = #tpu.dot_dimension_numbers<[1], [0], [0], [1], [0, 0, 1, 1], [], []>, transpose_lhs_hint = false} : vector<10000x128xf32>, vector<128x128xf32>, vector<10000x128xf32> -> vector<10000x128xf32>
    %mul3A = vector.broadcast %rsqrt3A : vector<10000x1xf32> to vector<10000x128xf32>
    %mul3A_15 = arith.mulf %dot_general3A_14, %mul3A : vector<10000x128xf32>
    %swap3A = arith.constant 0 : index
    %swap3A_16 = arith.constant 0 : index
    %swap3A_17 = vector.load %arg5[%swap3A, %swap3A_16] : memref<10000x128xf32, #tpu.memory_space<vmem>>, vector<10000x128xf32>
    tpu.vector_store %arg5[%swap3A, %swap3A_16], %mul3A_15 {strides = array<i32>} : memref<10000x128xf32, #tpu.memory_space<vmem>>, vector<10000x128xf32>,
    %swap3A_18 = arith.constant 0 : index
    %swap3A_19 = arith.constant 0 : index
    %swap3A_20 = vector.load %arg6[%swap3A_18, %swap3A_19] : memref<10000x1xf32, #tpu.memory_space<vmem>>, vector<10000x1xf32>
    tpu.vector_store %arg6[%swap3A_18, %swap3A_19], %rsqrt3A {strides = array<i32>} : memref<10000x1xf32, #tpu.memory_space<vmem>>, vector<10000x1xf32>,
    return
  }
  func.func @transform_0(%arg0: i32) -> (i32, i32) {
    %c0_i32 = arith.constant 0 : i32
    %c0_i32_0 = arith.constant 0 : i32
    return %arg0, %c0_i32 : i32, i32
  }
  func.func @transform_1(%arg0: i32) -> (i32, i32) {
    %c0_i32 = arith.constant 0 : i32
    %c0_i32_0 = arith.constant 0 : i32
    %c0_i32_1 = arith.constant 0 : i32
    return %c0_i32, %c0_i32_0 : i32, i32
  }
  func.func @transform_2(%arg0: i32) -> (i32, i32) {
    %c0_i32 = arith.constant 0 : i32
    %c0_i32_0 = arith.constant 0 : i32
    return %arg0, %c0_i32 : i32, i32
  }
  func.func @transform_3(%arg0: i32) -> (i32, i32) {
    %c0_i32 = arith.constant 0 : i32
    %c0_i32_0 = arith.constant 0 : i32
    return %arg0, %c0_i32 : i32, i32
  }
  func.func @transform_4(%arg0: i32) -> (i32, i32) {
    %c0_i32 = arith.constant 0 : i32
    %c0_i32_0 = arith.constant 0 : i32
    return %arg0, %c0_i32 : i32, i32
  }
  func.func @transform_5(%arg0: i32) -> (i32, i32) {
    %c0_i32 = arith.constant 0 : i32
    %c0_i32_0 = arith.constant 0 : i32
    return %arg0, %c0_i32 : i32, i32
  }
}

module attributes {stable_mosaic.version = 14 : i64} {
  func.func @_tc_final_body(%arg0: i32, %arg1: memref<1x10000x128xf32, #tpu.memory_space<vmem>>, %arg2: memref<1x10000x128xf32, #tpu.memory_space<vmem>>, %arg3: memref<10000x128xf32, #tpu.memory_space<vmem>>, %arg4: memref<10000x1xf32, #tpu.memory_space<vmem>>, %arg5: memref<1x128xf32, #tpu.memory_space<vmem>>, %arg6: memref<128x16xf32, #tpu.memory_space<vmem>>, %arg7: memref<1x16xf32, #tpu.memory_space<vmem>>, %arg8: memref<10000x128xf32, #tpu.memory_space<vmem>>, %arg9: memref<10000x16xf32, #tpu.memory_space<vmem>>) attributes {dimension_semantics = [#tpu.dimension_semantics<arbitrary>], iteration_bounds = array<i64: 1>, scalar_prefetch = 0 : i64, scratch_operands = 0 : i64, tpu.core_type = #tpu.core_type<tc>, window_params = [{transform_indices = @transform_0, window_bounds = array<i64: 1, 10000, 128>}, {transform_indices = @transform_1, window_bounds = array<i64: 1, 10000, 128>}, {transform_indices = @transform_2, window_bounds = array<i64: 10000, 128>}, {transform_indices = @transform_3, window_bounds = array<i64: 10000, 1>}, {pipeline_mode = #tpu.pipeline_mode<synchronous>, transform_indices = @transform_4, window_bounds = array<i64: 1, 128>}, {pipeline_mode = #tpu.pipeline_mode<synchronous>, transform_indices = @transform_5, window_bounds = array<i64: 128, 16>}, {pipeline_mode = #tpu.pipeline_mode<synchronous>, transform_indices = @transform_6, window_bounds = array<i64: 1, 16>}, {transform_indices = @transform_7, window_bounds = array<i64: 10000, 128>}, {transform_indices = @transform_8, window_bounds = array<i64: 10000, 16>}]} {
    %get3A = arith.constant 0 : index
    %get3A_0 = arith.constant 0 : index
    %get3A_1 = vector.load %arg4[%get3A, %get3A_0] : memref<10000x1xf32, #tpu.memory_space<vmem>>, vector<10000x1xf32>
    %get3A_2 = arith.constant 0 : index
    %get3A_3 = arith.constant 0 : index
    %get3A_4 = arith.constant 0 : index
    %get3A_5 = vector.load %arg1[%get3A_2, %get3A_3, %get3A_4] : memref<1x10000x128xf32, #tpu.memory_space<vmem>>, vector<1x10000x128xf32>
    %reshape3A = vector.shape_cast %get3A_5 : vector<1x10000x128xf32> to vector<10000x128xf32>
    %get3A_6 = arith.constant 0 : index
    %get3A_7 = arith.constant 0 : index
    %get3A_8 = arith.constant 0 : index
    %get3A_9 = vector.load %arg2[%get3A_6, %get3A_7, %get3A_8] : memref<1x10000x128xf32, #tpu.memory_space<vmem>>, vector<1x10000x128xf32>
    %reshape3A_10 = vector.shape_cast %get3A_9 : vector<1x10000x128xf32> to vector<10000x128xf32>
    %add3A = arith.addf %reshape3A, %reshape3A_10 : vector<10000x128xf32>
    %get3A_11 = arith.constant 0 : index
    %get3A_12 = arith.constant 0 : index
    %get3A_13 = vector.load %arg3[%get3A_11, %get3A_12] : memref<10000x128xf32, #tpu.memory_space<vmem>>, vector<10000x128xf32>
    %add3A_14 = arith.addf %add3A, %get3A_13 : vector<10000x128xf32>
    %mul3A = vector.broadcast %get3A_1 : vector<10000x1xf32> to vector<10000x128xf32>
    %mul3A_15 = arith.mulf %mul3A, %add3A_14 : vector<10000x128xf32>
    %get3A_16 = arith.constant 0 : index
    %get3A_17 = arith.constant 0 : index
    %get3A_18 = vector.load %arg5[%get3A_16, %get3A_17] : memref<1x128xf32, #tpu.memory_space<vmem>>, vector<1x128xf32>
    %add3A_19 = vector.broadcast %get3A_18 : vector<1x128xf32> to vector<10000x128xf32>
    %add3A_20 = arith.addf %mul3A_15, %add3A_19 : vector<10000x128xf32>
    %max3A = arith.constant 0.000000e+00 : f32
    %max3A_21 = vector.broadcast %max3A : f32 to vector<10000x128xf32>
    %max3A_22 = arith.maximumf %add3A_20, %max3A_21 : vector<10000x128xf32>
    %swap3A = arith.constant 0 : index
    %swap3A_23 = arith.constant 0 : index
    %swap3A_24 = vector.load %arg8[%swap3A, %swap3A_23] : memref<10000x128xf32, #tpu.memory_space<vmem>>, vector<10000x128xf32>
    tpu.vector_store %arg8[%swap3A, %swap3A_23], %max3A_22 {strides = array<i32>} : memref<10000x128xf32, #tpu.memory_space<vmem>>, vector<10000x128xf32>,
    %get3A_25 = arith.constant 0 : index
    %get3A_26 = arith.constant 0 : index
    %get3A_27 = vector.load %arg6[%get3A_25, %get3A_26] : memref<128x16xf32, #tpu.memory_space<vmem>>, vector<128x16xf32>
    %dot_general3A = arith.constant dense<0.000000e+00> : vector<10000x16xf32>
    %dot_general3A_28 = tpu.matmul %max3A_22, %get3A_27, %dot_general3A {dimension_numbers = #tpu.dot_dimension_numbers<[1], [0], [0], [1], [0, 0, 1, 1], [], []>, transpose_lhs_hint = false} : vector<10000x128xf32>, vector<128x16xf32>, vector<10000x16xf32> -> vector<10000x16xf32>
    %get3A_29 = arith.constant 0 : index
    %get3A_30 = arith.constant 0 : index
    %get3A_31 = vector.load %arg7[%get3A_29, %get3A_30] : memref<1x16xf32, #tpu.memory_space<vmem>>, vector<1x16xf32>
    %add3A_32 = vector.broadcast %get3A_31 : vector<1x16xf32> to vector<10000x16xf32>
    %add3A_33 = arith.addf %dot_general3A_28, %add3A_32 : vector<10000x16xf32>
    %reduce_max3A = arith.constant dense<0xFF800000> : vector<10000xf32>
    %reduce_max3A_34 = vector.multi_reduction <maximumf>, %add3A_33, %reduce_max3A [1] : vector<10000x16xf32> to vector<10000xf32>
    %broadcast_in_dim3A = vector.shape_cast %reduce_max3A_34 : vector<10000xf32> to vector<10000x1xf32>
    %sub3A = vector.broadcast %broadcast_in_dim3A : vector<10000x1xf32> to vector<10000x16xf32>
    %sub3A_35 = arith.subf %add3A_33, %sub3A : vector<10000x16xf32>
    %exp3A = math.exp %sub3A_35 : vector<10000x16xf32>
    %reduce_sum3A = arith.constant dense<0.000000e+00> : vector<10000xf32>
    %reduce_sum3A_36 = vector.multi_reduction <add>, %exp3A, %reduce_sum3A [1] : vector<10000x16xf32> to vector<10000xf32>
    %broadcast_in_dim3A_37 = vector.shape_cast %reduce_sum3A_36 : vector<10000xf32> to vector<10000x1xf32>
    %div3A = vector.broadcast %broadcast_in_dim3A_37 : vector<10000x1xf32> to vector<10000x16xf32>
    %div3A_38 = arith.divf %exp3A, %div3A : vector<10000x16xf32>
    %swap3A_39 = arith.constant 0 : index
    %swap3A_40 = arith.constant 0 : index
    %swap3A_41 = vector.load %arg9[%swap3A_39, %swap3A_40] : memref<10000x16xf32, #tpu.memory_space<vmem>>, vector<10000x16xf32>
    tpu.vector_store %arg9[%swap3A_39, %swap3A_40], %div3A_38 {strides = array<i32>} : memref<10000x16xf32, #tpu.memory_space<vmem>>, vector<10000x16xf32>,
    return
  }
  func.func @transform_0(%arg0: i32) -> (i32, i32, i32) {
    %c0_i32 = arith.constant 0 : i32
    %c0_i32_0 = arith.constant 0 : i32
    %c0_i32_1 = arith.constant 0 : i32
    return %c0_i32, %arg0, %c0_i32_0 : i32, i32, i32
  }
  func.func @transform_1(%arg0: i32) -> (i32, i32, i32) {
    %c1_i32 = arith.constant 1 : i32
    %c0_i32 = arith.constant 0 : i32
    %c0_i32_0 = arith.constant 0 : i32
    return %c1_i32, %arg0, %c0_i32 : i32, i32, i32
  }
  func.func @transform_2(%arg0: i32) -> (i32, i32) {
    %c0_i32 = arith.constant 0 : i32
    %c0_i32_0 = arith.constant 0 : i32
    return %arg0, %c0_i32 : i32, i32
  }
  func.func @transform_3(%arg0: i32) -> (i32, i32) {
    %c0_i32 = arith.constant 0 : i32
    %c0_i32_0 = arith.constant 0 : i32
    return %arg0, %c0_i32 : i32, i32
  }
  func.func @transform_4(%arg0: i32) -> (i32, i32) {
    %c0_i32 = arith.constant 0 : i32
    %c0_i32_0 = arith.constant 0 : i32
    %c0_i32_1 = arith.constant 0 : i32
    return %c0_i32, %c0_i32_0 : i32, i32
  }
  func.func @transform_5(%arg0: i32) -> (i32, i32) {
    %c0_i32 = arith.constant 0 : i32
    %c0_i32_0 = arith.constant 0 : i32
    %c0_i32_1 = arith.constant 0 : i32
    return %c0_i32, %c0_i32_0 : i32, i32
  }
  func.func @transform_6(%arg0: i32) -> (i32, i32) {
    %c0_i32 = arith.constant 0 : i32
    %c0_i32_0 = arith.constant 0 : i32
    %c0_i32_1 = arith.constant 0 : i32
    return %c0_i32, %c0_i32_0 : i32, i32
  }
  func.func @transform_7(%arg0: i32) -> (i32, i32) {
    %c0_i32 = arith.constant 0 : i32
    %c0_i32_0 = arith.constant 0 : i32
    return %arg0, %c0_i32 : i32, i32
  }
  func.func @transform_8(%arg0: i32) -> (i32, i32) {
    %c0_i32 = arith.constant 0 : i32
    %c0_i32_0 = arith.constant 0 : i32
    return %arg0, %c0_i32 : i32, i32
  }
}

module attributes {stable_mosaic.version = 14 : i64} {
  func.func @_tc_layer_body(%arg0: i32, %arg1: memref<1x10000x128xf32, #tpu.memory_space<vmem>>, %arg2: memref<1x10000x128xf32, #tpu.memory_space<vmem>>, %arg3: memref<10000x128xf32, #tpu.memory_space<vmem>>, %arg4: memref<10000x1xf32, #tpu.memory_space<vmem>>, %arg5: memref<1x128xf32, #tpu.memory_space<vmem>>, %arg6: memref<128x128xf32, #tpu.memory_space<vmem>>, %arg7: memref<10000x128xf32, #tpu.memory_space<vmem>>) attributes {dimension_semantics = [#tpu.dimension_semantics<arbitrary>], iteration_bounds = array<i64: 1>, scalar_prefetch = 0 : i64, scratch_operands = 0 : i64, tpu.core_type = #tpu.core_type<tc>, window_params = [{transform_indices = @transform_0, window_bounds = array<i64: 1, 10000, 128>}, {transform_indices = @transform_1, window_bounds = array<i64: 1, 10000, 128>}, {transform_indices = @transform_2, window_bounds = array<i64: 10000, 128>}, {transform_indices = @transform_3, window_bounds = array<i64: 10000, 1>}, {pipeline_mode = #tpu.pipeline_mode<synchronous>, transform_indices = @transform_4, window_bounds = array<i64: 1, 128>}, {pipeline_mode = #tpu.pipeline_mode<synchronous>, transform_indices = @transform_5, window_bounds = array<i64: 128, 128>}, {transform_indices = @transform_6, window_bounds = array<i64: 10000, 128>}]} {
    %get3A = arith.constant 0 : index
    %get3A_0 = arith.constant 0 : index
    %get3A_1 = vector.load %arg4[%get3A, %get3A_0] : memref<10000x1xf32, #tpu.memory_space<vmem>>, vector<10000x1xf32>
    %get3A_2 = arith.constant 0 : index
    %get3A_3 = arith.constant 0 : index
    %get3A_4 = arith.constant 0 : index
    %get3A_5 = vector.load %arg1[%get3A_2, %get3A_3, %get3A_4] : memref<1x10000x128xf32, #tpu.memory_space<vmem>>, vector<1x10000x128xf32>
    %reshape3A = vector.shape_cast %get3A_5 : vector<1x10000x128xf32> to vector<10000x128xf32>
    %get3A_6 = arith.constant 0 : index
    %get3A_7 = arith.constant 0 : index
    %get3A_8 = arith.constant 0 : index
    %get3A_9 = vector.load %arg2[%get3A_6, %get3A_7, %get3A_8] : memref<1x10000x128xf32, #tpu.memory_space<vmem>>, vector<1x10000x128xf32>
    %reshape3A_10 = vector.shape_cast %get3A_9 : vector<1x10000x128xf32> to vector<10000x128xf32>
    %add3A = arith.addf %reshape3A, %reshape3A_10 : vector<10000x128xf32>
    %get3A_11 = arith.constant 0 : index
    %get3A_12 = arith.constant 0 : index
    %get3A_13 = vector.load %arg3[%get3A_11, %get3A_12] : memref<10000x128xf32, #tpu.memory_space<vmem>>, vector<10000x128xf32>
    %add3A_14 = arith.addf %add3A, %get3A_13 : vector<10000x128xf32>
    %mul3A = vector.broadcast %get3A_1 : vector<10000x1xf32> to vector<10000x128xf32>
    %mul3A_15 = arith.mulf %mul3A, %add3A_14 : vector<10000x128xf32>
    %get3A_16 = arith.constant 0 : index
    %get3A_17 = arith.constant 0 : index
    %get3A_18 = vector.load %arg5[%get3A_16, %get3A_17] : memref<1x128xf32, #tpu.memory_space<vmem>>, vector<1x128xf32>
    %add3A_19 = vector.broadcast %get3A_18 : vector<1x128xf32> to vector<10000x128xf32>
    %add3A_20 = arith.addf %mul3A_15, %add3A_19 : vector<10000x128xf32>
    %max3A = arith.constant 0.000000e+00 : f32
    %max3A_21 = vector.broadcast %max3A : f32 to vector<10000x128xf32>
    %max3A_22 = arith.maximumf %add3A_20, %max3A_21 : vector<10000x128xf32>
    %get3A_23 = arith.constant 0 : index
    %get3A_24 = arith.constant 0 : index
    %get3A_25 = vector.load %arg6[%get3A_23, %get3A_24] : memref<128x128xf32, #tpu.memory_space<vmem>>, vector<128x128xf32>
    %dot_general3A = arith.constant dense<0.000000e+00> : vector<10000x128xf32>
    %dot_general3A_26 = tpu.matmul %max3A_22, %get3A_25, %dot_general3A {dimension_numbers = #tpu.dot_dimension_numbers<[1], [0], [0], [1], [0, 0, 1, 1], [], []>, transpose_lhs_hint = false} : vector<10000x128xf32>, vector<128x128xf32>, vector<10000x128xf32> -> vector<10000x128xf32>
    %mul3A_27 = vector.broadcast %get3A_1 : vector<10000x1xf32> to vector<10000x128xf32>
    %mul3A_28 = arith.mulf %dot_general3A_26, %mul3A_27 : vector<10000x128xf32>
    %swap3A = arith.constant 0 : index
    %swap3A_29 = arith.constant 0 : index
    %swap3A_30 = vector.load %arg7[%swap3A, %swap3A_29] : memref<10000x128xf32, #tpu.memory_space<vmem>>, vector<10000x128xf32>
    tpu.vector_store %arg7[%swap3A, %swap3A_29], %mul3A_28 {strides = array<i32>} : memref<10000x128xf32, #tpu.memory_space<vmem>>, vector<10000x128xf32>,
    return
  }
  func.func @transform_0(%arg0: i32) -> (i32, i32, i32) {
    %c0_i32 = arith.constant 0 : i32
    %c0_i32_0 = arith.constant 0 : i32
    %c0_i32_1 = arith.constant 0 : i32
    return %c0_i32, %arg0, %c0_i32_0 : i32, i32, i32
  }
  func.func @transform_1(%arg0: i32) -> (i32, i32, i32) {
    %c1_i32 = arith.constant 1 : i32
    %c0_i32 = arith.constant 0 : i32
    %c0_i32_0 = arith.constant 0 : i32
    return %c1_i32, %arg0, %c0_i32 : i32, i32, i32
  }
  func.func @transform_2(%arg0: i32) -> (i32, i32) {
    %c0_i32 = arith.constant 0 : i32
    %c0_i32_0 = arith.constant 0 : i32
    return %arg0, %c0_i32 : i32, i32
  }
  func.func @transform_3(%arg0: i32) -> (i32, i32) {
    %c0_i32 = arith.constant 0 : i32
    %c0_i32_0 = arith.constant 0 : i32
    return %arg0, %c0_i32 : i32, i32
  }
  func.func @transform_4(%arg0: i32) -> (i32, i32) {
    %c0_i32 = arith.constant 0 : i32
    %c0_i32_0 = arith.constant 0 : i32
    %c0_i32_1 = arith.constant 0 : i32
    return %c0_i32, %c0_i32_0 : i32, i32
  }
  func.func @transform_5(%arg0: i32) -> (i32, i32) {
    %c0_i32 = arith.constant 0 : i32
    %c0_i32_0 = arith.constant 0 : i32
    %c0_i32_1 = arith.constant 0 : i32
    return %c0_i32, %c0_i32_0 : i32, i32
  }
  func.func @transform_6(%arg0: i32) -> (i32, i32) {
    %c0_i32 = arith.constant 0 : i32
    %c0_i32_0 = arith.constant 0 : i32
    return %arg0, %c0_i32 : i32, i32
  }
}

</mosaic_0001>

<sc_bundles>
// kernel: kernel.11.cloned.1.call-start
scs
__scs_entry_jumppad:
0x0: {  	(pc) =	sbr.rel $0x88, $3  }
0x1: {  	(tag) =	ssettag $0x0;
	lr =	simm.s32 $0x1  }
0x2: {  	[smem:$0x3F99] =	sst lr;
	_ =	strace $0xD0000000  }
0x3: {  	_ = 	snop  }
0x4: {  	_ = 	snop  }
0x5: {  	_ = 	snop  }
0x6: {  	_ = 	snop  }
0x7: {  	_ = 	snop  }
__scs_overlays_trampoline_lowered:
0x8: {  	[smem:$0x3FA8] =	sst s0  }
0x9: {  	[smem:$0x3FA9] =	sst s1  }
0xa: {  	[smem:$0x3FAA] =	sst s2  }
0xb: {  	[smem:$0x3FAB] =	sst s3  }
0xc: {  	[smem:$0x3FAC] =	sst s4  }
0xd: {  	[smem:$0x3FAD] =	sst s5  }
0xe: {  	[smem:$0x3FAE] =	sst s6  }
0xf: {  	[smem:$0x3FAF] =	sst s7  }
0x10: {  	[smem:$0x3FB0] =	sst s8  }
0x11: {  	[smem:$0x3FB1] =	sst s9;
	s0 =	simm.s32 @!p0 $0x0  }
0x12: {  	s1 =	sld [smem:$0x3F97];
	s0 =	simm.s32 @p0 $0x1  }
0x13: {  	[smem:$0x3FB2] =	sst s0;
	s0 =	simm.s32 @!p1 $0x0  }
0x14: {  	s2 =	sld [smem:$0x3F96];
	s0 =	simm.s32 @p1 $0x1  }
0x15: {  	[smem:$0x3FB3] =	sst s0;
	s0 =	simm.s32 @!p2 $0x0  }
0x16: {  	s3 =	sld [smem:$0x3FDB];
	s0 =	simm.s32 @p2 $0x1  }
0x17: {  	s4 =	simm.s32 $0x1BF5;
	[smem:$0x3FB5] =	sst s0  }
0x18: {  	s0 =	sld [smem:$0x3F98];
	_ =	swait.ge [sflag:s4], $0x0  }
0x19: {  	s7 =	sld [smem:$0x3F99]  }
0x1a: {  	s8 =	sadd.s32 $0xFFFFE003, lr  }
0x1b: {  	s9 =	sadd.s32 $0xFFFFFEF7, lr;
	s5 =	simm.s32 $0xFFFFFFFF;
	p2 =	slt.u32 s8, $0xFFFFF086  }
0x1c: {  	p1 =	slt.u32 s9, $0xF7A;
	s5 =	simm.s32 @!p2 $0x0  }
0x1d: {  	s5 =	simm.s32 @p1 $0x1;
	p0 =	seq.s32 s7, s2  }
0x1e: {  	s7 =	smul.u32 @!p0 $0xF7A, s2;
	p2 =	seq.s32 @!p0 s5, $0x0  }
0x1f: {  	s9 =	smul.u32 $0xF7A, s1;
	s8 =	simm.s32 @!p0 $0x1BF5;
	p2 =	por !p2, p0  }
0x20: {  	[sflag:s8] =	ssyncset.s32 @!p0 $0xFFFFF086;
	s6 =	sadd.s32 @!p0 s3, s7;
	s7 =	simm.s32 @!p0 $0x108  }
0x21: {  	s3 =	sadd.s32 s3, s9;
	s6 =	sadd.s32 @!p0 $0x88, s6;
	s7 =	simm.s32 @p2 $0x1082  }
0x22: {  	[simem:s7], [sflag:s8] =	dma.local @!p0 [hbm:s6], $0xF7A  }
0x23: {  	s9 =	sor.u32 $0xD0000000, s2;
	s6 =	simm.s32 $0x108;
	_ =	swait.ge @!p0 [sflag:s8], $0x0  }
0x24: {  	s3 =	sadd.s32 $0x88, s3;
	s6 =	simm.s32 @!p1 $0x1082;
	[sflag:s4] =	ssyncset.s32 $0xFFFFF086  }
0x25: {  	[simem:s6], [sflag:s4] =	dma.local [hbm:s3], $0xF7A  }
0x26: {  	[smem:$0x3F99] =	sst s1;
	(tag) =	ssettag s2;
	_ =	strace s9  }
0x27: {  	s1 =	sld [smem:$0x3FA9]  }
0x28: {  	s2 =	sld [smem:$0x3FAA]  }
0x29: {  	s4 =	sld [smem:$0x3FAC]  }
0x2a: {  	p0 =	seq.s32 s5, $0x0;
	s5 =	sld [smem:$0x3FAD]  }
0x2b: {  	s6 =	sld [smem:$0x3FAE]  }
0x2c: {  	s7 =	sld [smem:$0x3FAF]  }
0x2d: {  	s3 =	simm.s32 $0x108;
	s8 =	sld [smem:$0x3FB0]  }
0x2e: {  	s3 =	simm.s32 @!p0 $0x1082;
	s9 =	sld [smem:$0x3FB1]  }
0x2f: {  	lr =	sadd.s32 s0, s3;
	s0 =	sld [smem:$0x3FA8]  }
0x30: {  	s3 =	sld [smem:$0x3FAB]  }
0x31: {  	[smem:$0x3FB4] =	sst s10  }
0x32: {  	s10 =	sld [smem:$0x3FB2];
	_ =	sdelay $0x3  }
0x33: {  	p0 =	seq.s32 s10, $0x1;
	s10 =	sld [smem:$0x3FB4];
	_ =	sdelay $0x3  }
0x34: {  	[smem:$0x3FB4] =	sst s10  }
0x35: {  	s10 =	sld [smem:$0x3FB3];
	_ =	sdelay $0x3  }
0x36: {  	p1 =	seq.s32 s10, $0x1;
	s10 =	sld [smem:$0x3FB4];
	_ =	sdelay $0x3  }
0x37: {  	[smem:$0x3FB4] =	sst s10  }
0x38: {  	s10 =	sld [smem:$0x3FB5]  }
0x39: {  	_ = 	snop;
	(pc) =	sbr.ind lr, $3  }
0x3a: {  	_ = 	snop  }
0x3b: {  	_ = 	snop  }
0x3c: {  	p2 =	seq.s32 s10, $0x1;
	s10 =	sld [smem:$0x3FB4]  }
0x3d: {  	_ =	shalt  }
0x3e: {  	_ =	shalt  }
0x3f: {  	_ =	shalt  }
0x40: {  	_ =	shalt  }
0x41: {  	_ =	shalt  }
0x42: {  	_ =	shalt  }
0x43: {  	_ =	shalt  }
0x44: {  	_ =	shalt  }
0x45: {  	_ =	shalt  }
0x46: {  	_ =	shalt  }
0x47: {  	_ =	shalt  }
0x48: {  	_ =	shalt  }
0x49: {  	_ =	shalt  }
0x4a: {  	_ =	shalt  }
0x4b: {  	_ =	shalt  }
0x4c: {  	_ =	shalt  }
0x4d: {  	_ =	shalt  }
0x4e: {  	_ =	shalt  }
0x4f: {  	_ =	shalt  }
0x50: {  	_ =	shalt  }
0x51: {  	_ =	shalt  }
0x52: {  	_ =	shalt  }
0x53: {  	_ =	shalt  }
0x54: {  	_ =	shalt  }
0x55: {  	_ =	shalt  }
0x56: {  	_ =	shalt  }
0x57: {  	_ =	shalt  }
0x58: {  	_ =	shalt  }
0x59: {  	_ =	shalt  }
0x5a: {  	_ =	shalt  }
0x5b: {  	_ =	shalt  }
0x5c: {  	_ =	shalt  }
0x5d: {  	_ =	shalt  }
0x5e: {  	_ =	shalt  }
0x5f: {  	_ =	shalt  }
0x60: {  	_ =	shalt  }
0x61: {  	_ =	shalt  }
0x62: {  	_ =	shalt  }
0x63: {  	_ =	shalt  }
0x64: {  	_ =	shalt  }
0x65: {  	_ =	shalt  }
0x66: {  	_ =	shalt  }
0x67: {  	_ =	shalt  }
0x68: {  	_ =	shalt  }
0x69: {  	_ =	shalt  }
0x6a: {  	_ =	shalt  }
0x6b: {  	_ =	shalt  }
0x6c: {  	_ =	shalt  }
0x6d: {  	_ =	shalt  }
0x6e: {  	_ =	shalt  }
0x6f: {  	_ =	shalt  }
0x70: {  	_ =	shalt  }
0x71: {  	_ =	shalt  }
0x72: {  	_ =	shalt  }
0x73: {  	_ =	shalt  }
0x74: {  	_ =	shalt  }
0x75: {  	_ =	shalt  }
0x76: {  	_ =	shalt  }
0x77: {  	_ =	shalt  }
0x78: {  	_ =	shalt  }
0x79: {  	_ =	shalt  }
0x7a: {  	_ =	shalt  }
0x7b: {  	_ =	shalt  }
0x7c: {  	_ =	shalt  }
0x7d: {  	_ =	shalt  }
0x7e: {  	_ =	shalt  }
0x7f: {  	_ =	shalt  }
0x80: {  	_ =	shalt  }
0x81: {  	_ =	shalt  }
0x82: {  	_ =	shalt  }
0x83: {  	_ =	shalt  }
0x84: {  	_ =	shalt  }
0x85: {  	_ =	shalt  }
0x86: {  	_ =	shalt  }
0x87: {  	_ =	shalt  }
.Lfunc_end0:
.L_simem_size_0:
called_computation.1_lowered:
.L_overlay_start_0:
0x88: {  	s2 =	sld [smem:$0x3FD9]  }
0x89: {  	s3 =	sld [smem:$0x3FFE];
	_ =	sdelay $0x1  }
0x8a: {  	s1 =	srdreg.scid  }
0x8b: {  	s0 =	sand.u32 $0x1, s1  }
0x8c: {  	s14 =	sshll.u32 s0, $0xA;
	s2 =	sadd.s32 s3, s2  }
0x8d: {  	s2 =	sadd.s32 s2, s14  }
0x8e: {  	[smem:$0x3FC0] =	sst s2  }
0x8f: {  	_ = 	snop  }
0x90: {  	s2 =	sld [smem:$0x3FD0];
	_ =	sdelay $0x2  }
0x91: {  	s15 =	simm.s32 $0xA;
	s4 =	simm.s32 $0x10  }
0x92: {  	[smem:s4], [sflag:s15] =	dma.local [hbm:s2], $0x1  }
0x93: {  	_ =	swait.eq [sflag:s15], $0x1  }
0x94: {  	[sflag:s15] =	ssyncset.done $0x0  }
0x95: {  	[sflag:s15] =	ssyncadd.s32 $0xFFFFFFFF  }
0x96: {  	s16 =	sld [smem:$0x10];
	(tm) =	ssettm $0x1  }
0x97: {  	s17 =	sld [smem:$0x3FFB];
	_ =	sdelay $0x3  }
0x98: {  	_ =	strace s17  }
0x99: {  	s3 =	sld [smem:$0x3FFC];
	_ =	sdelay $0x3  }
0x9a: {  	_ =	strace s3  }
0x9b: {  	s3 =	sld [smem:$0x3FFD];
	_ =	sdelay $0x3  }
0x9c: {  	_ =	strace s3  }
0x9d: {  	_ =	strace $0x8FFFFFFF  }
0x9e: {  	s18 =	sld [smem:$0x3FDB];
	_ =	sdelay $0x1  }
0x9f: {  	s19 =	simm.s32 $_scs_section_size  }
0xa0: {  	s5 =	simm.s32 $_size__tile_overlayer_lowered;
	s6 =	simm.s32 $_tile_overlayer_lowered  }
0xa1: {  	s22 =	simm.s32 $0x1BFF;
	s21 =	sshll.u32 s6, $0x1;
	s3 =	sadd.s32 s19, s18  }
0xa2: {  	s7 =	simm.s32 $0x0;
	s20 =	sshll.u32 s5, $0x1;
	s5 =	sadd.s32 s21, s3  }
0xa3: {  	[timem:s7], [sflag:s22] =	dma.local [hbm:s5], s20  }
0xa4: {  	_ =	swait.ge [sflag:s22], s20  }
0xa5: {  	s4 =	ssub.s32 $0x0, s20;
	[sflag:s22] =	ssyncset.done $0x0  }
0xa6: {  	[sflag:s22] =	ssyncadd.s32 s4;
	_ =	sdelay $0x1  }
0xa7: {  	s23 =	simm.s32 $0x1B8B  }
0xa8: {  	_ =	swait.ge [sflag:s23], $0x1  }
0xa9: {  	[sflag:s23] =	ssyncset.done $0x0  }
0xaa: {  	s25 =	simm.s32 $0x1B8E;
	s24 =	sld [smem:$0x3FFE];
	[sflag:s23] =	ssyncadd.s32 $0xFFFFFFFF  }
0xab: {  	s26 =	simm.s32 $execute0_lowered;
	[smem:$0x3FD2] =	sst s25  }
0xac: {  	s5 =	sshll.u32 s26, $0x1;
	_ =	strace $0x80000049;
	[dreg:$0x1] =	wrdreg $0xFFFFFFFF  }
0xad: {  	s28 =	simm.s32 $_size_execute0_lowered;
	s3 =	sadd.s32 s3, s5;
	[dreg:$0x0] =	wrdreg $0x0  }
0xae: {  	s5 =	sshll.u32 s28, $0x1;
	[dreg:$0x2] =	wrdreg s3  }
0xaf: {  	[dreg:$0x3] =	wrdreg s5  }
0xb0: {  	[dreg:$0x4] =	wrdreg $0xC0  }
0xb1: {  	_ =	task [dreg:s7], $0x5FFFF  }
0xb2: {  	[dreg:$0x1] =	wrdreg $0xFFFFFFFF  }
0xb3: {  	[dreg:$0x0] =	wrdreg $0x60  }
0xb4: {  	[dreg:$0x2] =	wrdreg s16  }
0xb5: {  	[dreg:$0x3] =	wrdreg s24  }
0xb6: {  	[dreg:$0x4] =	wrdreg $0x0  }
0xb7: {  	[dreg:$0x5] =	wrdreg $0x9  }
0xb8: {  	_ =	task.clear_ibuf [dreg:s7], $0x6FFFF;
	_ =	strace $0x90000049  }
0xb9: {  	s29 =	simm.s32 $0x9;
	_ =	strace $0x8000004B  }
0xba: {  	_ =	swait.ge [sflag:s29], $0x1  }
0xbb: {  	[sflag:s29] =	ssyncadd.s32 $0xFFFFFFFF  }
0xbc: {  	_ =	strace $0x9000004B  }
0xbd: {  	_ =	sfence  }
0xbe: {  	s30 =	sld [smem:$0x0];
	_ =	sdelay $0x2  }
0xbf: {  	s31 =	sshll.u32 s1, $0xD;
	s1 =	sshrl.u32 s1, $0x2  }
0xc0: {  	s3 =	sand.u32 $0x4000, s31;
	s1 =	sadd.s32 s1, s30  }
0xc1: {  	s0 =	sor.u32 s3, s0;
	s1 =	sshll.u32 s1, $0x11  }
0xc2: {  	s0 =	sor.u32 s1, s0  }
0xc3: {  	s0 =	sadd.s32 $0x8F2B, s0  }
0xc4: {  	[sflag:s0] =	ssyncadd.remote.s32 $0x1  }
0xc5: {  	_ =	sfence.sel $0xFFFF  }
0xc6: {  	[dreg:$0x0] =	wrdreg $0xFFFFFFFF;
	(pc) =	sbr.abs _section_cstart, $3  }
0xc7: {  	[dreg:$0x1] =	wrdreg $0xFFFFFFFF  }
0xc8: {  	_ =	task.clear_ibuf [dreg:s7], $0x2FFFF;
	_ =	strace $0x9FFFFFFF  }
0xc9: {  	(tm) =	ssettm $0x7FFFFFFF  }
tec
execute0_lowered:
.L_overlay_start_1:
0x0: {  	(tag) =	ssettag $0x1  }
0x1: {  	s0 =	rddreg [dreg:$0x0]  }
0x2: {  	s5 =	rddreg [dreg:$0x1]  }
0x3: {  	s1 =	srdreg.scid;
	s3 =	rddreg [dreg:$0x2]  }
0x4: {  	s2 =	stileid.u32;
	s4 =	simm.s32 $0x0;
	s17 =	simm.s32 $0x3  }
0x5: {  	s18 =	simm.s32 $0x14000;
	s19 =	simm.s32 $0x15400;
	s20 =	simm.s32 $0x80  }
0x6: {  	s21 =	simm.s32 $0x14080;
	s22 =	simm.s32 $0x1A800;
	s23 =	simm.s32 $0x1  }
0x7: {  	s24 =	simm.s32 $0x2;
	s6 =	sand.u32 $0x1, s1;
	s1 =	rddreg [dreg:$0x3]  }
0x8: {  	s25 =	simm.s32 $0x16700;
	s8 =	smul.u32 $0x14000, s2;
	[smem:$0x7FF] =	sst s4  }
0x9: {  	s12 =	sadd.s32 $0xCE00, s5;
	s26 =	smul.u32 $0x50000, s2;
	s13 =	sadd.s32 $0x2E00, s5  }
0xa: {  	s7 =	smul.u32 $0x140000, s6;
	_ =	strace $0x8000004A;
	s28 =	sshll.u32 s6, $0x4  }
0xb: {  	s6 =	ssub.s32 $0x2, s6;
	s29 =	sor.u32 s2, s28;
	s30 =	sshrl.u32 s26, $0x2  }
0xc: {  	s31 =	sshrl.u32 s6, $0x1;
	s26 =	simm.s32 $0x16780;
	s7 =	sadd.s32 s8, s7  }
0xd: {  	s10 =	smul.u32 $0x2800, s29;
	s15 =	ssub.s32 s6, s31;
	s7 =	sshrl.u32 s7, $0x3  }
0xe: {  	s15 =	smax.u32 s15, $0x1;
	s14 =	sadd.s32 s7, s5;
	s5 =	sadd.s32 s30, s3  }
0xf: {  	s16 =	sshrl.u32 s10, $0x3;
	s6 =	sadd.s32 $0x4000, s5;
	s7 =	sadd.s32 $0x8000, s5  }
0x10: {  	s8 =	sadd.s32 $0xC000, s5;
	s9 =	sadd.s32 $0x10000, s5;
	s10 =	sadd.s32 s12, s16  }
0x11: {  	s11 =	sadd.s32 s13, s16;
	s16 =	sadd.s32 $0x280, s16;
	s14 =	sadd.s32 $0x16E00, s14  }
0x12: {  	v0 =	vimm.f32 $0.0e+00;
	s12 =	sadd.s32 s12, s16;
	s13 =	sadd.s32 s13, s16;
	s16 =	simm.s32 $0x16800  }
.LBB2_1:
0x13: {  	s28 =	simm.s32 $0x0;
	s29 =	simm.s32 $0x200  }
.LBB2_2:
0x14: {  	p0 =	sne.s32 s29, $0xFE00;
	[tilespmem:s28+$0x16870] =	vst v0  }
0x15: {  	[tilespmem:s28+$0x16800] =	vst v0  }
0x16: {  	[tilespmem:s28+$0x16810] =	vst v0  }
.Ltmp0:
0x17: {  	[tilespmem:s28+$0x16820] =	vst v0;
	(pc) =	sbr.rel @p0 .LBB2_2-.Ltmp0, $4  }
0x18: {  	[tilespmem:s28+$0x16830] =	vst v0  }
0x19: {  	[tilespmem:s28+$0x16840] =	vst v0  }
0x1a: {  	[tilespmem:s28+$0x16850] =	vst v0  }
0x1b: {  	[tilespmem:s28+$0x16860] =	vst v0;
	s28 =	sshra.s32 s29, $0x2;
	s29 =	sadd.s32 $0x200, s29  }
0x1c: {  	[tilespmem:s28+$0x16870] =	vst v0  }
0x1d: {  	[tilespmem:s28+$0x16800] =	vst v0  }
0x1e: {  	[tilespmem:s28+$0x16810] =	vst v0  }
0x1f: {  	[tilespmem:s28+$0x16820] =	vst v0  }
0x20: {  	[tilespmem:s28+$0x16830] =	vst v0  }
0x21: {  	[tilespmem:s28+$0x16840] =	vst v0  }
0x22: {  	[tilespmem:s28+$0x16850] =	vst v0  }
0x23: {  	[tilespmem:s28+$0x16860] =	vst v0  }
0x24: {  	[spmem:s5] =	stream.linear.scatter [tilespmem:s16], [sflag:$0x3], $0x4000, $0x38;
	[tilespmem:$0x1E800] =	vst v63  }
0x25: {  	_ =	swait.ge [sflag:s17], $0x4000  }
0x26: {  	[sflag:s17] =	ssyncset.done $0x0  }
0x27: {  	[sflag:s17] =	ssyncadd.s32 $0xFFFFC000  }
0x28: {  	[spmem:s6] =	stream.linear.scatter [tilespmem:s16], [sflag:$0x3], $0x4000, $0x38;
	[tilespmem:$0x1E800] =	vst v63  }
0x29: {  	_ =	swait.ge [sflag:s17], $0x4000  }
0x2a: {  	[sflag:s17] =	ssyncset.done $0x0  }
0x2b: {  	[sflag:s17] =	ssyncadd.s32 $0xFFFFC000  }
0x2c: {  	[spmem:s7] =	stream.linear.scatter [tilespmem:s16], [sflag:$0x3], $0x4000, $0x38;
	[tilespmem:$0x1E800] =	vst v63  }
0x2d: {  	_ =	swait.ge [sflag:s17], $0x4000  }
0x2e: {  	[sflag:s17] =	ssyncset.done $0x0  }
0x2f: {  	[sflag:s17] =	ssyncadd.s32 $0xFFFFC000  }
0x30: {  	[spmem:s8] =	stream.linear.scatter [tilespmem:s16], [sflag:$0x3], $0x4000, $0x38;
	[tilespmem:$0x1E800] =	vst v63  }
0x31: {  	_ =	swait.ge [sflag:s17], $0x4000  }
0x32: {  	[sflag:s17] =	ssyncset.done $0x0  }
0x33: {  	[sflag:s17] =	ssyncadd.s32 $0xFFFFC000  }
0x34: {  	[spmem:s9] =	stream.linear.scatter [tilespmem:s16], [sflag:$0x3], $0x4000, $0x38;
	[tilespmem:$0x1E800] =	vst v63  }
0x35: {  	_ =	swait.ge [sflag:s17], $0x4000  }
0x36: {  	[sflag:s17] =	ssyncset.done $0x0  }
0x37: {  	s28 =	simm.s32 $0x0;
	[sflag:s17] =	ssyncadd.s32 $0xFFFFC000  }
0x38: {  	[tilespmem:s18], [sflag:$0x3] =	stream.linear.gather [hbm4b:s10+s28], $0x1400, $0x38;
	[tilespmem:$0x1E800] =	vst v63  }
0x39: {  	_ =	swait.ge [sflag:s17], $0x1400  }
0x3a: {  	[sflag:s17] =	ssyncset.done $0x0  }
0x3b: {  	[sflag:s17] =	ssyncadd.s32 $0xFFFFEC00  }
0x3c: {  	[tilespmem:s19], [sflag:$0x3] =	stream.linear.gather [hbm4b:s11+s28], $0x1400, $0x38;
	[tilespmem:$0x1E800] =	vst v63  }
0x3d: {  	_ =	swait.ge [sflag:s17], $0x1400  }
0x3e: {  	[sflag:s17] =	ssyncset.done $0x0  }
0x3f: {  	[sflag:s17] =	ssyncadd.s32 $0xFFFFEC00  }
0x40: {  	[tilespmem:s16], [sflag:$0x1] =	stream.indirect.gather [hbm4b:s0+s20], $0x80, s18, s20, $0xb8;
	[tilespmem:$0x1E800] =	vst v63  }
0x41: {  	_ = 	snop  }
0x42: {  	[tilespmem:s22], [sflag:$0x2] =	stream.indirect.gather [hbm4b:s0+s20], $0x80, s21, s20, $0xb8;
	[tilespmem:$0x1E800] =	vst v63  }
0x43: {  	[bflag:$0x0] =	sbarrier.arrive $0xFFFF  }
0x44: {  	_ =	swait.ge [sflag:s23], $0x4000  }
0x45: {  	[sflag:s23] =	ssyncset.done $0x0  }
0x46: {  	s28 =	simm.s32 $0x15400;
	[sflag:s23] =	ssyncadd.s32 $0xFFFFC000  }
0x47: {  	[spmem:s3] =	stream.indirect.scatter.add.f32 [tilespmem:s16], [sflag:$0x3], $0x80, s28, s20, $0xb8;
	[tilespmem:$0x1E800] =	vst v63  }
0x48: {  	_ =	swait.ge [sflag:s17], $0x4000  }
0x49: {  	[sflag:s17] =	ssyncset.done $0x0  }
0x4a: {  	s28 =	simm.s32 $0x14100;
	[sflag:s17] =	ssyncadd.s32 $0xFFFFC000  }
0x4b: {  	[tilespmem:s16], [sflag:$0x1] =	stream.indirect.gather [hbm4b:s0+s20], $0x80, s28, s20, $0xb8;
	[tilespmem:$0x1E800] =	vst v63  }
0x4c: {  	_ =	swait.ge [sflag:s24], $0x4000  }
0x4d: {  	[sflag:s24] =	ssyncset.done $0x0  }
0x4e: {  	s28 =	simm.s32 $0x15480;
	[sflag:s24] =	ssyncadd.s32 $0xFFFFC000  }
0x4f: {  	[spmem:s3] =	stream.indirect.scatter.add.f32 [tilespmem:s22], [sflag:$0x3], $0x80, s28, s20, $0xb8;
	[tilespmem:$0x1E800] =	vst v63  }
0x50: {  	_ =	swait.ge [sflag:s17], $0x4000  }
0x51: {  	[sflag:s17] =	ssyncset.done $0x0  }
0x52: {  	s29 =	simm.s32 $0x14180;
	s28 =	simm.s32 $0x400;
	[sflag:s17] =	ssyncadd.s32 $0xFFFFC000  }
.LBB2_4:
0x53: {  	[tilespmem:s22], [sflag:$0x2] =	stream.indirect.gather [hbm4b:s0+s20], $0x80, s29, s20, $0xb8;
	[tilespmem:$0x1E800] =	vst v63  }
0x54: {  	s29 =	smov.u32 s28  }
0x55: {  	p0 =	sne.s32 s28, $0x4800;
	s28 =	sadd.s32 $0x400, s28;
	_ =	swait.ge [sflag:s23], $0x4000  }
0x56: {  	s29 =	sshra.s32 s29, $0x2;
	[sflag:s23] =	ssyncset.done $0x0  }
0x57: {  	s30 =	sadd.s32 $0x15400, s29;
	[sflag:s23] =	ssyncadd.s32 $0xFFFFC000  }
0x58: {  	[spmem:s3] =	stream.indirect.scatter.add.f32 [tilespmem:s16], [sflag:$0x3], $0x80, s30, s20, $0xb8;
	[tilespmem:$0x1E800] =	vst v63  }
0x59: {  	_ =	swait.ge [sflag:s17], $0x4000  }
0x5a: {  	[sflag:s17] =	ssyncset.done $0x0  }
0x5b: {  	s30 =	sadd.s32 $0x14100, s29;
	[sflag:s17] =	ssyncadd.s32 $0xFFFFC000  }
0x5c: {  	[tilespmem:s16], [sflag:$0x1] =	stream.indirect.gather [hbm4b:s0+s20], $0x80, s30, s20, $0xb8;
	[tilespmem:$0x1E800] =	vst v63  }
0x5d: {  	_ =	swait.ge [sflag:s24], $0x4000  }
0x5e: {  	[sflag:s24] =	ssyncset.done $0x0  }
.Ltmp1:
0x5f: {  	s30 =	sadd.s32 $0x15480, s29;
	[sflag:s24] =	ssyncadd.s32 $0xFFFFC000;
	(pc) =	sbr.rel @p0 .LBB2_4-.Ltmp1, $4  }
0x60: {  	[spmem:s3] =	stream.indirect.scatter.add.f32 [tilespmem:s22], [sflag:$0x3], $0x80, s30, s20, $0xb8;
	[tilespmem:$0x1E800] =	vst v63  }
0x61: {  	_ =	swait.ge [sflag:s17], $0x4000  }
0x62: {  	[sflag:s17] =	ssyncset.done $0x0  }
0x63: {  	s29 =	sadd.s32 $0x14180, s29;
	[sflag:s17] =	ssyncadd.s32 $0xFFFFC000  }
0x64: {  	[tilespmem:s22], [sflag:$0x2] =	stream.indirect.gather [hbm4b:s0+s20], $0x80, s29, s20, $0xb8;
	[tilespmem:$0x1E800] =	vst v63  }
0x65: {  	_ =	swait.ge [sflag:s23], $0x4000  }
0x66: {  	[sflag:s23] =	ssyncset.done $0x0  }
0x67: {  	[sflag:s23] =	ssyncadd.s32 $0xFFFFC000  }
0x68: {  	[spmem:s3] =	stream.indirect.scatter.add.f32 [tilespmem:s16], [sflag:$0x3], $0x80, s25, s20, $0xb8;
	[tilespmem:$0x1E800] =	vst v63  }
0x69: {  	_ =	swait.ge [sflag:s17], $0x4000  }
0x6a: {  	[sflag:s17] =	ssyncset.done $0x0  }
0x6b: {  	[sflag:s17] =	ssyncadd.s32 $0xFFFFC000  }
0x6c: {  	_ =	swait.ge [sflag:s24], $0x4000  }
0x6d: {  	[sflag:s24] =	ssyncset.done $0x0  }
0x6e: {  	[sflag:s24] =	ssyncadd.s32 $0xFFFFC000  }
0x6f: {  	[spmem:s3] =	stream.indirect.scatter.add.f32 [tilespmem:s22], [sflag:$0x3], $0x80, s26, s20, $0xb8;
	[tilespmem:$0x1E800] =	vst v63  }
0x70: {  	_ =	swait.ge [sflag:s17], $0x4000  }
0x71: {  	[sflag:s17] =	ssyncset.done $0x0  }
0x72: {  	s28 =	simm.s32 $0x0;
	[sflag:s17] =	ssyncadd.s32 $0xFFFFC000  }
0x73: {  	[tilespmem:s18], [sflag:$0x3] =	stream.linear.gather [hbm4b:s12+s28], $0x1400, $0x38;
	[tilespmem:$0x1E800] =	vst v63  }
0x74: {  	_ =	swait.ge [sflag:s17], $0x1400  }
0x75: {  	[sflag:s17] =	ssyncset.done $0x0  }
0x76: {  	[sflag:s17] =	ssyncadd.s32 $0xFFFFEC00  }
0x77: {  	[tilespmem:s19], [sflag:$0x3] =	stream.linear.gather [hbm4b:s13+s28], $0x1400, $0x38;
	[tilespmem:$0x1E800] =	vst v63  }
0x78: {  	_ =	swait.ge [sflag:s17], $0x1400  }
0x79: {  	[sflag:s17] =	ssyncset.done $0x0  }
0x7a: {  	[sflag:s17] =	ssyncadd.s32 $0xFFFFEC00  }
0x7b: {  	[tilespmem:s16], [sflag:$0x1] =	stream.indirect.gather [hbm4b:s0+s20], $0x80, s18, s20, $0xb8;
	[tilespmem:$0x1E800] =	vst v63  }
0x7c: {  	_ = 	snop  }
0x7d: {  	[tilespmem:s22], [sflag:$0x2] =	stream.indirect.gather [hbm4b:s0+s20], $0x80, s21, s20, $0xb8;
	[tilespmem:$0x1E800] =	vst v63  }
0x7e: {  	_ =	swait.ge [sflag:s23], $0x4000  }
0x7f: {  	[sflag:s23] =	ssyncset.done $0x0  }
0x80: {  	s28 =	simm.s32 $0x15400;
	[sflag:s23] =	ssyncadd.s32 $0xFFFFC000  }
0x81: {  	[spmem:s3] =	stream.indirect.scatter.add.f32 [tilespmem:s16], [sflag:$0x3], $0x80, s28, s20, $0xb8;
	[tilespmem:$0x1E800] =	vst v63  }
0x82: {  	_ =	swait.ge [sflag:s17], $0x4000  }
0x83: {  	[sflag:s17] =	ssyncset.done $0x0  }
0x84: {  	s28 =	simm.s32 $0x14100;
	[sflag:s17] =	ssyncadd.s32 $0xFFFFC000  }
0x85: {  	[tilespmem:s16], [sflag:$0x1] =	stream.indirect.gather [hbm4b:s0+s20], $0x80, s28, s20, $0xb8;
	[tilespmem:$0x1E800] =	vst v63  }
0x86: {  	_ =	swait.ge [sflag:s24], $0x4000  }
0x87: {  	[sflag:s24] =	ssyncset.done $0x0  }
0x88: {  	s28 =	simm.s32 $0x15480;
	[sflag:s24] =	ssyncadd.s32 $0xFFFFC000  }
0x89: {  	[spmem:s3] =	stream.indirect.scatter.add.f32 [tilespmem:s22], [sflag:$0x3], $0x80, s28, s20, $0xb8;
	[tilespmem:$0x1E800] =	vst v63  }
0x8a: {  	_ =	swait.ge [sflag:s17], $0x4000  }
0x8b: {  	[sflag:s17] =	ssyncset.done $0x0  }
0x8c: {  	s29 =	simm.s32 $0x14180;
	s28 =	simm.s32 $0x400;
	[sflag:s17] =	ssyncadd.s32 $0xFFFFC000  }
.LBB2_6:
0x8d: {  	[tilespmem:s22], [sflag:$0x2] =	stream.indirect.gather [hbm4b:s0+s20], $0x80, s29, s20, $0xb8;
	[tilespmem:$0x1E800] =	vst v63  }
0x8e: {  	s29 =	smov.u32 s28  }
0x8f: {  	p0 =	sne.s32 s28, $0x4800;
	s28 =	sadd.s32 $0x400, s28;
	_ =	swait.ge [sflag:s23], $0x4000  }
0x90: {  	s29 =	sshra.s32 s29, $0x2;
	[sflag:s23] =	ssyncset.done $0x0  }
0x91: {  	s30 =	sadd.s32 $0x15400, s29;
	[sflag:s23] =	ssyncadd.s32 $0xFFFFC000  }
0x92: {  	[spmem:s3] =	stream.indirect.scatter.add.f32 [tilespmem:s16], [sflag:$0x3], $0x80, s30, s20, $0xb8;
	[tilespmem:$0x1E800] =	vst v63  }
0x93: {  	_ =	swait.ge [sflag:s17], $0x4000  }
0x94: {  	[sflag:s17] =	ssyncset.done $0x0  }
0x95: {  	s30 =	sadd.s32 $0x14100, s29;
	[sflag:s17] =	ssyncadd.s32 $0xFFFFC000  }
0x96: {  	[tilespmem:s16], [sflag:$0x1] =	stream.indirect.gather [hbm4b:s0+s20], $0x80, s30, s20, $0xb8;
	[tilespmem:$0x1E800] =	vst v63  }
0x97: {  	_ =	swait.ge [sflag:s24], $0x4000  }
0x98: {  	[sflag:s24] =	ssyncset.done $0x0  }
.Ltmp2:
0x99: {  	s30 =	sadd.s32 $0x15480, s29;
	[sflag:s24] =	ssyncadd.s32 $0xFFFFC000;
	(pc) =	sbr.rel @p0 .LBB2_6-.Ltmp2, $4  }
0x9a: {  	[spmem:s3] =	stream.indirect.scatter.add.f32 [tilespmem:s22], [sflag:$0x3], $0x80, s30, s20, $0xb8;
	[tilespmem:$0x1E800] =	vst v63  }
0x9b: {  	_ =	swait.ge [sflag:s17], $0x4000  }
0x9c: {  	[sflag:s17] =	ssyncset.done $0x0  }
0x9d: {  	s29 =	sadd.s32 $0x14180, s29;
	[sflag:s17] =	ssyncadd.s32 $0xFFFFC000  }
0x9e: {  	[tilespmem:s22], [sflag:$0x2] =	stream.indirect.gather [hbm4b:s0+s20], $0x80, s29, s20, $0xb8;
	[tilespmem:$0x1E800] =	vst v63  }
0x9f: {  	_ =	swait.ge [sflag:s23], $0x4000  }
0xa0: {  	[sflag:s23] =	ssyncset.done $0x0  }
0xa1: {  	[sflag:s23] =	ssyncadd.s32 $0xFFFFC000  }
0xa2: {  	[spmem:s3] =	stream.indirect.scatter.add.f32 [tilespmem:s16], [sflag:$0x3], $0x80, s25, s20, $0xb8;
	[tilespmem:$0x1E800] =	vst v63  }
0xa3: {  	_ =	swait.ge [sflag:s17], $0x4000  }
0xa4: {  	[sflag:s17] =	ssyncset.done $0x0  }
0xa5: {  	[sflag:s17] =	ssyncadd.s32 $0xFFFFC000  }
0xa6: {  	_ =	swait.ge [sflag:s24], $0x4000  }
0xa7: {  	[sflag:s24] =	ssyncset.done $0x0  }
0xa8: {  	[sflag:s24] =	ssyncadd.s32 $0xFFFFC000  }
0xa9: {  	[spmem:s3] =	stream.indirect.scatter.add.f32 [tilespmem:s22], [sflag:$0x3], $0x80, s26, s20, $0xb8;
	[tilespmem:$0x1E800] =	vst v63  }
0xaa: {  	_ =	swait.ge [sflag:s17], $0x4000  }
0xab: {  	s28 =	sshll.u32 s2, $0x6;
	s4 =	sadd.s32 $0x1, s4;
	[sflag:s17] =	ssyncset.done $0x0  }
0xac: {  	s31 =	sshrl.u32 s5, $0x3;
	p0 =	sne.s32 s4, s15;
	[sflag:s17] =	ssyncadd.s32 $0xFFFFC000  }
.Ltmp3:
0xad: {  	s28 =	sor.u32 $0x1C03, s28;
	[bflag:$0x0] =	sbarrier.arrive $0xFFFF;
	(pc) =	sbr.rel @p0 .LBB2_1-.Ltmp3, $4  }
0xae: {  	[hbm:s14], [sflag:s28] =	dma.local [spmem:s31], $0x2800  }
0xaf: {  	_ =	swait.ge [sflag:s17], $0x2800  }
0xb0: {  	[sflag:s17] =	ssyncset.done $0x0  }
0xb1: {  	[sflag:s17] =	ssyncadd.s32 $0xFFFFD800  }
0xb2: {  	_ =	sfence.sel $0x180000  }
0xb3: {  	[bflag:$0x0] =	sbarrier.arrive $0xFFFF  }
0xb4: {  	p0 =	sne.s32 s2, $0x0;
	_ =	strace $0x9000004A  }
0xb5: {  	s0 =	sadd.s32 @!p0 $0x100000, s1;
	[bflag:$0x2] =	sbarrier.arrive $0xFFFF  }
0xb6: {  	[sflag:s0] =	ssyncadd.tile.s32 @!p0 $0x1;
	_ =	shalt  }
.Lfunc_end2:
_tile_overlayer_lowered:
.L_overlay_start_2:
0xb7: {  	(tag) =	ssettag $0x2  }
0xb8: {  	s0 =	rddreg [dreg:$0x0];
	s2 =	stileid.u32  }
0xb9: {  	s1 =	rddreg [dreg:$0x1];
	p0 =	sne.s32 s2, $0x0  }
0xba: {  	s3 =	rddreg [dreg:$0x2];
	[bflag:$0x3] =	sbarrier.arrive $0xFFFF;
	s2 =	simm.s32 @!p0 $0x1C03  }
0xbb: {  	[timem:s3], [sflag:s2] =	dma.local @!p0 [hbm:s0], s1  }
0xbc: {  	s0 =	simm.s32 @!p0 $0x3  }
0xbd: {  	_ =	swait.ge @!p0 [sflag:s0], s1  }
0xbe: {  	s1 =	ssub.s32 @!p0 $0x0, s1;
	[sflag:s0] =	ssyncset.done @!p0 $0x0  }
0xbf: {  	[sflag:s0] =	ssyncadd.s32 @!p0 s1  }
0xc0: {  	[bflag:$0x3] =	sbarrier.arrive $0xFFFF  }
0xc1: {  	_ =	shalt  }

// kernel: kernel.14.cloned.1.call-start
scs
__scs_entry_jumppad:
0x0: {  	(pc) =	sbr.rel $0x88, $3  }
0x1: {  	(tag) =	ssettag $0x0;
	lr =	simm.s32 $0x1  }
0x2: {  	[smem:$0x3F99] =	sst lr;
	_ =	strace $0xD0000000  }
0x3: {  	_ = 	snop  }
0x4: {  	_ = 	snop  }
0x5: {  	_ = 	snop  }
0x6: {  	_ = 	snop  }
0x7: {  	_ = 	snop  }
__scs_overlays_trampoline_lowered:
0x8: {  	[smem:$0x3FA8] =	sst s0  }
0x9: {  	[smem:$0x3FA9] =	sst s1  }
0xa: {  	[smem:$0x3FAA] =	sst s2  }
0xb: {  	[smem:$0x3FAB] =	sst s3  }
0xc: {  	[smem:$0x3FAC] =	sst s4  }
0xd: {  	[smem:$0x3FAD] =	sst s5  }
0xe: {  	[smem:$0x3FAE] =	sst s6  }
0xf: {  	[smem:$0x3FAF] =	sst s7  }
0x10: {  	[smem:$0x3FB0] =	sst s8  }
0x11: {  	[smem:$0x3FB1] =	sst s9;
	s0 =	simm.s32 @!p0 $0x0  }
0x12: {  	s1 =	sld [smem:$0x3F97];
	s0 =	simm.s32 @p0 $0x1  }
0x13: {  	[smem:$0x3FB2] =	sst s0;
	s0 =	simm.s32 @!p1 $0x0  }
0x14: {  	s2 =	sld [smem:$0x3F96];
	s0 =	simm.s32 @p1 $0x1  }
0x15: {  	[smem:$0x3FB3] =	sst s0;
	s0 =	simm.s32 @!p2 $0x0  }
0x16: {  	s3 =	sld [smem:$0x3FDB];
	s0 =	simm.s32 @p2 $0x1  }
0x17: {  	s4 =	simm.s32 $0x1BF5;
	[smem:$0x3FB5] =	sst s0  }
0x18: {  	s0 =	sld [smem:$0x3F98];
	_ =	swait.ge [sflag:s4], $0x0  }
0x19: {  	s7 =	sld [smem:$0x3F99]  }
0x1a: {  	s8 =	sadd.s32 $0xFFFFE003, lr  }
0x1b: {  	s9 =	sadd.s32 $0xFFFFFEF7, lr;
	s5 =	simm.s32 $0xFFFFFFFF;
	p2 =	slt.u32 s8, $0xFFFFF086  }
0x1c: {  	p1 =	slt.u32 s9, $0xF7A;
	s5 =	simm.s32 @!p2 $0x0  }
0x1d: {  	s5 =	simm.s32 @p1 $0x1;
	p0 =	seq.s32 s7, s2  }
0x1e: {  	s7 =	smul.u32 @!p0 $0xF7A, s2;
	p2 =	seq.s32 @!p0 s5, $0x0  }
0x1f: {  	s9 =	smul.u32 $0xF7A, s1;
	s8 =	simm.s32 @!p0 $0x1BF5;
	p2 =	por !p2, p0  }
0x20: {  	[sflag:s8] =	ssyncset.s32 @!p0 $0xFFFFF086;
	s6 =	sadd.s32 @!p0 s3, s7;
	s7 =	simm.s32 @!p0 $0x108  }
0x21: {  	s3 =	sadd.s32 s3, s9;
	s6 =	sadd.s32 @!p0 $0x88, s6;
	s7 =	simm.s32 @p2 $0x1082  }
0x22: {  	[simem:s7], [sflag:s8] =	dma.local @!p0 [hbm:s6], $0xF7A  }
0x23: {  	s9 =	sor.u32 $0xD0000000, s2;
	s6 =	simm.s32 $0x108;
	_ =	swait.ge @!p0 [sflag:s8], $0x0  }
0x24: {  	s3 =	sadd.s32 $0x88, s3;
	s6 =	simm.s32 @!p1 $0x1082;
	[sflag:s4] =	ssyncset.s32 $0xFFFFF086  }
0x25: {  	[simem:s6], [sflag:s4] =	dma.local [hbm:s3], $0xF7A  }
0x26: {  	[smem:$0x3F99] =	sst s1;
	(tag) =	ssettag s2;
	_ =	strace s9  }
0x27: {  	s1 =	sld [smem:$0x3FA9]  }
0x28: {  	s2 =	sld [smem:$0x3FAA]  }
0x29: {  	s4 =	sld [smem:$0x3FAC]  }
0x2a: {  	p0 =	seq.s32 s5, $0x0;
	s5 =	sld [smem:$0x3FAD]  }
0x2b: {  	s6 =	sld [smem:$0x3FAE]  }
0x2c: {  	s7 =	sld [smem:$0x3FAF]  }
0x2d: {  	s3 =	simm.s32 $0x108;
	s8 =	sld [smem:$0x3FB0]  }
0x2e: {  	s3 =	simm.s32 @!p0 $0x1082;
	s9 =	sld [smem:$0x3FB1]  }
0x2f: {  	lr =	sadd.s32 s0, s3;
	s0 =	sld [smem:$0x3FA8]  }
0x30: {  	s3 =	sld [smem:$0x3FAB]  }
0x31: {  	[smem:$0x3FB4] =	sst s10  }
0x32: {  	s10 =	sld [smem:$0x3FB2];
	_ =	sdelay $0x3  }
0x33: {  	p0 =	seq.s32 s10, $0x1;
	s10 =	sld [smem:$0x3FB4];
	_ =	sdelay $0x3  }
0x34: {  	[smem:$0x3FB4] =	sst s10  }
0x35: {  	s10 =	sld [smem:$0x3FB3];
	_ =	sdelay $0x3  }
0x36: {  	p1 =	seq.s32 s10, $0x1;
	s10 =	sld [smem:$0x3FB4];
	_ =	sdelay $0x3  }
0x37: {  	[smem:$0x3FB4] =	sst s10  }
0x38: {  	s10 =	sld [smem:$0x3FB5]  }
0x39: {  	_ = 	snop;
	(pc) =	sbr.ind lr, $3  }
0x3a: {  	_ = 	snop  }
0x3b: {  	_ = 	snop  }
0x3c: {  	p2 =	seq.s32 s10, $0x1;
	s10 =	sld [smem:$0x3FB4]  }
0x3d: {  	_ =	shalt  }
0x3e: {  	_ =	shalt  }
0x3f: {  	_ =	shalt  }
0x40: {  	_ =	shalt  }
0x41: {  	_ =	shalt  }
0x42: {  	_ =	shalt  }
0x43: {  	_ =	shalt  }
0x44: {  	_ =	shalt  }
0x45: {  	_ =	shalt  }
0x46: {  	_ =	shalt  }
0x47: {  	_ =	shalt  }
0x48: {  	_ =	shalt  }
0x49: {  	_ =	shalt  }
0x4a: {  	_ =	shalt  }
0x4b: {  	_ =	shalt  }
0x4c: {  	_ =	shalt  }
0x4d: {  	_ =	shalt  }
0x4e: {  	_ =	shalt  }
0x4f: {  	_ =	shalt  }
0x50: {  	_ =	shalt  }
0x51: {  	_ =	shalt  }
0x52: {  	_ =	shalt  }
0x53: {  	_ =	shalt  }
0x54: {  	_ =	shalt  }
0x55: {  	_ =	shalt  }
0x56: {  	_ =	shalt  }
0x57: {  	_ =	shalt  }
0x58: {  	_ =	shalt  }
0x59: {  	_ =	shalt  }
0x5a: {  	_ =	shalt  }
0x5b: {  	_ =	shalt  }
0x5c: {  	_ =	shalt  }
0x5d: {  	_ =	shalt  }
0x5e: {  	_ =	shalt  }
0x5f: {  	_ =	shalt  }
0x60: {  	_ =	shalt  }
0x61: {  	_ =	shalt  }
0x62: {  	_ =	shalt  }
0x63: {  	_ =	shalt  }
0x64: {  	_ =	shalt  }
0x65: {  	_ =	shalt  }
0x66: {  	_ =	shalt  }
0x67: {  	_ =	shalt  }
0x68: {  	_ =	shalt  }
0x69: {  	_ =	shalt  }
0x6a: {  	_ =	shalt  }
0x6b: {  	_ =	shalt  }
0x6c: {  	_ =	shalt  }
0x6d: {  	_ =	shalt  }
0x6e: {  	_ =	shalt  }
0x6f: {  	_ =	shalt  }
0x70: {  	_ =	shalt  }
0x71: {  	_ =	shalt  }
0x72: {  	_ =	shalt  }
0x73: {  	_ =	shalt  }
0x74: {  	_ =	shalt  }
0x75: {  	_ =	shalt  }
0x76: {  	_ =	shalt  }
0x77: {  	_ =	shalt  }
0x78: {  	_ =	shalt  }
0x79: {  	_ =	shalt  }
0x7a: {  	_ =	shalt  }
0x7b: {  	_ =	shalt  }
0x7c: {  	_ =	shalt  }
0x7d: {  	_ =	shalt  }
0x7e: {  	_ =	shalt  }
0x7f: {  	_ =	shalt  }
0x80: {  	_ =	shalt  }
0x81: {  	_ =	shalt  }
0x82: {  	_ =	shalt  }
0x83: {  	_ =	shalt  }
0x84: {  	_ =	shalt  }
0x85: {  	_ =	shalt  }
0x86: {  	_ =	shalt  }
0x87: {  	_ =	shalt  }
.Lfunc_end0:
.L_simem_size_0:
called_computation.2_lowered:
.L_overlay_start_0:
0x88: {  	s2 =	sld [smem:$0x3FD9]  }
0x89: {  	s3 =	sld [smem:$0x3FFE];
	_ =	sdelay $0x1  }
0x8a: {  	s1 =	srdreg.scid  }
0x8b: {  	s0 =	sand.u32 $0x1, s1  }
0x8c: {  	s14 =	sshll.u32 s0, $0xA;
	s2 =	sadd.s32 s3, s2  }
0x8d: {  	s2 =	sadd.s32 s2, s14  }
0x8e: {  	[smem:$0x3FC0] =	sst s2  }
0x8f: {  	_ = 	snop  }
0x90: {  	s2 =	sld [smem:$0x3FD0];
	_ =	sdelay $0x2  }
0x91: {  	s15 =	simm.s32 $0xA;
	s4 =	simm.s32 $0x10  }
0x92: {  	[smem:s4], [sflag:s15] =	dma.local [hbm:s2], $0x1  }
0x93: {  	_ =	swait.eq [sflag:s15], $0x1  }
0x94: {  	[sflag:s15] =	ssyncset.done $0x0  }
0x95: {  	[sflag:s15] =	ssyncadd.s32 $0xFFFFFFFF  }
0x96: {  	s16 =	sld [smem:$0x10];
	(tm) =	ssettm $0x1  }
0x97: {  	s17 =	sld [smem:$0x3FFB];
	_ =	sdelay $0x3  }
0x98: {  	_ =	strace s17  }
0x99: {  	s3 =	sld [smem:$0x3FFC];
	_ =	sdelay $0x3  }
0x9a: {  	_ =	strace s3  }
0x9b: {  	s3 =	sld [smem:$0x3FFD];
	_ =	sdelay $0x3  }
0x9c: {  	_ =	strace s3  }
0x9d: {  	_ =	strace $0x8FFFFFFF  }
0x9e: {  	s18 =	sld [smem:$0x3FDB];
	_ =	sdelay $0x1  }
0x9f: {  	s19 =	simm.s32 $_scs_section_size  }
0xa0: {  	s5 =	simm.s32 $_size__tile_overlayer_lowered;
	s6 =	simm.s32 $_tile_overlayer_lowered  }
0xa1: {  	s22 =	simm.s32 $0x1BFF;
	s21 =	sshll.u32 s6, $0x1;
	s3 =	sadd.s32 s19, s18  }
0xa2: {  	s7 =	simm.s32 $0x0;
	s20 =	sshll.u32 s5, $0x1;
	s5 =	sadd.s32 s21, s3  }
0xa3: {  	[timem:s7], [sflag:s22] =	dma.local [hbm:s5], s20  }
0xa4: {  	_ =	swait.ge [sflag:s22], s20  }
0xa5: {  	s4 =	ssub.s32 $0x0, s20;
	[sflag:s22] =	ssyncset.done $0x0  }
0xa6: {  	[sflag:s22] =	ssyncadd.s32 s4;
	_ =	sdelay $0x1  }
0xa7: {  	s23 =	simm.s32 $0x1B8B  }
0xa8: {  	_ =	swait.ge [sflag:s23], $0x1  }
0xa9: {  	[sflag:s23] =	ssyncset.done $0x0  }
0xaa: {  	s25 =	simm.s32 $0x1B8E;
	s24 =	sld [smem:$0x3FFE];
	[sflag:s23] =	ssyncadd.s32 $0xFFFFFFFF  }
0xab: {  	s26 =	simm.s32 $execute0_lowered;
	[smem:$0x3FD2] =	sst s25  }
0xac: {  	s5 =	sshll.u32 s26, $0x1;
	_ =	strace $0x8000004C;
	[dreg:$0x1] =	wrdreg $0xFFFFFFFF  }
0xad: {  	s28 =	simm.s32 $_size_execute0_lowered;
	s3 =	sadd.s32 s3, s5;
	[dreg:$0x0] =	wrdreg $0x0  }
0xae: {  	s5 =	sshll.u32 s28, $0x1;
	[dreg:$0x2] =	wrdreg s3  }
0xaf: {  	[dreg:$0x3] =	wrdreg s5  }
0xb0: {  	[dreg:$0x4] =	wrdreg $0xC0  }
0xb1: {  	_ =	task [dreg:s7], $0x5FFFF  }
0xb2: {  	[dreg:$0x1] =	wrdreg $0xFFFFFFFF  }
0xb3: {  	[dreg:$0x0] =	wrdreg $0x60  }
0xb4: {  	[dreg:$0x2] =	wrdreg s16  }
0xb5: {  	[dreg:$0x3] =	wrdreg s24  }
0xb6: {  	[dreg:$0x4] =	wrdreg $0x0  }
0xb7: {  	[dreg:$0x5] =	wrdreg $0x9  }
0xb8: {  	_ =	task.clear_ibuf [dreg:s7], $0x6FFFF;
	_ =	strace $0x9000004C  }
0xb9: {  	s29 =	simm.s32 $0x9;
	_ =	strace $0x8000004E  }
0xba: {  	_ =	swait.ge [sflag:s29], $0x1  }
0xbb: {  	[sflag:s29] =	ssyncadd.s32 $0xFFFFFFFF  }
0xbc: {  	_ =	strace $0x9000004E  }
0xbd: {  	_ =	sfence  }
0xbe: {  	s30 =	sld [smem:$0x0];
	_ =	sdelay $0x2  }
0xbf: {  	s31 =	sshll.u32 s1, $0xD;
	s1 =	sshrl.u32 s1, $0x2  }
0xc0: {  	s3 =	sand.u32 $0x4000, s31;
	s1 =	sadd.s32 s1, s30  }
0xc1: {  	s0 =	sor.u32 s3, s0;
	s1 =	sshll.u32 s1, $0x11  }
0xc2: {  	s0 =	sor.u32 s1, s0  }
0xc3: {  	s0 =	sadd.s32 $0x8F2B, s0  }
0xc4: {  	[sflag:s0] =	ssyncadd.remote.s32 $0x1  }
0xc5: {  	_ =	sfence.sel $0xFFFF  }
0xc6: {  	[dreg:$0x0] =	wrdreg $0xFFFFFFFF;
	(pc) =	sbr.abs _section_cstart, $3  }
0xc7: {  	[dreg:$0x1] =	wrdreg $0xFFFFFFFF  }
0xc8: {  	_ =	task.clear_ibuf [dreg:s7], $0x2FFFF;
	_ =	strace $0x9FFFFFFF  }
0xc9: {  	(tm) =	ssettm $0x7FFFFFFF  }
tec
execute0_lowered:
.L_overlay_start_1:
0x0: {  	(tag) =	ssettag $0x1  }
0x1: {  	s0 =	rddreg [dreg:$0x0]  }
0x2: {  	s5 =	rddreg [dreg:$0x1]  }
0x3: {  	s1 =	srdreg.scid;
	s3 =	rddreg [dreg:$0x2]  }
0x4: {  	s2 =	stileid.u32;
	s4 =	simm.s32 $0x0;
	s17 =	simm.s32 $0x3  }
0x5: {  	s18 =	simm.s32 $0x14000;
	s19 =	simm.s32 $0x15400;
	s20 =	simm.s32 $0x80  }
0x6: {  	s21 =	simm.s32 $0x14080;
	s22 =	simm.s32 $0x1A800;
	s23 =	simm.s32 $0x1  }
0x7: {  	s24 =	simm.s32 $0x2;
	s6 =	sand.u32 $0x1, s1;
	s1 =	rddreg [dreg:$0x3]  }
0x8: {  	s25 =	simm.s32 $0x16700;
	s8 =	smul.u32 $0x14000, s2;
	[smem:$0x7FF] =	sst s4  }
0x9: {  	s12 =	sadd.s32 $0xCE00, s5;
	s26 =	smul.u32 $0x50000, s2;
	s13 =	sadd.s32 $0x2E00, s5  }
0xa: {  	s7 =	smul.u32 $0x140000, s6;
	_ =	strace $0x8000004D;
	s28 =	sshll.u32 s6, $0x4  }
0xb: {  	s6 =	ssub.s32 $0x2, s6;
	s29 =	sor.u32 s2, s28;
	s30 =	sshrl.u32 s26, $0x2  }
0xc: {  	s31 =	sshrl.u32 s6, $0x1;
	s26 =	simm.s32 $0x16780;
	s7 =	sadd.s32 s8, s7  }
0xd: {  	s10 =	smul.u32 $0x2800, s29;
	s15 =	ssub.s32 s6, s31;
	s7 =	sshrl.u32 s7, $0x3  }
0xe: {  	s15 =	smax.u32 s15, $0x1;
	s14 =	sadd.s32 s7, s5;
	s5 =	sadd.s32 s30, s3  }
0xf: {  	s16 =	sshrl.u32 s10, $0x3;
	s6 =	sadd.s32 $0x4000, s5;
	s7 =	sadd.s32 $0x8000, s5  }
0x10: {  	s8 =	sadd.s32 $0xC000, s5;
	s9 =	sadd.s32 $0x10000, s5;
	s10 =	sadd.s32 s12, s16  }
0x11: {  	s11 =	sadd.s32 s13, s16;
	s16 =	sadd.s32 $0x280, s16;
	s14 =	sadd.s32 $0x16E00, s14  }
0x12: {  	v0 =	vimm.f32 $0.0e+00;
	s12 =	sadd.s32 s12, s16;
	s13 =	sadd.s32 s13, s16;
	s16 =	simm.s32 $0x16800  }
.LBB2_1:
0x13: {  	s28 =	simm.s32 $0x0;
	s29 =	simm.s32 $0x200  }
.LBB2_2:
0x14: {  	p0 =	sne.s32 s29, $0xFE00;
	[tilespmem:s28+$0x16870] =	vst v0  }
0x15: {  	[tilespmem:s28+$0x16800] =	vst v0  }
0x16: {  	[tilespmem:s28+$0x16810] =	vst v0  }
.Ltmp0:
0x17: {  	[tilespmem:s28+$0x16820] =	vst v0;
	(pc) =	sbr.rel @p0 .LBB2_2-.Ltmp0, $4  }
0x18: {  	[tilespmem:s28+$0x16830] =	vst v0  }
0x19: {  	[tilespmem:s28+$0x16840] =	vst v0  }
0x1a: {  	[tilespmem:s28+$0x16850] =	vst v0  }
0x1b: {  	[tilespmem:s28+$0x16860] =	vst v0;
	s28 =	sshra.s32 s29, $0x2;
	s29 =	sadd.s32 $0x200, s29  }
0x1c: {  	[tilespmem:s28+$0x16870] =	vst v0  }
0x1d: {  	[tilespmem:s28+$0x16800] =	vst v0  }
0x1e: {  	[tilespmem:s28+$0x16810] =	vst v0  }
0x1f: {  	[tilespmem:s28+$0x16820] =	vst v0  }
0x20: {  	[tilespmem:s28+$0x16830] =	vst v0  }
0x21: {  	[tilespmem:s28+$0x16840] =	vst v0  }
0x22: {  	[tilespmem:s28+$0x16850] =	vst v0  }
0x23: {  	[tilespmem:s28+$0x16860] =	vst v0  }
0x24: {  	[spmem:s5] =	stream.linear.scatter [tilespmem:s16], [sflag:$0x3], $0x4000, $0x38;
	[tilespmem:$0x1E800] =	vst v63  }
0x25: {  	_ =	swait.ge [sflag:s17], $0x4000  }
0x26: {  	[sflag:s17] =	ssyncset.done $0x0  }
0x27: {  	[sflag:s17] =	ssyncadd.s32 $0xFFFFC000  }
0x28: {  	[spmem:s6] =	stream.linear.scatter [tilespmem:s16], [sflag:$0x3], $0x4000, $0x38;
	[tilespmem:$0x1E800] =	vst v63  }
0x29: {  	_ =	swait.ge [sflag:s17], $0x4000  }
0x2a: {  	[sflag:s17] =	ssyncset.done $0x0  }
0x2b: {  	[sflag:s17] =	ssyncadd.s32 $0xFFFFC000  }
0x2c: {  	[spmem:s7] =	stream.linear.scatter [tilespmem:s16], [sflag:$0x3], $0x4000, $0x38;
	[tilespmem:$0x1E800] =	vst v63  }
0x2d: {  	_ =	swait.ge [sflag:s17], $0x4000  }
0x2e: {  	[sflag:s17] =	ssyncset.done $0x0  }
0x2f: {  	[sflag:s17] =	ssyncadd.s32 $0xFFFFC000  }
0x30: {  	[spmem:s8] =	stream.linear.scatter [tilespmem:s16], [sflag:$0x3], $0x4000, $0x38;
	[tilespmem:$0x1E800] =	vst v63  }
0x31: {  	_ =	swait.ge [sflag:s17], $0x4000  }
0x32: {  	[sflag:s17] =	ssyncset.done $0x0  }
0x33: {  	[sflag:s17] =	ssyncadd.s32 $0xFFFFC000  }
0x34: {  	[spmem:s9] =	stream.linear.scatter [tilespmem:s16], [sflag:$0x3], $0x4000, $0x38;
	[tilespmem:$0x1E800] =	vst v63  }
0x35: {  	_ =	swait.ge [sflag:s17], $0x4000  }
0x36: {  	[sflag:s17] =	ssyncset.done $0x0  }
0x37: {  	s28 =	simm.s32 $0x0;
	[sflag:s17] =	ssyncadd.s32 $0xFFFFC000  }
0x38: {  	[tilespmem:s18], [sflag:$0x3] =	stream.linear.gather [hbm4b:s10+s28], $0x1400, $0x38;
	[tilespmem:$0x1E800] =	vst v63  }
0x39: {  	_ =	swait.ge [sflag:s17], $0x1400  }
0x3a: {  	[sflag:s17] =	ssyncset.done $0x0  }
0x3b: {  	[sflag:s17] =	ssyncadd.s32 $0xFFFFEC00  }
0x3c: {  	[tilespmem:s19], [sflag:$0x3] =	stream.linear.gather [hbm4b:s11+s28], $0x1400, $0x38;
	[tilespmem:$0x1E800] =	vst v63  }
0x3d: {  	_ =	swait.ge [sflag:s17], $0x1400  }
0x3e: {  	[sflag:s17] =	ssyncset.done $0x0  }
0x3f: {  	[sflag:s17] =	ssyncadd.s32 $0xFFFFEC00  }
0x40: {  	[tilespmem:s16], [sflag:$0x1] =	stream.indirect.gather [hbm4b:s0+s20], $0x80, s18, s20, $0xb8;
	[tilespmem:$0x1E800] =	vst v63  }
0x41: {  	_ = 	snop  }
0x42: {  	[tilespmem:s22], [sflag:$0x2] =	stream.indirect.gather [hbm4b:s0+s20], $0x80, s21, s20, $0xb8;
	[tilespmem:$0x1E800] =	vst v63  }
0x43: {  	[bflag:$0x0] =	sbarrier.arrive $0xFFFF  }
0x44: {  	_ =	swait.ge [sflag:s23], $0x4000  }
0x45: {  	[sflag:s23] =	ssyncset.done $0x0  }
0x46: {  	s28 =	simm.s32 $0x15400;
	[sflag:s23] =	ssyncadd.s32 $0xFFFFC000  }
0x47: {  	[spmem:s3] =	stream.indirect.scatter.add.f32 [tilespmem:s16], [sflag:$0x3], $0x80, s28, s20, $0xb8;
	[tilespmem:$0x1E800] =	vst v63  }
0x48: {  	_ =	swait.ge [sflag:s17], $0x4000  }
0x49: {  	[sflag:s17] =	ssyncset.done $0x0  }
0x4a: {  	s28 =	simm.s32 $0x14100;
	[sflag:s17] =	ssyncadd.s32 $0xFFFFC000  }
0x4b: {  	[tilespmem:s16], [sflag:$0x1] =	stream.indirect.gather [hbm4b:s0+s20], $0x80, s28, s20, $0xb8;
	[tilespmem:$0x1E800] =	vst v63  }
0x4c: {  	_ =	swait.ge [sflag:s24], $0x4000  }
0x4d: {  	[sflag:s24] =	ssyncset.done $0x0  }
0x4e: {  	s28 =	simm.s32 $0x15480;
	[sflag:s24] =	ssyncadd.s32 $0xFFFFC000  }
0x4f: {  	[spmem:s3] =	stream.indirect.scatter.add.f32 [tilespmem:s22], [sflag:$0x3], $0x80, s28, s20, $0xb8;
	[tilespmem:$0x1E800] =	vst v63  }
0x50: {  	_ =	swait.ge [sflag:s17], $0x4000  }
0x51: {  	[sflag:s17] =	ssyncset.done $0x0  }
0x52: {  	s29 =	simm.s32 $0x14180;
	s28 =	simm.s32 $0x400;
	[sflag:s17] =	ssyncadd.s32 $0xFFFFC000  }
.LBB2_4:
0x53: {  	[tilespmem:s22], [sflag:$0x2] =	stream.indirect.gather [hbm4b:s0+s20], $0x80, s29, s20, $0xb8;
	[tilespmem:$0x1E800] =	vst v63  }
0x54: {  	s29 =	smov.u32 s28  }
0x55: {  	p0 =	sne.s32 s28, $0x4800;
	s28 =	sadd.s32 $0x400, s28;
	_ =	swait.ge [sflag:s23], $0x4000  }
0x56: {  	s29 =	sshra.s32 s29, $0x2;
	[sflag:s23] =	ssyncset.done $0x0  }
0x57: {  	s30 =	sadd.s32 $0x15400, s29;
	[sflag:s23] =	ssyncadd.s32 $0xFFFFC000  }
0x58: {  	[spmem:s3] =	stream.indirect.scatter.add.f32 [tilespmem:s16], [sflag:$0x3], $0x80, s30, s20, $0xb8;
	[tilespmem:$0x1E800] =	vst v63  }
0x59: {  	_ =	swait.ge [sflag:s17], $0x4000  }
0x5a: {  	[sflag:s17] =	ssyncset.done $0x0  }
0x5b: {  	s30 =	sadd.s32 $0x14100, s29;
	[sflag:s17] =	ssyncadd.s32 $0xFFFFC000  }
0x5c: {  	[tilespmem:s16], [sflag:$0x1] =	stream.indirect.gather [hbm4b:s0+s20], $0x80, s30, s20, $0xb8;
	[tilespmem:$0x1E800] =	vst v63  }
0x5d: {  	_ =	swait.ge [sflag:s24], $0x4000  }
0x5e: {  	[sflag:s24] =	ssyncset.done $0x0  }
.Ltmp1:
0x5f: {  	s30 =	sadd.s32 $0x15480, s29;
	[sflag:s24] =	ssyncadd.s32 $0xFFFFC000;
	(pc) =	sbr.rel @p0 .LBB2_4-.Ltmp1, $4  }
0x60: {  	[spmem:s3] =	stream.indirect.scatter.add.f32 [tilespmem:s22], [sflag:$0x3], $0x80, s30, s20, $0xb8;
	[tilespmem:$0x1E800] =	vst v63  }
0x61: {  	_ =	swait.ge [sflag:s17], $0x4000  }
0x62: {  	[sflag:s17] =	ssyncset.done $0x0  }
0x63: {  	s29 =	sadd.s32 $0x14180, s29;
	[sflag:s17] =	ssyncadd.s32 $0xFFFFC000  }
0x64: {  	[tilespmem:s22], [sflag:$0x2] =	stream.indirect.gather [hbm4b:s0+s20], $0x80, s29, s20, $0xb8;
	[tilespmem:$0x1E800] =	vst v63  }
0x65: {  	_ =	swait.ge [sflag:s23], $0x4000  }
0x66: {  	[sflag:s23] =	ssyncset.done $0x0  }
0x67: {  	[sflag:s23] =	ssyncadd.s32 $0xFFFFC000  }
0x68: {  	[spmem:s3] =	stream.indirect.scatter.add.f32 [tilespmem:s16], [sflag:$0x3], $0x80, s25, s20, $0xb8;
	[tilespmem:$0x1E800] =	vst v63  }
0x69: {  	_ =	swait.ge [sflag:s17], $0x4000  }
0x6a: {  	[sflag:s17] =	ssyncset.done $0x0  }
0x6b: {  	[sflag:s17] =	ssyncadd.s32 $0xFFFFC000  }
0x6c: {  	_ =	swait.ge [sflag:s24], $0x4000  }
0x6d: {  	[sflag:s24] =	ssyncset.done $0x0  }
0x6e: {  	[sflag:s24] =	ssyncadd.s32 $0xFFFFC000  }
0x6f: {  	[spmem:s3] =	stream.indirect.scatter.add.f32 [tilespmem:s22], [sflag:$0x3], $0x80, s26, s20, $0xb8;
	[tilespmem:$0x1E800] =	vst v63  }
0x70: {  	_ =	swait.ge [sflag:s17], $0x4000  }
0x71: {  	[sflag:s17] =	ssyncset.done $0x0  }
0x72: {  	s28 =	simm.s32 $0x0;
	[sflag:s17] =	ssyncadd.s32 $0xFFFFC000  }
0x73: {  	[tilespmem:s18], [sflag:$0x3] =	stream.linear.gather [hbm4b:s12+s28], $0x1400, $0x38;
	[tilespmem:$0x1E800] =	vst v63  }
0x74: {  	_ =	swait.ge [sflag:s17], $0x1400  }
0x75: {  	[sflag:s17] =	ssyncset.done $0x0  }
0x76: {  	[sflag:s17] =	ssyncadd.s32 $0xFFFFEC00  }
0x77: {  	[tilespmem:s19], [sflag:$0x3] =	stream.linear.gather [hbm4b:s13+s28], $0x1400, $0x38;
	[tilespmem:$0x1E800] =	vst v63  }
0x78: {  	_ =	swait.ge [sflag:s17], $0x1400  }
0x79: {  	[sflag:s17] =	ssyncset.done $0x0  }
0x7a: {  	[sflag:s17] =	ssyncadd.s32 $0xFFFFEC00  }
0x7b: {  	[tilespmem:s16], [sflag:$0x1] =	stream.indirect.gather [hbm4b:s0+s20], $0x80, s18, s20, $0xb8;
	[tilespmem:$0x1E800] =	vst v63  }
0x7c: {  	_ = 	snop  }
0x7d: {  	[tilespmem:s22], [sflag:$0x2] =	stream.indirect.gather [hbm4b:s0+s20], $0x80, s21, s20, $0xb8;
	[tilespmem:$0x1E800] =	vst v63  }
0x7e: {  	_ =	swait.ge [sflag:s23], $0x4000  }
0x7f: {  	[sflag:s23] =	ssyncset.done $0x0  }
0x80: {  	s28 =	simm.s32 $0x15400;
	[sflag:s23] =	ssyncadd.s32 $0xFFFFC000  }
0x81: {  	[spmem:s3] =	stream.indirect.scatter.add.f32 [tilespmem:s16], [sflag:$0x3], $0x80, s28, s20, $0xb8;
	[tilespmem:$0x1E800] =	vst v63  }
0x82: {  	_ =	swait.ge [sflag:s17], $0x4000  }
0x83: {  	[sflag:s17] =	ssyncset.done $0x0  }
0x84: {  	s28 =	simm.s32 $0x14100;
	[sflag:s17] =	ssyncadd.s32 $0xFFFFC000  }
0x85: {  	[tilespmem:s16], [sflag:$0x1] =	stream.indirect.gather [hbm4b:s0+s20], $0x80, s28, s20, $0xb8;
	[tilespmem:$0x1E800] =	vst v63  }
0x86: {  	_ =	swait.ge [sflag:s24], $0x4000  }
0x87: {  	[sflag:s24] =	ssyncset.done $0x0  }
0x88: {  	s28 =	simm.s32 $0x15480;
	[sflag:s24] =	ssyncadd.s32 $0xFFFFC000  }
0x89: {  	[spmem:s3] =	stream.indirect.scatter.add.f32 [tilespmem:s22], [sflag:$0x3], $0x80, s28, s20, $0xb8;
	[tilespmem:$0x1E800] =	vst v63  }
0x8a: {  	_ =	swait.ge [sflag:s17], $0x4000  }
0x8b: {  	[sflag:s17] =	ssyncset.done $0x0  }
0x8c: {  	s29 =	simm.s32 $0x14180;
	s28 =	simm.s32 $0x400;
	[sflag:s17] =	ssyncadd.s32 $0xFFFFC000  }
.LBB2_6:
0x8d: {  	[tilespmem:s22], [sflag:$0x2] =	stream.indirect.gather [hbm4b:s0+s20], $0x80, s29, s20, $0xb8;
	[tilespmem:$0x1E800] =	vst v63  }
0x8e: {  	s29 =	smov.u32 s28  }
0x8f: {  	p0 =	sne.s32 s28, $0x4800;
	s28 =	sadd.s32 $0x400, s28;
	_ =	swait.ge [sflag:s23], $0x4000  }
0x90: {  	s29 =	sshra.s32 s29, $0x2;
	[sflag:s23] =	ssyncset.done $0x0  }
0x91: {  	s30 =	sadd.s32 $0x15400, s29;
	[sflag:s23] =	ssyncadd.s32 $0xFFFFC000  }
0x92: {  	[spmem:s3] =	stream.indirect.scatter.add.f32 [tilespmem:s16], [sflag:$0x3], $0x80, s30, s20, $0xb8;
	[tilespmem:$0x1E800] =	vst v63  }
0x93: {  	_ =	swait.ge [sflag:s17], $0x4000  }
0x94: {  	[sflag:s17] =	ssyncset.done $0x0  }
0x95: {  	s30 =	sadd.s32 $0x14100, s29;
	[sflag:s17] =	ssyncadd.s32 $0xFFFFC000  }
0x96: {  	[tilespmem:s16], [sflag:$0x1] =	stream.indirect.gather [hbm4b:s0+s20], $0x80, s30, s20, $0xb8;
	[tilespmem:$0x1E800] =	vst v63  }
0x97: {  	_ =	swait.ge [sflag:s24], $0x4000  }
0x98: {  	[sflag:s24] =	ssyncset.done $0x0  }
.Ltmp2:
0x99: {  	s30 =	sadd.s32 $0x15480, s29;
	[sflag:s24] =	ssyncadd.s32 $0xFFFFC000;
	(pc) =	sbr.rel @p0 .LBB2_6-.Ltmp2, $4  }
0x9a: {  	[spmem:s3] =	stream.indirect.scatter.add.f32 [tilespmem:s22], [sflag:$0x3], $0x80, s30, s20, $0xb8;
	[tilespmem:$0x1E800] =	vst v63  }
0x9b: {  	_ =	swait.ge [sflag:s17], $0x4000  }
0x9c: {  	[sflag:s17] =	ssyncset.done $0x0  }
0x9d: {  	s29 =	sadd.s32 $0x14180, s29;
	[sflag:s17] =	ssyncadd.s32 $0xFFFFC000  }
0x9e: {  	[tilespmem:s22], [sflag:$0x2] =	stream.indirect.gather [hbm4b:s0+s20], $0x80, s29, s20, $0xb8;
	[tilespmem:$0x1E800] =	vst v63  }
0x9f: {  	_ =	swait.ge [sflag:s23], $0x4000  }
0xa0: {  	[sflag:s23] =	ssyncset.done $0x0  }
0xa1: {  	[sflag:s23] =	ssyncadd.s32 $0xFFFFC000  }
0xa2: {  	[spmem:s3] =	stream.indirect.scatter.add.f32 [tilespmem:s16], [sflag:$0x3], $0x80, s25, s20, $0xb8;
	[tilespmem:$0x1E800] =	vst v63  }
0xa3: {  	_ =	swait.ge [sflag:s17], $0x4000  }
0xa4: {  	[sflag:s17] =	ssyncset.done $0x0  }
0xa5: {  	[sflag:s17] =	ssyncadd.s32 $0xFFFFC000  }
0xa6: {  	_ =	swait.ge [sflag:s24], $0x4000  }
0xa7: {  	[sflag:s24] =	ssyncset.done $0x0  }
0xa8: {  	[sflag:s24] =	ssyncadd.s32 $0xFFFFC000  }
0xa9: {  	[spmem:s3] =	stream.indirect.scatter.add.f32 [tilespmem:s22], [sflag:$0x3], $0x80, s26, s20, $0xb8;
	[tilespmem:$0x1E800] =	vst v63  }
0xaa: {  	_ =	swait.ge [sflag:s17], $0x4000  }
0xab: {  	s28 =	sshll.u32 s2, $0x6;
	s4 =	sadd.s32 $0x1, s4;
	[sflag:s17] =	ssyncset.done $0x0  }
0xac: {  	s31 =	sshrl.u32 s5, $0x3;
	p0 =	sne.s32 s4, s15;
	[sflag:s17] =	ssyncadd.s32 $0xFFFFC000  }
.Ltmp3:
0xad: {  	s28 =	sor.u32 $0x1C03, s28;
	[bflag:$0x0] =	sbarrier.arrive $0xFFFF;
	(pc) =	sbr.rel @p0 .LBB2_1-.Ltmp3, $4  }
0xae: {  	[hbm:s14], [sflag:s28] =	dma.local [spmem:s31], $0x2800  }
0xaf: {  	_ =	swait.ge [sflag:s17], $0x2800  }
0xb0: {  	[sflag:s17] =	ssyncset.done $0x0  }
0xb1: {  	[sflag:s17] =	ssyncadd.s32 $0xFFFFD800  }
0xb2: {  	_ =	sfence.sel $0x180000  }
0xb3: {  	[bflag:$0x0] =	sbarrier.arrive $0xFFFF  }
0xb4: {  	p0 =	sne.s32 s2, $0x0;
	_ =	strace $0x9000004D  }
0xb5: {  	s0 =	sadd.s32 @!p0 $0x100000, s1;
	[bflag:$0x2] =	sbarrier.arrive $0xFFFF  }
0xb6: {  	[sflag:s0] =	ssyncadd.tile.s32 @!p0 $0x1;
	_ =	shalt  }
.Lfunc_end2:
_tile_overlayer_lowered:
.L_overlay_start_2:
0xb7: {  	(tag) =	ssettag $0x2  }
0xb8: {  	s0 =	rddreg [dreg:$0x0];
	s2 =	stileid.u32  }
0xb9: {  	s1 =	rddreg [dreg:$0x1];
	p0 =	sne.s32 s2, $0x0  }
0xba: {  	s3 =	rddreg [dreg:$0x2];
	[bflag:$0x3] =	sbarrier.arrive $0xFFFF;
	s2 =	simm.s32 @!p0 $0x1C03  }
0xbb: {  	[timem:s3], [sflag:s2] =	dma.local @!p0 [hbm:s0], s1  }
0xbc: {  	s0 =	simm.s32 @!p0 $0x3  }
0xbd: {  	_ =	swait.ge @!p0 [sflag:s0], s1  }
0xbe: {  	s1 =	ssub.s32 @!p0 $0x0, s1;
	[sflag:s0] =	ssyncset.done @!p0 $0x0  }
0xbf: {  	[sflag:s0] =	ssyncadd.s32 @!p0 s1  }
0xc0: {  	[bflag:$0x3] =	sbarrier.arrive $0xFFFF  }
0xc1: {  	_ =	shalt  }

// kernel: kernel.8.cloned.1.call-start
scs
__scs_entry_jumppad:
0x0: {  	(pc) =	sbr.rel $0x88, $3  }
0x1: {  	(tag) =	ssettag $0x0;
	lr =	simm.s32 $0x1  }
0x2: {  	[smem:$0x3F99] =	sst lr;
	_ =	strace $0xD0000000  }
0x3: {  	_ = 	snop  }
0x4: {  	_ = 	snop  }
0x5: {  	_ = 	snop  }
0x6: {  	_ = 	snop  }
0x7: {  	_ = 	snop  }
__scs_overlays_trampoline_lowered:
0x8: {  	[smem:$0x3FA8] =	sst s0  }
0x9: {  	[smem:$0x3FA9] =	sst s1  }
0xa: {  	[smem:$0x3FAA] =	sst s2  }
0xb: {  	[smem:$0x3FAB] =	sst s3  }
0xc: {  	[smem:$0x3FAC] =	sst s4  }
0xd: {  	[smem:$0x3FAD] =	sst s5  }
0xe: {  	[smem:$0x3FAE] =	sst s6  }
0xf: {  	[smem:$0x3FAF] =	sst s7  }
0x10: {  	[smem:$0x3FB0] =	sst s8  }
0x11: {  	[smem:$0x3FB1] =	sst s9;
	s0 =	simm.s32 @!p0 $0x0  }
0x12: {  	s1 =	sld [smem:$0x3F97];
	s0 =	simm.s32 @p0 $0x1  }
0x13: {  	[smem:$0x3FB2] =	sst s0;
	s0 =	simm.s32 @!p1 $0x0  }
0x14: {  	s2 =	sld [smem:$0x3F96];
	s0 =	simm.s32 @p1 $0x1  }
0x15: {  	[smem:$0x3FB3] =	sst s0;
	s0 =	simm.s32 @!p2 $0x0  }
0x16: {  	s3 =	sld [smem:$0x3FDB];
	s0 =	simm.s32 @p2 $0x1  }
0x17: {  	s4 =	simm.s32 $0x1BF5;
	[smem:$0x3FB5] =	sst s0  }
0x18: {  	s0 =	sld [smem:$0x3F98];
	_ =	swait.ge [sflag:s4], $0x0  }
0x19: {  	s7 =	sld [smem:$0x3F99]  }
0x1a: {  	s8 =	sadd.s32 $0xFFFFE003, lr  }
0x1b: {  	s9 =	sadd.s32 $0xFFFFFEF7, lr;
	s5 =	simm.s32 $0xFFFFFFFF;
	p2 =	slt.u32 s8, $0xFFFFF086  }
0x1c: {  	p1 =	slt.u32 s9, $0xF7A;
	s5 =	simm.s32 @!p2 $0x0  }
0x1d: {  	s5 =	simm.s32 @p1 $0x1;
	p0 =	seq.s32 s7, s2  }
0x1e: {  	s7 =	smul.u32 @!p0 $0xF7A, s2;
	p2 =	seq.s32 @!p0 s5, $0x0  }
0x1f: {  	s9 =	smul.u32 $0xF7A, s1;
	s8 =	simm.s32 @!p0 $0x1BF5;
	p2 =	por !p2, p0  }
0x20: {  	[sflag:s8] =	ssyncset.s32 @!p0 $0xFFFFF086;
	s6 =	sadd.s32 @!p0 s3, s7;
	s7 =	simm.s32 @!p0 $0x108  }
0x21: {  	s3 =	sadd.s32 s3, s9;
	s6 =	sadd.s32 @!p0 $0x88, s6;
	s7 =	simm.s32 @p2 $0x1082  }
0x22: {  	[simem:s7], [sflag:s8] =	dma.local @!p0 [hbm:s6], $0xF7A  }
0x23: {  	s9 =	sor.u32 $0xD0000000, s2;
	s6 =	simm.s32 $0x108;
	_ =	swait.ge @!p0 [sflag:s8], $0x0  }
0x24: {  	s3 =	sadd.s32 $0x88, s3;
	s6 =	simm.s32 @!p1 $0x1082;
	[sflag:s4] =	ssyncset.s32 $0xFFFFF086  }
0x25: {  	[simem:s6], [sflag:s4] =	dma.local [hbm:s3], $0xF7A  }
0x26: {  	[smem:$0x3F99] =	sst s1;
	(tag) =	ssettag s2;
	_ =	strace s9  }
0x27: {  	s1 =	sld [smem:$0x3FA9]  }
0x28: {  	s2 =	sld [smem:$0x3FAA]  }
0x29: {  	s4 =	sld [smem:$0x3FAC]  }
0x2a: {  	p0 =	seq.s32 s5, $0x0;
	s5 =	sld [smem:$0x3FAD]  }
0x2b: {  	s6 =	sld [smem:$0x3FAE]  }
0x2c: {  	s7 =	sld [smem:$0x3FAF]  }
0x2d: {  	s3 =	simm.s32 $0x108;
	s8 =	sld [smem:$0x3FB0]  }
0x2e: {  	s3 =	simm.s32 @!p0 $0x1082;
	s9 =	sld [smem:$0x3FB1]  }
0x2f: {  	lr =	sadd.s32 s0, s3;
	s0 =	sld [smem:$0x3FA8]  }
0x30: {  	s3 =	sld [smem:$0x3FAB]  }
0x31: {  	[smem:$0x3FB4] =	sst s10  }
0x32: {  	s10 =	sld [smem:$0x3FB2];
	_ =	sdelay $0x3  }
0x33: {  	p0 =	seq.s32 s10, $0x1;
	s10 =	sld [smem:$0x3FB4];
	_ =	sdelay $0x3  }
0x34: {  	[smem:$0x3FB4] =	sst s10  }
0x35: {  	s10 =	sld [smem:$0x3FB3];
	_ =	sdelay $0x3  }
0x36: {  	p1 =	seq.s32 s10, $0x1;
	s10 =	sld [smem:$0x3FB4];
	_ =	sdelay $0x3  }
0x37: {  	[smem:$0x3FB4] =	sst s10  }
0x38: {  	s10 =	sld [smem:$0x3FB5]  }
0x39: {  	_ = 	snop;
	(pc) =	sbr.ind lr, $3  }
0x3a: {  	_ = 	snop  }
0x3b: {  	_ = 	snop  }
0x3c: {  	p2 =	seq.s32 s10, $0x1;
	s10 =	sld [smem:$0x3FB4]  }
0x3d: {  	_ =	shalt  }
0x3e: {  	_ =	shalt  }
0x3f: {  	_ =	shalt  }
0x40: {  	_ =	shalt  }
0x41: {  	_ =	shalt  }
0x42: {  	_ =	shalt  }
0x43: {  	_ =	shalt  }
0x44: {  	_ =	shalt  }
0x45: {  	_ =	shalt  }
0x46: {  	_ =	shalt  }
0x47: {  	_ =	shalt  }
0x48: {  	_ =	shalt  }
0x49: {  	_ =	shalt  }
0x4a: {  	_ =	shalt  }
0x4b: {  	_ =	shalt  }
0x4c: {  	_ =	shalt  }
0x4d: {  	_ =	shalt  }
0x4e: {  	_ =	shalt  }
0x4f: {  	_ =	shalt  }
0x50: {  	_ =	shalt  }
0x51: {  	_ =	shalt  }
0x52: {  	_ =	shalt  }
0x53: {  	_ =	shalt  }
0x54: {  	_ =	shalt  }
0x55: {  	_ =	shalt  }
0x56: {  	_ =	shalt  }
0x57: {  	_ =	shalt  }
0x58: {  	_ =	shalt  }
0x59: {  	_ =	shalt  }
0x5a: {  	_ =	shalt  }
0x5b: {  	_ =	shalt  }
0x5c: {  	_ =	shalt  }
0x5d: {  	_ =	shalt  }
0x5e: {  	_ =	shalt  }
0x5f: {  	_ =	shalt  }
0x60: {  	_ =	shalt  }
0x61: {  	_ =	shalt  }
0x62: {  	_ =	shalt  }
0x63: {  	_ =	shalt  }
0x64: {  	_ =	shalt  }
0x65: {  	_ =	shalt  }
0x66: {  	_ =	shalt  }
0x67: {  	_ =	shalt  }
0x68: {  	_ =	shalt  }
0x69: {  	_ =	shalt  }
0x6a: {  	_ =	shalt  }
0x6b: {  	_ =	shalt  }
0x6c: {  	_ =	shalt  }
0x6d: {  	_ =	shalt  }
0x6e: {  	_ =	shalt  }
0x6f: {  	_ =	shalt  }
0x70: {  	_ =	shalt  }
0x71: {  	_ =	shalt  }
0x72: {  	_ =	shalt  }
0x73: {  	_ =	shalt  }
0x74: {  	_ =	shalt  }
0x75: {  	_ =	shalt  }
0x76: {  	_ =	shalt  }
0x77: {  	_ =	shalt  }
0x78: {  	_ =	shalt  }
0x79: {  	_ =	shalt  }
0x7a: {  	_ =	shalt  }
0x7b: {  	_ =	shalt  }
0x7c: {  	_ =	shalt  }
0x7d: {  	_ =	shalt  }
0x7e: {  	_ =	shalt  }
0x7f: {  	_ =	shalt  }
0x80: {  	_ =	shalt  }
0x81: {  	_ =	shalt  }
0x82: {  	_ =	shalt  }
0x83: {  	_ =	shalt  }
0x84: {  	_ =	shalt  }
0x85: {  	_ =	shalt  }
0x86: {  	_ =	shalt  }
0x87: {  	_ =	shalt  }
.Lfunc_end0:
.L_simem_size_0:
called_computation_lowered:
.L_overlay_start_0:
0x88: {  	s2 =	sld [smem:$0x3FD9]  }
0x89: {  	s3 =	sld [smem:$0x3FFE];
	_ =	sdelay $0x1  }
0x8a: {  	s1 =	srdreg.scid  }
0x8b: {  	s0 =	sand.u32 $0x1, s1  }
0x8c: {  	s14 =	sshll.u32 s0, $0xA;
	s2 =	sadd.s32 s3, s2  }
0x8d: {  	s2 =	sadd.s32 s2, s14  }
0x8e: {  	[smem:$0x3FC0] =	sst s2  }
0x8f: {  	_ = 	snop  }
0x90: {  	s2 =	sld [smem:$0x3FD0];
	_ =	sdelay $0x2  }
0x91: {  	s15 =	simm.s32 $0xA;
	s4 =	simm.s32 $0x10  }
0x92: {  	[smem:s4], [sflag:s15] =	dma.local [hbm:s2], $0x1  }
0x93: {  	_ =	swait.eq [sflag:s15], $0x1  }
0x94: {  	[sflag:s15] =	ssyncset.done $0x0  }
0x95: {  	[sflag:s15] =	ssyncadd.s32 $0xFFFFFFFF  }
0x96: {  	s16 =	sld [smem:$0x11];
	(tm) =	ssettm $0x1  }
0x97: {  	s17 =	sld [smem:$0x3FFB];
	_ =	sdelay $0x3  }
0x98: {  	_ =	strace s17  }
0x99: {  	s3 =	sld [smem:$0x3FFC];
	_ =	sdelay $0x3  }
0x9a: {  	_ =	strace s3  }
0x9b: {  	s3 =	sld [smem:$0x3FFD];
	_ =	sdelay $0x3  }
0x9c: {  	_ =	strace s3  }
0x9d: {  	_ =	strace $0x8FFFFFFF  }
0x9e: {  	s18 =	sld [smem:$0x3FDB];
	_ =	sdelay $0x1  }
0x9f: {  	s19 =	simm.s32 $_scs_section_size  }
0xa0: {  	s5 =	simm.s32 $_size__tile_overlayer_lowered;
	s6 =	simm.s32 $_tile_overlayer_lowered  }
0xa1: {  	s22 =	simm.s32 $0x1BFF;
	s21 =	sshll.u32 s6, $0x1;
	s3 =	sadd.s32 s19, s18  }
0xa2: {  	s7 =	simm.s32 $0x0;
	s20 =	sshll.u32 s5, $0x1;
	s5 =	sadd.s32 s21, s3  }
0xa3: {  	[timem:s7], [sflag:s22] =	dma.local [hbm:s5], s20  }
0xa4: {  	_ =	swait.ge [sflag:s22], s20  }
0xa5: {  	s4 =	ssub.s32 $0x0, s20;
	[sflag:s22] =	ssyncset.done $0x0  }
0xa6: {  	[sflag:s22] =	ssyncadd.s32 s4;
	_ =	sdelay $0x1  }
0xa7: {  	s23 =	simm.s32 $0x1B8B  }
0xa8: {  	_ =	swait.ge [sflag:s23], $0x1  }
0xa9: {  	[sflag:s23] =	ssyncset.done $0x0  }
0xaa: {  	s25 =	simm.s32 $0x1B8E;
	s24 =	sld [smem:$0x3FFE];
	[sflag:s23] =	ssyncadd.s32 $0xFFFFFFFF  }
0xab: {  	s26 =	simm.s32 $execute0_lowered;
	[smem:$0x3FD2] =	sst s25  }
0xac: {  	s5 =	sshll.u32 s26, $0x1;
	_ =	strace $0x80000046;
	[dreg:$0x1] =	wrdreg $0xFFFFFFFF  }
0xad: {  	s28 =	simm.s32 $_size_execute0_lowered;
	s3 =	sadd.s32 s3, s5;
	[dreg:$0x0] =	wrdreg $0x0  }
0xae: {  	s5 =	sshll.u32 s28, $0x1;
	[dreg:$0x2] =	wrdreg s3  }
0xaf: {  	[dreg:$0x3] =	wrdreg s5  }
0xb0: {  	[dreg:$0x4] =	wrdreg $0xC0  }
0xb1: {  	_ =	task [dreg:s7], $0x5FFFF  }
0xb2: {  	[dreg:$0x1] =	wrdreg $0xFFFFFFFF  }
0xb3: {  	[dreg:$0x0] =	wrdreg $0x60  }
0xb4: {  	[dreg:$0x2] =	wrdreg s24  }
0xb5: {  	[dreg:$0x3] =	wrdreg s16  }
0xb6: {  	[dreg:$0x4] =	wrdreg $0x0  }
0xb7: {  	[dreg:$0x5] =	wrdreg $0x9  }
0xb8: {  	_ =	task.clear_ibuf [dreg:s7], $0x6FFFF;
	_ =	strace $0x90000046  }
0xb9: {  	s29 =	simm.s32 $0x9;
	_ =	strace $0x80000048  }
0xba: {  	_ =	swait.ge [sflag:s29], $0x1  }
0xbb: {  	[sflag:s29] =	ssyncadd.s32 $0xFFFFFFFF  }
0xbc: {  	_ =	strace $0x90000048  }
0xbd: {  	_ =	sfence  }
0xbe: {  	s30 =	sld [smem:$0x0];
	_ =	sdelay $0x2  }
0xbf: {  	s31 =	sshll.u32 s1, $0xD;
	s1 =	sshrl.u32 s1, $0x2  }
0xc0: {  	s3 =	sand.u32 $0x4000, s31;
	s1 =	sadd.s32 s1, s30  }
0xc1: {  	s0 =	sor.u32 s3, s0;
	s1 =	sshll.u32 s1, $0x11  }
0xc2: {  	s0 =	sor.u32 s1, s0  }
0xc3: {  	s0 =	sadd.s32 $0x8F2B, s0  }
0xc4: {  	[sflag:s0] =	ssyncadd.remote.s32 $0x1  }
0xc5: {  	_ =	sfence.sel $0xFFFF  }
0xc6: {  	[dreg:$0x0] =	wrdreg $0xFFFFFFFF;
	(pc) =	sbr.abs _section_cstart, $3  }
0xc7: {  	[dreg:$0x1] =	wrdreg $0xFFFFFFFF  }
0xc8: {  	_ =	task.clear_ibuf [dreg:s7], $0x2FFFF;
	_ =	strace $0x9FFFFFFF  }
0xc9: {  	(tm) =	ssettm $0x7FFFFFFF  }
tec
execute0_lowered:
.L_overlay_start_1:
0x0: {  	(tag) =	ssettag $0x1  }
0x1: {  	s4 =	rddreg [dreg:$0x0]  }
0x2: {  	s0 =	srdreg.scid;
	s6 =	rddreg [dreg:$0x1]  }
0x3: {  	s2 =	rddreg [dreg:$0x2];
	s1 =	stileid.u32  }
0x4: {  	s3 =	simm.s32 $0x0;
	s11 =	simm.s32 $0x80;
	s12 =	simm.s32 $0x2D00  }
0x5: {  	s15 =	simm.s32 $0x20;
	s16 =	simm.s32 $0x10;
	s17 =	simm.s32 $0x0  }
0x6: {  	s5 =	sand.u32 $0x1, s0;
	s0 =	rddreg [dreg:$0x3];
	s8 =	smul.u32 $0x500, s1  }
0x7: {  	[smem:$0x7FF] =	sst s3;
	s10 =	smul.u32 $0xA00, s1;
	s13 =	sshll.u32 s1, $0x6  }
0x8: {  	s7 =	sshll.u32 s5, $0x4;
	_ =	strace $0x80000047;
	s9 =	ssub.s32 $0x2, s5  }
0x9: {  	s5 =	sshll.u32 s5, $0x7;
	s13 =	sor.u32 $0x1C01, s13;
	s7 =	sor.u32 s1, s7  }
0xa: {  	s28 =	sshrl.u32 s9, $0x1;
	s5 =	sor.u32 s5, s8;
	s30 =	sshrl.u32 s10, $0x2  }
0xb: {  	s8 =	simm.s32 $0x2A80;
	s10 =	simm.s32 $0x280;
	s7 =	smul.u32 $0x500, s7  }
0xc: {  	s29 =	ssub.s32 s9, s28;
	s31 =	sshrl.u32 s5, $0x3;
	s9 =	simm.s32 $0x1  }
0xd: {  	s6 =	sadd.s32 s6, s31;
	s7 =	sadd.s32 s7, s4;
	s4 =	sadd.s32 s30, s2  }
0xe: {  	v0 =	vimm.f32 $0.0e+00;
	v1 =	vimm.f32 $1.000000000e+00;
	s5 =	sadd.s32 $0x2E00, s7;
	s7 =	smax.u32 s29, $0x1;
	s14 =	sshrl.u32 s4, $0x3  }
.LBB2_1:
0xf: {  	[tilespmem:$0x2A80] =	vst v0  }
0x10: {  	[tilespmem:$0x2A90] =	vst v0  }
0x11: {  	[tilespmem:$0x2AA0] =	vst v0  }
0x12: {  	[tilespmem:$0x2AB0] =	vst v0  }
0x13: {  	[tilespmem:$0x2AC0] =	vst v0  }
0x14: {  	[tilespmem:$0x2AD0] =	vst v0  }
0x15: {  	[tilespmem:$0x2AE0] =	vst v0  }
0x16: {  	[tilespmem:$0x2AF0] =	vst v0  }
0x17: {  	[tilespmem:$0x2B00] =	vst v0  }
0x18: {  	[tilespmem:$0x2B10] =	vst v0  }
0x19: {  	[tilespmem:$0x2B20] =	vst v0  }
0x1a: {  	[tilespmem:$0x2B30] =	vst v0  }
0x1b: {  	[tilespmem:$0x2B40] =	vst v0  }
0x1c: {  	[tilespmem:$0x2B50] =	vst v0  }
0x1d: {  	[tilespmem:$0x2B60] =	vst v0  }
0x1e: {  	[tilespmem:$0x2B70] =	vst v0  }
0x1f: {  	[tilespmem:$0x2B80] =	vst v0  }
0x20: {  	[tilespmem:$0x2B90] =	vst v0  }
0x21: {  	[tilespmem:$0x2BA0] =	vst v0  }
0x22: {  	[tilespmem:$0x2BB0] =	vst v0  }
0x23: {  	[tilespmem:$0x2BC0] =	vst v0  }
0x24: {  	[tilespmem:$0x2BD0] =	vst v0  }
0x25: {  	[tilespmem:$0x2BE0] =	vst v0  }
0x26: {  	[tilespmem:$0x2BF0] =	vst v0  }
0x27: {  	[tilespmem:$0x2C00] =	vst v0  }
0x28: {  	[tilespmem:$0x2C10] =	vst v0  }
0x29: {  	[tilespmem:$0x2C20] =	vst v0  }
0x2a: {  	[tilespmem:$0x2C30] =	vst v0  }
0x2b: {  	[tilespmem:$0x2C40] =	vst v0  }
0x2c: {  	[tilespmem:$0x2C50] =	vst v0  }
0x2d: {  	[tilespmem:$0x2C60] =	vst v0  }
0x2e: {  	[tilespmem:$0x2C70] =	vst v0  }
0x2f: {  	[tilespmem:$0x2C80] =	vst v0  }
0x30: {  	[tilespmem:$0x2C90] =	vst v0  }
0x31: {  	[tilespmem:$0x2CA0] =	vst v0  }
0x32: {  	[tilespmem:$0x2CB0] =	vst v0  }
0x33: {  	[tilespmem:$0x2CC0] =	vst v0  }
0x34: {  	[tilespmem:$0x2CD0] =	vst v0  }
0x35: {  	[tilespmem:$0x2CE0] =	vst v0  }
0x36: {  	[tilespmem:$0x2CF0] =	vst v0  }
0x37: {  	[tilespmem:$0x2D00] =	vst v1  }
0x38: {  	[tilespmem:$0x2D10] =	vst v1  }
0x39: {  	[tilespmem:$0x2D20] =	vst v1  }
0x3a: {  	[tilespmem:$0x2D30] =	vst v1  }
0x3b: {  	[tilespmem:$0x2D40] =	vst v1  }
0x3c: {  	[tilespmem:$0x2D50] =	vst v1  }
0x3d: {  	[tilespmem:$0x2D60] =	vst v1  }
0x3e: {  	[tilespmem:$0x2D70] =	vst v1  }
0x3f: {  	[spmem:s4] =	stream.linear.scatter [tilespmem:s8], [sflag:$0x1], $0x280, $0x38;
	[tilespmem:$0x2D80] =	vst v63  }
0x40: {  	_ =	swait.ge [sflag:s9], $0x280  }
0x41: {  	[sflag:s9] =	ssyncset.done $0x0  }
0x42: {  	[sflag:s9] =	ssyncadd.s32 $0xFFFFFD80  }
0x43: {  	[tilespmem:s10], [sflag:$0x1] =	stream.linear.gather [hbm4b:s5+s3], $0x2800, $0x38;
	[tilespmem:$0x2D80] =	vst v63  }
0x44: {  	_ =	swait.ge [sflag:s9], $0x2800  }
0x45: {  	[sflag:s9] =	ssyncset.done $0x0  }
0x46: {  	[sflag:s9] =	ssyncadd.s32 $0xFFFFD800  }
0x47: {  	s18 =	simm.s32 $0x280;
	[bflag:$0x0] =	sbarrier.arrive $0xFFFF  }
0x48: {  	[spmem:s2] =	stream.indirect.scatter.add.f32 [tilespmem:s12], [sflag:$0x1], $0x1, s18, s11, $0xb8;
	[tilespmem:$0x2D80] =	vst v63  }
0x49: {  	s18 =	simm.s32 $0x200;
	_ =	swait.ge [sflag:s9], $0x80  }
.LBB2_2:
0x4a: {  	s19 =	sshra.s32 s18, $0x2;
	[sflag:s9] =	ssyncset.done $0x0;
	p0 =	sne.s32 s18, $0x4E00  }
.Ltmp0:
0x4b: {  	s19 =	sadd.s32 $0x280, s19;
	[sflag:s9] =	ssyncadd.s32 $0xFFFFFF80;
	(pc) =	sbr.rel @p0 .LBB2_2-.Ltmp0, $3  }
0x4c: {  	[spmem:s2] =	stream.indirect.scatter.add.f32 [tilespmem:s12], [sflag:$0x1], $0x1, s19, s11, $0xb8;
	[tilespmem:$0x2D80] =	vst v63  }
0x4d: {  	s18 =	sadd.s32 $0x200, s18;
	_ =	sdelay $0x1  }
0x4e: {  	_ =	swait.ge [sflag:s9], $0x80  }
0x4f: {  	[sflag:s9] =	ssyncset.done $0x0  }
0x50: {  	s18 =	simm.s32 $0x1680;
	[sflag:s9] =	ssyncadd.s32 $0xFFFFFF80  }
0x51: {  	[spmem:s2] =	stream.indirect.scatter.add.f32 [tilespmem:s12], [sflag:$0x1], $0x1, s18, s11, $0xb8;
	[tilespmem:$0x2D80] =	vst v63  }
0x52: {  	s18 =	simm.s32 $0x200;
	_ =	swait.ge [sflag:s9], $0x80  }
.LBB2_4:
0x53: {  	s19 =	sshra.s32 s18, $0x2;
	[sflag:s9] =	ssyncset.done $0x0;
	p0 =	sne.s32 s18, $0x4E00  }
.Ltmp1:
0x54: {  	s19 =	sadd.s32 $0x1680, s19;
	[sflag:s9] =	ssyncadd.s32 $0xFFFFFF80;
	(pc) =	sbr.rel @p0 .LBB2_4-.Ltmp1, $3  }
0x55: {  	[spmem:s2] =	stream.indirect.scatter.add.f32 [tilespmem:s12], [sflag:$0x1], $0x1, s19, s11, $0xb8;
	[tilespmem:$0x2D80] =	vst v63  }
0x56: {  	s18 =	sadd.s32 $0x200, s18;
	_ =	sdelay $0x1  }
0x57: {  	_ =	swait.ge [sflag:s9], $0x80  }
0x58: {  	[sflag:s9] =	ssyncset.done $0x0;
	s17 =	sadd.s32 $0x1, s17  }
0x59: {  	[sflag:s9] =	ssyncadd.s32 $0xFFFFFF80;
	p0 =	sne.s32 s17, s7  }
.Ltmp2:
0x5a: {  	[bflag:$0x0] =	sbarrier.arrive $0xFFFF;
	(pc) =	sbr.rel @p0 .LBB2_1-.Ltmp2, $4  }
0x5b: {  	[hbm:s6@s15], [sflag:s13] =	dma.strided [spmem:s14@s16], $0x50, s9, $0x10   }
0x5c: {  	_ =	swait.ge [sflag:s9], $0x50  }
0x5d: {  	[sflag:s9] =	ssyncset.done $0x0  }
0x5e: {  	[sflag:s9] =	ssyncadd.s32 $0xFFFFFFB0  }
0x5f: {  	_ =	sfence.sel $0x180000  }
0x60: {  	[bflag:$0x0] =	sbarrier.arrive $0xFFFF  }
0x61: {  	p0 =	sne.s32 s1, $0x0;
	_ =	strace $0x90000047  }
0x62: {  	s0 =	sadd.s32 @!p0 $0x100000, s0;
	[bflag:$0x2] =	sbarrier.arrive $0xFFFF  }
0x63: {  	[sflag:s0] =	ssyncadd.tile.s32 @!p0 $0x1;
	_ =	shalt  }
.Lfunc_end2:
_tile_overlayer_lowered:
.L_overlay_start_2:
0x64: {  	(tag) =	ssettag $0x2  }
0x65: {  	s0 =	rddreg [dreg:$0x0];
	s2 =	stileid.u32  }
0x66: {  	s1 =	rddreg [dreg:$0x1];
	p0 =	sne.s32 s2, $0x0  }
0x67: {  	s3 =	rddreg [dreg:$0x2];
	[bflag:$0x3] =	sbarrier.arrive $0xFFFF;
	s2 =	simm.s32 @!p0 $0x1C01  }
0x68: {  	[timem:s3], [sflag:s2] =	dma.local @!p0 [hbm:s0], s1  }
0x69: {  	s0 =	simm.s32 @!p0 $0x1  }
0x6a: {  	_ =	swait.ge @!p0 [sflag:s0], s1  }
0x6b: {  	s1 =	ssub.s32 @!p0 $0x0, s1;
	[sflag:s0] =	ssyncset.done @!p0 $0x0  }
0x6c: {  	[sflag:s0] =	ssyncadd.s32 @!p0 s1  }
0x6d: {  	[bflag:$0x3] =	sbarrier.arrive $0xFFFF  }
0x6e: {  	_ =	shalt  }

</sc_bundles>
